<compile_context>
chip_gen: v7x
topology: tpu7x:2x2x1
jax: 0.10.2.dev20260603
libtpu: 0.0.44.dev20260713+nightly
codegen_flags: <defaults>
</compile_context>

<pallas_src>
import functools
import jax
import jax.numpy as jnp
from jax import lax
from jax.experimental import pallas as pl
from jax.experimental.pallas import tpu as pltpu, tpu_sc as plsc

N, D, E, R, H = 2048, 1024, 8, 16, 256
BN = 512
GRID = N // BN
NW = 32
TPW = N // NW
NG = TPW // 16

_mesh = plsc.VectorSubcoreMesh(core_axis_name="c", subcore_axis_name="s")


def _gate_body(x_ref, wg1_ref, bg1_ref, wg2_ref, bg2_ref, lg_ref):
    xb = x_ref[...]
    h = jax.lax.dot_general(xb, wg1_ref[...], (((1,), (1,)), ((), ())),
                            preferred_element_type=jnp.float32)
    h = jnp.maximum(h + bg1_ref[...], 0.0)
    logits = jax.lax.dot_general(wg2_ref[...], h, (((1,), (1,)), ((), ())),
                                 preferred_element_type=jnp.float32)
    lg_ref[...] = logits + bg2_ref[...]


@functools.partial(
    pl.kernel, mesh=_mesh,
    out_type=[
        jax.ShapeDtypeStruct((E * N,), jnp.float32),
        jax.ShapeDtypeStruct((NW * E * 16,), jnp.float32),
        jax.ShapeDtypeStruct((NW * E * 16,), jnp.float32),
    ],
    scratch_types=[
        pltpu.VMEM((E, TPW), jnp.float32),
        pltpu.VMEM((E, TPW), jnp.float32),
        pltpu.VMEM((E * 16,), jnp.float32),
        pltpu.VMEM((E * 16,), jnp.float32),
    ],
)
def _sc_route(logits_hbm, wt_hbm, pm_hbm, pp_hbm, lg_v, wt_v, pm_v, pp_v):
    wid = lax.axis_index("s") * 2 + lax.axis_index("c")
    base = wid * TPW
    for e in range(E):
        pltpu.sync_copy(logits_hbm.at[pl.ds(e * N + base, TPW)], lg_v.at[e])
    accm = [jnp.zeros((16,), jnp.float32) for _ in range(E)]
    accp = [jnp.zeros((16,), jnp.float32) for _ in range(E)]
    for g in range(NG):
        v = [lg_v[e, pl.ds(g * 16, 16)] for e in range(E)]
        m1 = v[0]
        i1 = jnp.zeros((16,), jnp.int32)
        for e in range(1, E):
            take = v[e] > m1
            m1 = jnp.where(take, v[e], m1)
            i1 = jnp.where(take, e, i1)
        m2 = jnp.full((16,), -jnp.inf, jnp.float32)
        i2 = jnp.zeros((16,), jnp.int32)
        for e in range(E):
            take = (v[e] > m2) & (i1 != e)
            m2 = jnp.where(take, v[e], m2)
            i2 = jnp.where(take, e, i2)
        a = jnp.exp(m2 - m1)
        g1 = 1.0 / (1.0 + a)
        g2 = 1.0 - g1
        ex = [jnp.exp(v[e] - m1) for e in range(E)]
        s = ex[0]
        for e in range(1, E):
            s = s + ex[e]
        inv = 1.0 / s
        for e in range(E):
            sel1 = i1 == e
            sel2 = i2 == e
            we = jnp.where(sel1, g1, 0.0) + jnp.where(sel2, g2, 0.0)
            wt_v[e, pl.ds(g * 16, 16)] = we
            accm[e] = (accm[e] + jnp.where(sel1, 1.0, 0.0)
                       + jnp.where(sel2, 1.0, 0.0))
            accp[e] = accp[e] + ex[e] * inv
    for e in range(E):
        pm_v[pl.ds(e * 16, 16)] = accm[e]
        pp_v[pl.ds(e * 16, 16)] = accp[e]
    for e in range(E):
        pltpu.sync_copy(wt_v.at[e], wt_hbm.at[pl.ds(e * N + base, TPW)])
    pltpu.sync_copy(pm_v, pm_hbm.at[pl.ds(wid * E * 16, E * 16)])
    pltpu.sync_copy(pp_v, pp_hbm.at[pl.ds(wid * E * 16, E * 16)])


def _main_body(x_ref, wf_ref, a_ref, b_ref, bias_ref, wt_ref, pm_ref, pp_ref,
               out_ref, loss_ref):
    step = pl.program_id(0)
    xb = x_ref[...]
    of = jax.lax.dot_general(xb, wf_ref[...], (((1,), (1,)), ((), ())),
                             preferred_element_type=jnp.float32)
    xa = jax.lax.dot_general(xb, a_ref[...], (((1,), (1,)), ((), ())),
                             preferred_element_type=jnp.float32)

    rows = jax.lax.broadcasted_iota(jnp.int32, (E, E * R), 0)
    cols = jax.lax.broadcasted_iota(jnp.int32, (E, E * R), 1)
    sel = (cols // R == rows).astype(jnp.float32)
    w_wide = jax.lax.dot_general(wt_ref[...], sel, (((0,), (0,)), ((), ())),
                                 preferred_element_type=jnp.float32)

    eo = jax.lax.dot_general(xa * w_wide, b_ref[...], (((1,), (0,)), ((), ())),
                             preferred_element_type=jnp.float32)
    out_ref[...] = of + eo + bias_ref[...]

    @pl.when(step == GRID - 1)
    def _():
        am = pm_ref[0:E, :]
        ap = pp_ref[0:E, :]
        for wkr in range(1, NW):
            am = am + pm_ref[wkr * E:(wkr + 1) * E, :]
            ap = ap + pp_ref[wkr * E:(wkr + 1) * E, :]
        am1 = jnp.sum(am, axis=1, keepdims=True)
        ap1 = jnp.sum(ap, axis=1, keepdims=True)
        loss = (E / (N * N)) * jnp.sum(am1 * ap1, keepdims=True)
        loss_ref[...] = loss.reshape(1, 1)


@jax.jit
def _run(x, Wg1, bg1, Wg2, bg2, weight_fixed, A_flat, B_flat, bias):
    full = lambda s: pl.BlockSpec(s, lambda i: (0, 0))
    logitsT = pl.pallas_call(
        _gate_body,
        grid=(GRID,),
        in_specs=[
            pl.BlockSpec((BN, D), lambda i: (i, 0)),
            full((H, D)),
            full((1, H)),
            full((E, H)),
            full((E, 1)),
        ],
        out_specs=pl.BlockSpec((E, BN), lambda i: (0, i)),
        out_shape=jax.ShapeDtypeStruct((E, N), jnp.float32),
        compiler_params=pltpu.CompilerParams(
            dimension_semantics=("arbitrary",)),
    )(x, Wg1, bg1.reshape(1, H), Wg2, bg2.reshape(E, 1))

    wt_f, pm_f, pp_f = _sc_route(logitsT.reshape(E * N))
    wt = wt_f.reshape(E, N)
    pm = pm_f.reshape(NW * E, 16)
    pp = pp_f.reshape(NW * E, 16)

    out, loss = pl.pallas_call(
        _main_body,
        grid=(GRID,),
        in_specs=[
            pl.BlockSpec((BN, D), lambda i: (i, 0)),
            full((D, D)),
            full((E * R, D)),
            full((E * R, D)),
            full((1, D)),
            pl.BlockSpec((E, BN), lambda i: (0, i)),
            full((NW * E, 16)),
            full((NW * E, 16)),
        ],
        out_specs=[
            pl.BlockSpec((BN, D), lambda i: (i, 0)),
            full((1, 1)),
        ],
        out_shape=[
            jax.ShapeDtypeStruct((N, D), jnp.float32),
            jax.ShapeDtypeStruct((1, 1), jnp.float32),
        ],
        compiler_params=pltpu.CompilerParams(
            dimension_semantics=("arbitrary",)),
    )(x, weight_fixed, A_flat, B_flat, bias.reshape(1, D), wt, pm, pp)
    return out, loss[0, 0]


def kernel(x, Wg1, bg1, Wg2, bg2, weight_fixed, A_all, B_all, bias):
    A_flat = A_all.reshape(E * R, D)
    B_flat = B_all.transpose(0, 2, 1).reshape(E * R, D)
    return _run(x, Wg1, bg1, Wg2, bg2, weight_fixed, A_flat, B_flat, bias)

# --- scband reference (transcript-rebuilt; emitter-appended) ---
"""Pipeline reference for scband-omni-aid-lo-ra-33337536151853 (READ-ONLY COPY).

The authoritative reference and input builder live on the scoring server;
editing this copy changes nothing except your own understanding.
"""

import jax, jax.numpy as jnp
import numpy as np

N = 2048   # tokens (batch*seq)
D = 1024   # d_model (in_features = out_features)
E = 8      # num_experts
R = 16     # lora_r_expert
H = 256    # gating hidden_dim
K = 2      # top_k


def setup_inputs(seed: int = 0) -> dict:
    key = jax.random.key(seed)
    ks = jax.random.split(key, 8)
    def nrm(k, shape, scale):
        return jax.random.normal(k, shape, dtype=jnp.float32) * scale
    return {
        "x": jax.random.normal(ks[0], (N, D), dtype=jnp.float32),
        "Wg1": nrm(ks[1], (H, D), 0.03),
        "bg1": jnp.zeros((H,), dtype=jnp.float32),
        "Wg2": nrm(ks[2], (E, H), 0.06),
        "bg2": jnp.zeros((E,), dtype=jnp.float32),
        "weight_fixed": nrm(ks[3], (D, D), 0.03),
        "A_all": nrm(ks[4], (E, R, D), 0.02),   # stacked lora_A_experts: (r, in) per expert
        "B_all": nrm(ks[5], (E, D, R), 0.02),   # stacked lora_B_experts: (out, r) per expert
        "bias": jnp.zeros((D,), dtype=jnp.float32),
    }


def reference(x, Wg1, bg1, Wg2, bg2, weight_fixed, A_all, B_all, bias):
    # --- GatingNetwork ---
    h = jax.nn.relu(x @ Wg1.T + bg1)
    logits = h @ Wg2.T + bg2                       # [N, E]
    top_k_logits, top_k_indices = jax.lax.top_k(logits, K)
    top_k_gates = jax.nn.softmax(top_k_logits, axis=-1)
    router_probs = jax.nn.softmax(logits, axis=-1)
    sparse_mask = jnp.zeros_like(logits).at[jnp.arange(logits.shape[0])[:, None], top_k_indices].set(1.0)
    tokens_per_expert = jnp.mean(sparse_mask, axis=0)
    router_prob_per_expert = jnp.mean(router_probs, axis=0)
    balance_loss = E * jnp.sum(tokens_per_expert * router_prob_per_expert)
    # --- LoRAMoeLinear ---
    output_fixed = x @ weight_fixed.T              # F.linear(x, weight_fixed)
    expert_output = jnp.zeros_like(output_fixed)
    for i in range(K):
        idx = top_k_indices[:, i]                  # [N] int
        gate = top_k_gates[:, i][:, None]          # [N, 1]
        A_batch = jnp.take(A_all, idx, axis=0)     # [N, R, D] gather
        B_batch = jnp.take(B_all, idx, axis=0)     # [N, D, R] gather
        x_a = jnp.einsum('nd,nrd->nr', x, A_batch)           # bmm(x, A^T)
        cur = jnp.einsum('nr,ndr->nd', x_a, B_batch)          # bmm(x_a, B^T)
        expert_output = expert_output + cur * gate
    final = output_fixed + expert_output + bias
    return (final, balance_loss)

if __name__ == "__main__":
    import jax
    _d = setup_inputs()
    print(jax.jit(kernel)(*tuple(_d.values())))

</pallas_src>

<mosaic_0001>
#map = affine_map<(d0, d1) -> (0)>
module attributes {stable_mosaic.version = 14 : i64} {
  func.func @_sc_route(%arg0: i32, %arg1: i32, %arg2: memref<16384xf32, #tpu.memory_space<hbm>>, %arg3: memref<16384xf32, #tpu.memory_space<hbm>>, %arg4: memref<4096xf32, #tpu.memory_space<hbm>>, %arg5: memref<4096xf32, #tpu.memory_space<hbm>>, %arg6: memref<8x64xf32, #tpu.memory_space<vmem>>, %arg7: memref<8x64xf32, #tpu.memory_space<vmem>>, %arg8: memref<128xf32, #tpu.memory_space<vmem>>, %arg9: memref<128xf32, #tpu.memory_space<vmem>>) attributes {dimension_semantics = [#tpu.dimension_semantics<core_parallel>, #tpu.dimension_semantics<subcore_parallel>], iteration_bounds = array<i64: 2, 16>, scalar_prefetch = 0 : i64, scratch_operands = 4 : i64, tpu.core_type = #tpu.core_type<sc_vector_subcore>, window_params = [{transform_indices = #map}, {transform_indices = #map}, {transform_indices = #map}, {transform_indices = #map}]} {
    %mul3A = arith.constant 2 : i32
    %mul3A_0 = arith.muli %arg1, %mul3A : i32
    %add3A = arith.addi %mul3A_0, %arg0 : i32
    %mul3A_1 = arith.constant 64 : i32
    %mul3A_2 = arith.muli %add3A, %mul3A_1 : i32
    %add3A_3 = arith.constant 0 : i32
    %add3A_4 = arith.addi %add3A_3, %mul3A_2 : i32
    %run_scoped3A = arith.constant 0 : i32
    "tpu.region"() ({
      %run_scoped3A_1958 = tpu.sem_alloc : memref<!tpu.dma_semaphore, #tpu.memory_space<semaphore_mem>>
      %dma_start3A = arith.constant 0 : i32
      %dma_start3A_1959 = tpu.memref_slice %arg6[%run_scoped3A, %dma_start3A] : memref<8x64xf32, #tpu.memory_space<vmem>> -> memref<1x64xf32, #tpu.memory_space<vmem>>
      %dma_start3A_1960 = tpu.memref_squeeze %dma_start3A_1959 : memref<1x64xf32, #tpu.memory_space<vmem>> -> memref<64xf32, #tpu.memory_space<vmem>>
      %dma_start3A_1961 = tpu.memref_slice %arg2[%add3A_4] : memref<16384xf32, #tpu.memory_space<hbm>> -> memref<64xf32, #tpu.memory_space<hbm>>
      %dma_start3A_1962 = arith.constant 0 : i32
      %dma_start3A_1963 = tpu.memref_slice %arg6[%run_scoped3A, %dma_start3A_1962] : memref<8x64xf32, #tpu.memory_space<vmem>> -> memref<1x64xf32, #tpu.memory_space<vmem>>
      %dma_start3A_1964 = tpu.memref_squeeze %dma_start3A_1963 : memref<1x64xf32, #tpu.memory_space<vmem>> -> memref<64xf32, #tpu.memory_space<vmem>>
      %dma_start3A_1965 = tpu.memref_slice %arg2[%add3A_4] : memref<16384xf32, #tpu.memory_space<hbm>> -> memref<64xf32, #tpu.memory_space<hbm>>
      tpu.enqueue_dma source(%dma_start3A_1965 : memref<64xf32, #tpu.memory_space<hbm>>) target(%dma_start3A_1964 : memref<64xf32, #tpu.memory_space<vmem>>) target_semaphore(%run_scoped3A_1958 : memref<!tpu.dma_semaphore, #tpu.memory_space<semaphore_mem>>)
      %dma_wait3A = arith.constant 0 : i32
      %dma_wait3A_1966 = tpu.memref_slice %arg6[%run_scoped3A, %dma_wait3A] : memref<8x64xf32, #tpu.memory_space<vmem>> -> memref<1x64xf32, #tpu.memory_space<vmem>>
      %dma_wait3A_1967 = tpu.memref_squeeze %dma_wait3A_1966 : memref<1x64xf32, #tpu.memory_space<vmem>> -> memref<64xf32, #tpu.memory_space<vmem>>
      %dma_wait3A_1968 = tpu.memref_slice %arg2[%add3A_4] : memref<16384xf32, #tpu.memory_space<hbm>> -> memref<64xf32, #tpu.memory_space<hbm>>
      %dma_wait3A_1969 = arith.constant 0 : i32
      %dma_wait3A_1970 = tpu.memref_slice %arg6[%run_scoped3A, %dma_wait3A_1969] : memref<8x64xf32, #tpu.memory_space<vmem>> -> memref<1x64xf32, #tpu.memory_space<vmem>>
      %dma_wait3A_1971 = tpu.memref_squeeze %dma_wait3A_1970 : memref<1x64xf32, #tpu.memory_space<vmem>> -> memref<64xf32, #tpu.memory_space<vmem>>
      %dma_wait3A_1972 = tpu.memref_slice %arg2[%add3A_4] : memref<16384xf32, #tpu.memory_space<hbm>> -> memref<64xf32, #tpu.memory_space<hbm>>
      tpu.wait_dma2 semaphore(%run_scoped3A_1958 : memref<!tpu.dma_semaphore, #tpu.memory_space<semaphore_mem>>) src(%dma_wait3A_1972 : memref<64xf32, #tpu.memory_space<hbm>>) dst(%dma_wait3A_1971 : memref<64xf32, #tpu.memory_space<vmem>>)
      tpu.yield
    }) : () -> ()
    %add3A_5 = arith.constant 2048 : i32
    %add3A_6 = arith.addi %add3A_5, %mul3A_2 : i32
    %run_scoped3A_7 = arith.constant 1 : i32
    "tpu.region"() ({
      %run_scoped3A_1958 = tpu.sem_alloc : memref<!tpu.dma_semaphore, #tpu.memory_space<semaphore_mem>>
      %dma_start3A = arith.constant 0 : i32
      %dma_start3A_1959 = tpu.memref_slice %arg6[%run_scoped3A_7, %dma_start3A] : memref<8x64xf32, #tpu.memory_space<vmem>> -> memref<1x64xf32, #tpu.memory_space<vmem>>
      %dma_start3A_1960 = tpu.memref_squeeze %dma_start3A_1959 : memref<1x64xf32, #tpu.memory_space<vmem>> -> memref<64xf32, #tpu.memory_space<vmem>>
      %dma_start3A_1961 = tpu.memref_slice %arg2[%add3A_6] : memref<16384xf32, #tpu.memory_space<hbm>> -> memref<64xf32, #tpu.memory_space<hbm>>
      %dma_start3A_1962 = arith.constant 0 : i32
      %dma_start3A_1963 = tpu.memref_slice %arg6[%run_scoped3A_7, %dma_start3A_1962] : memref<8x64xf32, #tpu.memory_space<vmem>> -> memref<1x64xf32, #tpu.memory_space<vmem>>
      %dma_start3A_1964 = tpu.memref_squeeze %dma_start3A_1963 : memref<1x64xf32, #tpu.memory_space<vmem>> -> memref<64xf32, #tpu.memory_space<vmem>>
      %dma_start3A_1965 = tpu.memref_slice %arg2[%add3A_6] : memref<16384xf32, #tpu.memory_space<hbm>> -> memref<64xf32, #tpu.memory_space<hbm>>
      tpu.enqueue_dma source(%dma_start3A_1965 : memref<64xf32, #tpu.memory_space<hbm>>) target(%dma_start3A_1964 : memref<64xf32, #tpu.memory_space<vmem>>) target_semaphore(%run_scoped3A_1958 : memref<!tpu.dma_semaphore, #tpu.memory_space<semaphore_mem>>)
      %dma_wait3A = arith.constant 0 : i32
      %dma_wait3A_1966 = tpu.memref_slice %arg6[%run_scoped3A_7, %dma_wait3A] : memref<8x64xf32, #tpu.memory_space<vmem>> -> memref<1x64xf32, #tpu.memory_space<vmem>>
      %dma_wait3A_1967 = tpu.memref_squeeze %dma_wait3A_1966 : memref<1x64xf32, #tpu.memory_space<vmem>> -> memref<64xf32, #tpu.memory_space<vmem>>
      %dma_wait3A_1968 = tpu.memref_slice %arg2[%add3A_6] : memref<16384xf32, #tpu.memory_space<hbm>> -> memref<64xf32, #tpu.memory_space<hbm>>
      %dma_wait3A_1969 = arith.constant 0 : i32
      %dma_wait3A_1970 = tpu.memref_slice %arg6[%run_scoped3A_7, %dma_wait3A_1969] : memref<8x64xf32, #tpu.memory_space<vmem>> -> memref<1x64xf32, #tpu.memory_space<vmem>>
      %dma_wait3A_1971 = tpu.memref_squeeze %dma_wait3A_1970 : memref<1x64xf32, #tpu.memory_space<vmem>> -> memref<64xf32, #tpu.memory_space<vmem>>
      %dma_wait3A_1972 = tpu.memref_slice %arg2[%add3A_6] : memref<16384xf32, #tpu.memory_space<hbm>> -> memref<64xf32, #tpu.memory_space<hbm>>
      tpu.wait_dma2 semaphore(%run_scoped3A_1958 : memref<!tpu.dma_semaphore, #tpu.memory_space<semaphore_mem>>) src(%dma_wait3A_1972 : memref<64xf32, #tpu.memory_space<hbm>>) dst(%dma_wait3A_1971 : memref<64xf32, #tpu.memory_space<vmem>>)
      tpu.yield
    }) : () -> ()
    %add3A_8 = arith.constant 4096 : i32
    %add3A_9 = arith.addi %add3A_8, %mul3A_2 : i32
    %run_scoped3A_10 = arith.constant 2 : i32
    "tpu.region"() ({
      %run_scoped3A_1958 = tpu.sem_alloc : memref<!tpu.dma_semaphore, #tpu.memory_space<semaphore_mem>>
      %dma_start3A = arith.constant 0 : i32
      %dma_start3A_1959 = tpu.memref_slice %arg6[%run_scoped3A_10, %dma_start3A] : memref<8x64xf32, #tpu.memory_space<vmem>> -> memref<1x64xf32, #tpu.memory_space<vmem>>
      %dma_start3A_1960 = tpu.memref_squeeze %dma_start3A_1959 : memref<1x64xf32, #tpu.memory_space<vmem>> -> memref<64xf32, #tpu.memory_space<vmem>>
      %dma_start3A_1961 = tpu.memref_slice %arg2[%add3A_9] : memref<16384xf32, #tpu.memory_space<hbm>> -> memref<64xf32, #tpu.memory_space<hbm>>
      %dma_start3A_1962 = arith.constant 0 : i32
      %dma_start3A_1963 = tpu.memref_slice %arg6[%run_scoped3A_10, %dma_start3A_1962] : memref<8x64xf32, #tpu.memory_space<vmem>> -> memref<1x64xf32, #tpu.memory_space<vmem>>
      %dma_start3A_1964 = tpu.memref_squeeze %dma_start3A_1963 : memref<1x64xf32, #tpu.memory_space<vmem>> -> memref<64xf32, #tpu.memory_space<vmem>>
      %dma_start3A_1965 = tpu.memref_slice %arg2[%add3A_9] : memref<16384xf32, #tpu.memory_space<hbm>> -> memref<64xf32, #tpu.memory_space<hbm>>
      tpu.enqueue_dma source(%dma_start3A_1965 : memref<64xf32, #tpu.memory_space<hbm>>) target(%dma_start3A_1964 : memref<64xf32, #tpu.memory_space<vmem>>) target_semaphore(%run_scoped3A_1958 : memref<!tpu.dma_semaphore, #tpu.memory_space<semaphore_mem>>)
      %dma_wait3A = arith.constant 0 : i32
      %dma_wait3A_1966 = tpu.memref_slice %arg6[%run_scoped3A_10, %dma_wait3A] : memref<8x64xf32, #tpu.memory_space<vmem>> -> memref<1x64xf32, #tpu.memory_space<vmem>>
      %dma_wait3A_1967 = tpu.memref_squeeze %dma_wait3A_1966 : memref<1x64xf32, #tpu.memory_space<vmem>> -> memref<64xf32, #tpu.memory_space<vmem>>
      %dma_wait3A_1968 = tpu.memref_slice %arg2[%add3A_9] : memref<16384xf32, #tpu.memory_space<hbm>> -> memref<64xf32, #tpu.memory_space<hbm>>
      %dma_wait3A_1969 = arith.constant 0 : i32
      %dma_wait3A_1970 = tpu.memref_slice %arg6[%run_scoped3A_10, %dma_wait3A_1969] : memref<8x64xf32, #tpu.memory_space<vmem>> -> memref<1x64xf32, #tpu.memory_space<vmem>>
      %dma_wait3A_1971 = tpu.memref_squeeze %dma_wait3A_1970 : memref<1x64xf32, #tpu.memory_space<vmem>> -> memref<64xf32, #tpu.memory_space<vmem>>
      %dma_wait3A_1972 = tpu.memref_slice %arg2[%add3A_9] : memref<16384xf32, #tpu.memory_space<hbm>> -> memref<64xf32, #tpu.memory_space<hbm>>
      tpu.wait_dma2 semaphore(%run_scoped3A_1958 : memref<!tpu.dma_semaphore, #tpu.memory_space<semaphore_mem>>) src(%dma_wait3A_1972 : memref<64xf32, #tpu.memory_space<hbm>>) dst(%dma_wait3A_1971 : memref<64xf32, #tpu.memory_space<vmem>>)
      tpu.yield
    }) : () -> ()
    %add3A_11 = arith.constant 6144 : i32
    %add3A_12 = arith.addi %add3A_11, %mul3A_2 : i32
    %run_scoped3A_13 = arith.constant 3 : i32
    "tpu.region"() ({
      %run_scoped3A_1958 = tpu.sem_alloc : memref<!tpu.dma_semaphore, #tpu.memory_space<semaphore_mem>>
      %dma_start3A = arith.constant 0 : i32
      %dma_start3A_1959 = tpu.memref_slice %arg6[%run_scoped3A_13, %dma_start3A] : memref<8x64xf32, #tpu.memory_space<vmem>> -> memref<1x64xf32, #tpu.memory_space<vmem>>
      %dma_start3A_1960 = tpu.memref_squeeze %dma_start3A_1959 : memref<1x64xf32, #tpu.memory_space<vmem>> -> memref<64xf32, #tpu.memory_space<vmem>>
      %dma_start3A_1961 = tpu.memref_slice %arg2[%add3A_12] : memref<16384xf32, #tpu.memory_space<hbm>> -> memref<64xf32, #tpu.memory_space<hbm>>
      %dma_start3A_1962 = arith.constant 0 : i32
      %dma_start3A_1963 = tpu.memref_slice %arg6[%run_scoped3A_13, %dma_start3A_1962] : memref<8x64xf32, #tpu.memory_space<vmem>> -> memref<1x64xf32, #tpu.memory_space<vmem>>
      %dma_start3A_1964 = tpu.memref_squeeze %dma_start3A_1963 : memref<1x64xf32, #tpu.memory_space<vmem>> -> memref<64xf32, #tpu.memory_space<vmem>>
      %dma_start3A_1965 = tpu.memref_slice %arg2[%add3A_12] : memref<16384xf32, #tpu.memory_space<hbm>> -> memref<64xf32, #tpu.memory_space<hbm>>
      tpu.enqueue_dma source(%dma_start3A_1965 : memref<64xf32, #tpu.memory_space<hbm>>) target(%dma_start3A_1964 : memref<64xf32, #tpu.memory_space<vmem>>) target_semaphore(%run_scoped3A_1958 : memref<!tpu.dma_semaphore, #tpu.memory_space<semaphore_mem>>)
      %dma_wait3A = arith.constant 0 : i32
      %dma_wait3A_1966 = tpu.memref_slice %arg6[%run_scoped3A_13, %dma_wait3A] : memref<8x64xf32, #tpu.memory_space<vmem>> -> memref<1x64xf32, #tpu.memory_space<vmem>>
      %dma_wait3A_1967 = tpu.memref_squeeze %dma_wait3A_1966 : memref<1x64xf32, #tpu.memory_space<vmem>> -> memref<64xf32, #tpu.memory_space<vmem>>
      %dma_wait3A_1968 = tpu.memref_slice %arg2[%add3A_12] : memref<16384xf32, #tpu.memory_space<hbm>> -> memref<64xf32, #tpu.memory_space<hbm>>
      %dma_wait3A_1969 = arith.constant 0 : i32
      %dma_wait3A_1970 = tpu.memref_slice %arg6[%run_scoped3A_13, %dma_wait3A_1969] : memref<8x64xf32, #tpu.memory_space<vmem>> -> memref<1x64xf32, #tpu.memory_space<vmem>>
      %dma_wait3A_1971 = tpu.memref_squeeze %dma_wait3A_1970 : memref<1x64xf32, #tpu.memory_space<vmem>> -> memref<64xf32, #tpu.memory_space<vmem>>
      %dma_wait3A_1972 = tpu.memref_slice %arg2[%add3A_12] : memref<16384xf32, #tpu.memory_space<hbm>> -> memref<64xf32, #tpu.memory_space<hbm>>
      tpu.wait_dma2 semaphore(%run_scoped3A_1958 : memref<!tpu.dma_semaphore, #tpu.memory_space<semaphore_mem>>) src(%dma_wait3A_1972 : memref<64xf32, #tpu.memory_space<hbm>>) dst(%dma_wait3A_1971 : memref<64xf32, #tpu.memory_space<vmem>>)
      tpu.yield
    }) : () -> ()
    %add3A_14 = arith.constant 8192 : i32
    %add3A_15 = arith.addi %add3A_14, %mul3A_2 : i32
    %run_scoped3A_16 = arith.constant 4 : i32
    "tpu.region"() ({
      %run_scoped3A_1958 = tpu.sem_alloc : memref<!tpu.dma_semaphore, #tpu.memory_space<semaphore_mem>>
      %dma_start3A = arith.constant 0 : i32
      %dma_start3A_1959 = tpu.memref_slice %arg6[%run_scoped3A_16, %dma_start3A] : memref<8x64xf32, #tpu.memory_space<vmem>> -> memref<1x64xf32, #tpu.memory_space<vmem>>
      %dma_start3A_1960 = tpu.memref_squeeze %dma_start3A_1959 : memref<1x64xf32, #tpu.memory_space<vmem>> -> memref<64xf32, #tpu.memory_space<vmem>>
      %dma_start3A_1961 = tpu.memref_slice %arg2[%add3A_15] : memref<16384xf32, #tpu.memory_space<hbm>> -> memref<64xf32, #tpu.memory_space<hbm>>
      %dma_start3A_1962 = arith.constant 0 : i32
      %dma_start3A_1963 = tpu.memref_slice %arg6[%run_scoped3A_16, %dma_start3A_1962] : memref<8x64xf32, #tpu.memory_space<vmem>> -> memref<1x64xf32, #tpu.memory_space<vmem>>
      %dma_start3A_1964 = tpu.memref_squeeze %dma_start3A_1963 : memref<1x64xf32, #tpu.memory_space<vmem>> -> memref<64xf32, #tpu.memory_space<vmem>>
      %dma_start3A_1965 = tpu.memref_slice %arg2[%add3A_15] : memref<16384xf32, #tpu.memory_space<hbm>> -> memref<64xf32, #tpu.memory_space<hbm>>
      tpu.enqueue_dma source(%dma_start3A_1965 : memref<64xf32, #tpu.memory_space<hbm>>) target(%dma_start3A_1964 : memref<64xf32, #tpu.memory_space<vmem>>) target_semaphore(%run_scoped3A_1958 : memref<!tpu.dma_semaphore, #tpu.memory_space<semaphore_mem>>)
      %dma_wait3A = arith.constant 0 : i32
      %dma_wait3A_1966 = tpu.memref_slice %arg6[%run_scoped3A_16, %dma_wait3A] : memref<8x64xf32, #tpu.memory_space<vmem>> -> memref<1x64xf32, #tpu.memory_space<vmem>>
      %dma_wait3A_1967 = tpu.memref_squeeze %dma_wait3A_1966 : memref<1x64xf32, #tpu.memory_space<vmem>> -> memref<64xf32, #tpu.memory_space<vmem>>
      %dma_wait3A_1968 = tpu.memref_slice %arg2[%add3A_15] : memref<16384xf32, #tpu.memory_space<hbm>> -> memref<64xf32, #tpu.memory_space<hbm>>
      %dma_wait3A_1969 = arith.constant 0 : i32
      %dma_wait3A_1970 = tpu.memref_slice %arg6[%run_scoped3A_16, %dma_wait3A_1969] : memref<8x64xf32, #tpu.memory_space<vmem>> -> memref<1x64xf32, #tpu.memory_space<vmem>>
      %dma_wait3A_1971 = tpu.memref_squeeze %dma_wait3A_1970 : memref<1x64xf32, #tpu.memory_space<vmem>> -> memref<64xf32, #tpu.memory_space<vmem>>
      %dma_wait3A_1972 = tpu.memref_slice %arg2[%add3A_15] : memref<16384xf32, #tpu.memory_space<hbm>> -> memref<64xf32, #tpu.memory_space<hbm>>
      tpu.wait_dma2 semaphore(%run_scoped3A_1958 : memref<!tpu.dma_semaphore, #tpu.memory_space<semaphore_mem>>) src(%dma_wait3A_1972 : memref<64xf32, #tpu.memory_space<hbm>>) dst(%dma_wait3A_1971 : memref<64xf32, #tpu.memory_space<vmem>>)
      tpu.yield
    }) : () -> ()
    %add3A_17 = arith.constant 10240 : i32
    %add3A_18 = arith.addi %add3A_17, %mul3A_2 : i32
    %run_scoped3A_19 = arith.constant 5 : i32
    "tpu.region"() ({
      %run_scoped3A_1958 = tpu.sem_alloc : memref<!tpu.dma_semaphore, #tpu.memory_space<semaphore_mem>>
      %dma_start3A = arith.constant 0 : i32
      %dma_start3A_1959 = tpu.memref_slice %arg6[%run_scoped3A_19, %dma_start3A] : memref<8x64xf32, #tpu.memory_space<vmem>> -> memref<1x64xf32, #tpu.memory_space<vmem>>
      %dma_start3A_1960 = tpu.memref_squeeze %dma_start3A_1959 : memref<1x64xf32, #tpu.memory_space<vmem>> -> memref<64xf32, #tpu.memory_space<vmem>>
      %dma_start3A_1961 = tpu.memref_slice %arg2[%add3A_18] : memref<16384xf32, #tpu.memory_space<hbm>> -> memref<64xf32, #tpu.memory_space<hbm>>
      %dma_start3A_1962 = arith.constant 0 : i32
      %dma_start3A_1963 = tpu.memref_slice %arg6[%run_scoped3A_19, %dma_start3A_1962] : memref<8x64xf32, #tpu.memory_space<vmem>> -> memref<1x64xf32, #tpu.memory_space<vmem>>
      %dma_start3A_1964 = tpu.memref_squeeze %dma_start3A_1963 : memref<1x64xf32, #tpu.memory_space<vmem>> -> memref<64xf32, #tpu.memory_space<vmem>>
      %dma_start3A_1965 = tpu.memref_slice %arg2[%add3A_18] : memref<16384xf32, #tpu.memory_space<hbm>> -> memref<64xf32, #tpu.memory_space<hbm>>
      tpu.enqueue_dma source(%dma_start3A_1965 : memref<64xf32, #tpu.memory_space<hbm>>) target(%dma_start3A_1964 : memref<64xf32, #tpu.memory_space<vmem>>) target_semaphore(%run_scoped3A_1958 : memref<!tpu.dma_semaphore, #tpu.memory_space<semaphore_mem>>)
      %dma_wait3A = arith.constant 0 : i32
      %dma_wait3A_1966 = tpu.memref_slice %arg6[%run_scoped3A_19, %dma_wait3A] : memref<8x64xf32, #tpu.memory_space<vmem>> -> memref<1x64xf32, #tpu.memory_space<vmem>>
      %dma_wait3A_1967 = tpu.memref_squeeze %dma_wait3A_1966 : memref<1x64xf32, #tpu.memory_space<vmem>> -> memref<64xf32, #tpu.memory_space<vmem>>
      %dma_wait3A_1968 = tpu.memref_slice %arg2[%add3A_18] : memref<16384xf32, #tpu.memory_space<hbm>> -> memref<64xf32, #tpu.memory_space<hbm>>
      %dma_wait3A_1969 = arith.constant 0 : i32
      %dma_wait3A_1970 = tpu.memref_slice %arg6[%run_scoped3A_19, %dma_wait3A_1969] : memref<8x64xf32, #tpu.memory_space<vmem>> -> memref<1x64xf32, #tpu.memory_space<vmem>>
      %dma_wait3A_1971 = tpu.memref_squeeze %dma_wait3A_1970 : memref<1x64xf32, #tpu.memory_space<vmem>> -> memref<64xf32, #tpu.memory_space<vmem>>
      %dma_wait3A_1972 = tpu.memref_slice %arg2[%add3A_18] : memref<16384xf32, #tpu.memory_space<hbm>> -> memref<64xf32, #tpu.memory_space<hbm>>
      tpu.wait_dma2 semaphore(%run_scoped3A_1958 : memref<!tpu.dma_semaphore, #tpu.memory_space<semaphore_mem>>) src(%dma_wait3A_1972 : memref<64xf32, #tpu.memory_space<hbm>>) dst(%dma_wait3A_1971 : memref<64xf32, #tpu.memory_space<vmem>>)
      tpu.yield
    }) : () -> ()
    %add3A_20 = arith.constant 12288 : i32
    %add3A_21 = arith.addi %add3A_20, %mul3A_2 : i32
    %run_scoped3A_22 = arith.constant 6 : i32
    "tpu.region"() ({
      %run_scoped3A_1958 = tpu.sem_alloc : memref<!tpu.dma_semaphore, #tpu.memory_space<semaphore_mem>>
      %dma_start3A = arith.constant 0 : i32
      %dma_start3A_1959 = tpu.memref_slice %arg6[%run_scoped3A_22, %dma_start3A] : memref<8x64xf32, #tpu.memory_space<vmem>> -> memref<1x64xf32, #tpu.memory_space<vmem>>
      %dma_start3A_1960 = tpu.memref_squeeze %dma_start3A_1959 : memref<1x64xf32, #tpu.memory_space<vmem>> -> memref<64xf32, #tpu.memory_space<vmem>>
      %dma_start3A_1961 = tpu.memref_slice %arg2[%add3A_21] : memref<16384xf32, #tpu.memory_space<hbm>> -> memref<64xf32, #tpu.memory_space<hbm>>
      %dma_start3A_1962 = arith.constant 0 : i32
      %dma_start3A_1963 = tpu.memref_slice %arg6[%run_scoped3A_22, %dma_start3A_1962] : memref<8x64xf32, #tpu.memory_space<vmem>> -> memref<1x64xf32, #tpu.memory_space<vmem>>
      %dma_start3A_1964 = tpu.memref_squeeze %dma_start3A_1963 : memref<1x64xf32, #tpu.memory_space<vmem>> -> memref<64xf32, #tpu.memory_space<vmem>>
      %dma_start3A_1965 = tpu.memref_slice %arg2[%add3A_21] : memref<16384xf32, #tpu.memory_space<hbm>> -> memref<64xf32, #tpu.memory_space<hbm>>
      tpu.enqueue_dma source(%dma_start3A_1965 : memref<64xf32, #tpu.memory_space<hbm>>) target(%dma_start3A_1964 : memref<64xf32, #tpu.memory_space<vmem>>) target_semaphore(%run_scoped3A_1958 : memref<!tpu.dma_semaphore, #tpu.memory_space<semaphore_mem>>)
      %dma_wait3A = arith.constant 0 : i32
      %dma_wait3A_1966 = tpu.memref_slice %arg6[%run_scoped3A_22, %dma_wait3A] : memref<8x64xf32, #tpu.memory_space<vmem>> -> memref<1x64xf32, #tpu.memory_space<vmem>>
      %dma_wait3A_1967 = tpu.memref_squeeze %dma_wait3A_1966 : memref<1x64xf32, #tpu.memory_space<vmem>> -> memref<64xf32, #tpu.memory_space<vmem>>
      %dma_wait3A_1968 = tpu.memref_slice %arg2[%add3A_21] : memref<16384xf32, #tpu.memory_space<hbm>> -> memref<64xf32, #tpu.memory_space<hbm>>
      %dma_wait3A_1969 = arith.constant 0 : i32
      %dma_wait3A_1970 = tpu.memref_slice %arg6[%run_scoped3A_22, %dma_wait3A_1969] : memref<8x64xf32, #tpu.memory_space<vmem>> -> memref<1x64xf32, #tpu.memory_space<vmem>>
      %dma_wait3A_1971 = tpu.memref_squeeze %dma_wait3A_1970 : memref<1x64xf32, #tpu.memory_space<vmem>> -> memref<64xf32, #tpu.memory_space<vmem>>
      %dma_wait3A_1972 = tpu.memref_slice %arg2[%add3A_21] : memref<16384xf32, #tpu.memory_space<hbm>> -> memref<64xf32, #tpu.memory_space<hbm>>
      tpu.wait_dma2 semaphore(%run_scoped3A_1958 : memref<!tpu.dma_semaphore, #tpu.memory_space<semaphore_mem>>) src(%dma_wait3A_1972 : memref<64xf32, #tpu.memory_space<hbm>>) dst(%dma_wait3A_1971 : memref<64xf32, #tpu.memory_space<vmem>>)
      tpu.yield
    }) : () -> ()
    %add3A_23 = arith.constant 14336 : i32
    %add3A_24 = arith.addi %add3A_23, %mul3A_2 : i32
    %run_scoped3A_25 = arith.constant 7 : i32
    "tpu.region"() ({
      %run_scoped3A_1958 = tpu.sem_alloc : memref<!tpu.dma_semaphore, #tpu.memory_space<semaphore_mem>>
      %dma_start3A = arith.constant 0 : i32
      %dma_start3A_1959 = tpu.memref_slice %arg6[%run_scoped3A_25, %dma_start3A] : memref<8x64xf32, #tpu.memory_space<vmem>> -> memref<1x64xf32, #tpu.memory_space<vmem>>
      %dma_start3A_1960 = tpu.memref_squeeze %dma_start3A_1959 : memref<1x64xf32, #tpu.memory_space<vmem>> -> memref<64xf32, #tpu.memory_space<vmem>>
      %dma_start3A_1961 = tpu.memref_slice %arg2[%add3A_24] : memref<16384xf32, #tpu.memory_space<hbm>> -> memref<64xf32, #tpu.memory_space<hbm>>
      %dma_start3A_1962 = arith.constant 0 : i32
      %dma_start3A_1963 = tpu.memref_slice %arg6[%run_scoped3A_25, %dma_start3A_1962] : memref<8x64xf32, #tpu.memory_space<vmem>> -> memref<1x64xf32, #tpu.memory_space<vmem>>
      %dma_start3A_1964 = tpu.memref_squeeze %dma_start3A_1963 : memref<1x64xf32, #tpu.memory_space<vmem>> -> memref<64xf32, #tpu.memory_space<vmem>>
      %dma_start3A_1965 = tpu.memref_slice %arg2[%add3A_24] : memref<16384xf32, #tpu.memory_space<hbm>> -> memref<64xf32, #tpu.memory_space<hbm>>
      tpu.enqueue_dma source(%dma_start3A_1965 : memref<64xf32, #tpu.memory_space<hbm>>) target(%dma_start3A_1964 : memref<64xf32, #tpu.memory_space<vmem>>) target_semaphore(%run_scoped3A_1958 : memref<!tpu.dma_semaphore, #tpu.memory_space<semaphore_mem>>)
      %dma_wait3A = arith.constant 0 : i32
      %dma_wait3A_1966 = tpu.memref_slice %arg6[%run_scoped3A_25, %dma_wait3A] : memref<8x64xf32, #tpu.memory_space<vmem>> -> memref<1x64xf32, #tpu.memory_space<vmem>>
      %dma_wait3A_1967 = tpu.memref_squeeze %dma_wait3A_1966 : memref<1x64xf32, #tpu.memory_space<vmem>> -> memref<64xf32, #tpu.memory_space<vmem>>
      %dma_wait3A_1968 = tpu.memref_slice %arg2[%add3A_24] : memref<16384xf32, #tpu.memory_space<hbm>> -> memref<64xf32, #tpu.memory_space<hbm>>
      %dma_wait3A_1969 = arith.constant 0 : i32
      %dma_wait3A_1970 = tpu.memref_slice %arg6[%run_scoped3A_25, %dma_wait3A_1969] : memref<8x64xf32, #tpu.memory_space<vmem>> -> memref<1x64xf32, #tpu.memory_space<vmem>>
      %dma_wait3A_1971 = tpu.memref_squeeze %dma_wait3A_1970 : memref<1x64xf32, #tpu.memory_space<vmem>> -> memref<64xf32, #tpu.memory_space<vmem>>
      %dma_wait3A_1972 = tpu.memref_slice %arg2[%add3A_24] : memref<16384xf32, #tpu.memory_space<hbm>> -> memref<64xf32, #tpu.memory_space<hbm>>
      tpu.wait_dma2 semaphore(%run_scoped3A_1958 : memref<!tpu.dma_semaphore, #tpu.memory_space<semaphore_mem>>) src(%dma_wait3A_1972 : memref<64xf32, #tpu.memory_space<hbm>>) dst(%dma_wait3A_1971 : memref<64xf32, #tpu.memory_space<vmem>>)
      tpu.yield
    }) : () -> ()
    %broadcast_in_dim3A = arith.constant 0.000000e+00 : f32
    %broadcast_in_dim3A_26 = vector.broadcast %broadcast_in_dim3A : f32 to vector<16xf32>
    %broadcast_in_dim3A_27 = arith.constant 0.000000e+00 : f32
    %broadcast_in_dim3A_28 = vector.broadcast %broadcast_in_dim3A_27 : f32 to vector<16xf32>
    %broadcast_in_dim3A_29 = arith.constant 0.000000e+00 : f32
    %broadcast_in_dim3A_30 = vector.broadcast %broadcast_in_dim3A_29 : f32 to vector<16xf32>
    %broadcast_in_dim3A_31 = arith.constant 0.000000e+00 : f32
    %broadcast_in_dim3A_32 = vector.broadcast %broadcast_in_dim3A_31 : f32 to vector<16xf32>
    %broadcast_in_dim3A_33 = arith.constant 0.000000e+00 : f32
    %broadcast_in_dim3A_34 = vector.broadcast %broadcast_in_dim3A_33 : f32 to vector<16xf32>
    %broadcast_in_dim3A_35 = arith.constant 0.000000e+00 : f32
    %broadcast_in_dim3A_36 = vector.broadcast %broadcast_in_dim3A_35 : f32 to vector<16xf32>
    %broadcast_in_dim3A_37 = arith.constant 0.000000e+00 : f32
    %broadcast_in_dim3A_38 = vector.broadcast %broadcast_in_dim3A_37 : f32 to vector<16xf32>
    %broadcast_in_dim3A_39 = arith.constant 0.000000e+00 : f32
    %broadcast_in_dim3A_40 = vector.broadcast %broadcast_in_dim3A_39 : f32 to vector<16xf32>
    %broadcast_in_dim3A_41 = arith.constant 0.000000e+00 : f32
    %broadcast_in_dim3A_42 = vector.broadcast %broadcast_in_dim3A_41 : f32 to vector<16xf32>
    %broadcast_in_dim3A_43 = arith.constant 0.000000e+00 : f32
    %broadcast_in_dim3A_44 = vector.broadcast %broadcast_in_dim3A_43 : f32 to vector<16xf32>
    %broadcast_in_dim3A_45 = arith.constant 0.000000e+00 : f32
    %broadcast_in_dim3A_46 = vector.broadcast %broadcast_in_dim3A_45 : f32 to vector<16xf32>
    %broadcast_in_dim3A_47 = arith.constant 0.000000e+00 : f32
    %broadcast_in_dim3A_48 = vector.broadcast %broadcast_in_dim3A_47 : f32 to vector<16xf32>
    %broadcast_in_dim3A_49 = arith.constant 0.000000e+00 : f32
    %broadcast_in_dim3A_50 = vector.broadcast %broadcast_in_dim3A_49 : f32 to vector<16xf32>
    %broadcast_in_dim3A_51 = arith.constant 0.000000e+00 : f32
    %broadcast_in_dim3A_52 = vector.broadcast %broadcast_in_dim3A_51 : f32 to vector<16xf32>
    %broadcast_in_dim3A_53 = arith.constant 0.000000e+00 : f32
    %broadcast_in_dim3A_54 = vector.broadcast %broadcast_in_dim3A_53 : f32 to vector<16xf32>
    %broadcast_in_dim3A_55 = arith.constant 0.000000e+00 : f32
    %broadcast_in_dim3A_56 = vector.broadcast %broadcast_in_dim3A_55 : f32 to vector<16xf32>
    %get3A = arith.constant 0 : i32
    %get3A_57 = arith.index_cast %get3A : i32 to index
    %get3A_58 = arith.constant 0 : index
    %get3A_59 = tpu.vector_load %arg6[%get3A_57, %get3A_58] {strides = array<i32>} : memref<8x64xf32, #tpu.memory_space<vmem>>, vector<1x16xf32>,
    %get3A_60 = vector.shape_cast %get3A_59 : vector<1x16xf32> to vector<16xf32>
    %get3A_61 = arith.constant 1 : i32
    %get3A_62 = arith.index_cast %get3A_61 : i32 to index
    %get3A_63 = arith.constant 0 : index
    %get3A_64 = tpu.vector_load %arg6[%get3A_62, %get3A_63] {strides = array<i32>} : memref<8x64xf32, #tpu.memory_space<vmem>>, vector<1x16xf32>,
    %get3A_65 = vector.shape_cast %get3A_64 : vector<1x16xf32> to vector<16xf32>
    %get3A_66 = arith.constant 2 : i32
    %get3A_67 = arith.index_cast %get3A_66 : i32 to index
    %get3A_68 = arith.constant 0 : index
    %get3A_69 = tpu.vector_load %arg6[%get3A_67, %get3A_68] {strides = array<i32>} : memref<8x64xf32, #tpu.memory_space<vmem>>, vector<1x16xf32>,
    %get3A_70 = vector.shape_cast %get3A_69 : vector<1x16xf32> to vector<16xf32>
    %get3A_71 = arith.constant 3 : i32
    %get3A_72 = arith.index_cast %get3A_71 : i32 to index
    %get3A_73 = arith.constant 0 : index
    %get3A_74 = tpu.vector_load %arg6[%get3A_72, %get3A_73] {strides = array<i32>} : memref<8x64xf32, #tpu.memory_space<vmem>>, vector<1x16xf32>,
    %get3A_75 = vector.shape_cast %get3A_74 : vector<1x16xf32> to vector<16xf32>
    %get3A_76 = arith.constant 4 : i32
    %get3A_77 = arith.index_cast %get3A_76 : i32 to index
    %get3A_78 = arith.constant 0 : index
    %get3A_79 = tpu.vector_load %arg6[%get3A_77, %get3A_78] {strides = array<i32>} : memref<8x64xf32, #tpu.memory_space<vmem>>, vector<1x16xf32>,
    %get3A_80 = vector.shape_cast %get3A_79 : vector<1x16xf32> to vector<16xf32>
    %get3A_81 = arith.constant 5 : i32
    %get3A_82 = arith.index_cast %get3A_81 : i32 to index
    %get3A_83 = arith.constant 0 : index
    %get3A_84 = tpu.vector_load %arg6[%get3A_82, %get3A_83] {strides = array<i32>} : memref<8x64xf32, #tpu.memory_space<vmem>>, vector<1x16xf32>,
    %get3A_85 = vector.shape_cast %get3A_84 : vector<1x16xf32> to vector<16xf32>
    %get3A_86 = arith.constant 6 : i32
    %get3A_87 = arith.index_cast %get3A_86 : i32 to index
    %get3A_88 = arith.constant 0 : index
    %get3A_89 = tpu.vector_load %arg6[%get3A_87, %get3A_88] {strides = array<i32>} : memref<8x64xf32, #tpu.memory_space<vmem>>, vector<1x16xf32>,
    %get3A_90 = vector.shape_cast %get3A_89 : vector<1x16xf32> to vector<16xf32>
    %get3A_91 = arith.constant 7 : i32
    %get3A_92 = arith.index_cast %get3A_91 : i32 to index
    %get3A_93 = arith.constant 0 : index
    %get3A_94 = tpu.vector_load %arg6[%get3A_92, %get3A_93] {strides = array<i32>} : memref<8x64xf32, #tpu.memory_space<vmem>>, vector<1x16xf32>,
    %get3A_95 = vector.shape_cast %get3A_94 : vector<1x16xf32> to vector<16xf32>
    %broadcast_in_dim3A_96 = arith.constant 0 : i32
    %broadcast_in_dim3A_97 = vector.broadcast %broadcast_in_dim3A_96 : i32 to vector<16xi32>
    %gt3A = arith.cmpf ogt, %get3A_65, %get3A_60 : vector<16xf32>
    %select_n3A = arith.select %gt3A, %get3A_65, %get3A_60 : vector<16xi1>, vector<16xf32>
    %jit3A = arith.constant 1 : i32
    %broadcast_in_dim3A_98 = vector.broadcast %jit3A : i32 to vector<16xi32>
    %select_n3A_99 = arith.select %gt3A, %broadcast_in_dim3A_98, %broadcast_in_dim3A_97 : vector<16xi1>, vector<16xi32>
    %gt3A_100 = arith.cmpf ogt, %get3A_70, %select_n3A : vector<16xf32>
    %select_n3A_101 = arith.select %gt3A_100, %get3A_70, %select_n3A : vector<16xi1>, vector<16xf32>
    %jit3A_102 = arith.constant 2 : i32
    %broadcast_in_dim3A_103 = vector.broadcast %jit3A_102 : i32 to vector<16xi32>
    %select_n3A_104 = arith.select %gt3A_100, %broadcast_in_dim3A_103, %select_n3A_99 : vector<16xi1>, vector<16xi32>
    %gt3A_105 = arith.cmpf ogt, %get3A_75, %select_n3A_101 : vector<16xf32>
    %select_n3A_106 = arith.select %gt3A_105, %get3A_75, %select_n3A_101 : vector<16xi1>, vector<16xf32>
    %jit3A_107 = arith.constant 3 : i32
    %broadcast_in_dim3A_108 = vector.broadcast %jit3A_107 : i32 to vector<16xi32>
    %select_n3A_109 = arith.select %gt3A_105, %broadcast_in_dim3A_108, %select_n3A_104 : vector<16xi1>, vector<16xi32>
    %gt3A_110 = arith.cmpf ogt, %get3A_80, %select_n3A_106 : vector<16xf32>
    %select_n3A_111 = arith.select %gt3A_110, %get3A_80, %select_n3A_106 : vector<16xi1>, vector<16xf32>
    %jit3A_112 = arith.constant 4 : i32
    %broadcast_in_dim3A_113 = vector.broadcast %jit3A_112 : i32 to vector<16xi32>
    %select_n3A_114 = arith.select %gt3A_110, %broadcast_in_dim3A_113, %select_n3A_109 : vector<16xi1>, vector<16xi32>
    %gt3A_115 = arith.cmpf ogt, %get3A_85, %select_n3A_111 : vector<16xf32>
    %select_n3A_116 = arith.select %gt3A_115, %get3A_85, %select_n3A_111 : vector<16xi1>, vector<16xf32>
    %jit3A_117 = arith.constant 5 : i32
    %broadcast_in_dim3A_118 = vector.broadcast %jit3A_117 : i32 to vector<16xi32>
    %select_n3A_119 = arith.select %gt3A_115, %broadcast_in_dim3A_118, %select_n3A_114 : vector<16xi1>, vector<16xi32>
    %gt3A_120 = arith.cmpf ogt, %get3A_90, %select_n3A_116 : vector<16xf32>
    %select_n3A_121 = arith.select %gt3A_120, %get3A_90, %select_n3A_116 : vector<16xi1>, vector<16xf32>
    %jit3A_122 = arith.constant 6 : i32
    %broadcast_in_dim3A_123 = vector.broadcast %jit3A_122 : i32 to vector<16xi32>
    %select_n3A_124 = arith.select %gt3A_120, %broadcast_in_dim3A_123, %select_n3A_119 : vector<16xi1>, vector<16xi32>
    %gt3A_125 = arith.cmpf ogt, %get3A_95, %select_n3A_121 : vector<16xf32>
    %select_n3A_126 = arith.select %gt3A_125, %get3A_95, %select_n3A_121 : vector<16xi1>, vector<16xf32>
    %jit3A_127 = arith.constant 7 : i32
    %broadcast_in_dim3A_128 = vector.broadcast %jit3A_127 : i32 to vector<16xi32>
    %select_n3A_129 = arith.select %gt3A_125, %broadcast_in_dim3A_128, %select_n3A_124 : vector<16xi1>, vector<16xi32>
    %broadcast_in_dim3A_130 = arith.constant 0xFF800000 : f32
    %broadcast_in_dim3A_131 = vector.broadcast %broadcast_in_dim3A_130 : f32 to vector<16xf32>
    %broadcast_in_dim3A_132 = arith.constant 0 : i32
    %broadcast_in_dim3A_133 = vector.broadcast %broadcast_in_dim3A_132 : i32 to vector<16xi32>
    %gt3A_134 = arith.cmpf ogt, %get3A_60, %broadcast_in_dim3A_131 : vector<16xf32>
    %ne3A = arith.constant 0 : i32
    %ne3A_135 = vector.broadcast %ne3A : i32 to vector<16xi32>
    %ne3A_136 = arith.cmpi ne, %select_n3A_129, %ne3A_135 : vector<16xi32>
    %and3A = arith.andi %gt3A_134, %ne3A_136 : vector<16xi1>
    %select_n3A_137 = arith.select %and3A, %get3A_60, %broadcast_in_dim3A_131 : vector<16xi1>, vector<16xf32>
    %jit3A_138 = arith.constant 0 : i32
    %broadcast_in_dim3A_139 = vector.broadcast %jit3A_138 : i32 to vector<16xi32>
    %select_n3A_140 = arith.select %and3A, %broadcast_in_dim3A_139, %broadcast_in_dim3A_133 : vector<16xi1>, vector<16xi32>
    %gt3A_141 = arith.cmpf ogt, %get3A_65, %select_n3A_137 : vector<16xf32>
    %ne3A_142 = arith.constant 1 : i32
    %ne3A_143 = vector.broadcast %ne3A_142 : i32 to vector<16xi32>
    %ne3A_144 = arith.cmpi ne, %select_n3A_129, %ne3A_143 : vector<16xi32>
    %and3A_145 = arith.andi %gt3A_141, %ne3A_144 : vector<16xi1>
    %select_n3A_146 = arith.select %and3A_145, %get3A_65, %select_n3A_137 : vector<16xi1>, vector<16xf32>
    %jit3A_147 = arith.constant 1 : i32
    %broadcast_in_dim3A_148 = vector.broadcast %jit3A_147 : i32 to vector<16xi32>
    %select_n3A_149 = arith.select %and3A_145, %broadcast_in_dim3A_148, %select_n3A_140 : vector<16xi1>, vector<16xi32>
    %gt3A_150 = arith.cmpf ogt, %get3A_70, %select_n3A_146 : vector<16xf32>
    %ne3A_151 = arith.constant 2 : i32
    %ne3A_152 = vector.broadcast %ne3A_151 : i32 to vector<16xi32>
    %ne3A_153 = arith.cmpi ne, %select_n3A_129, %ne3A_152 : vector<16xi32>
    %and3A_154 = arith.andi %gt3A_150, %ne3A_153 : vector<16xi1>
    %select_n3A_155 = arith.select %and3A_154, %get3A_70, %select_n3A_146 : vector<16xi1>, vector<16xf32>
    %jit3A_156 = arith.constant 2 : i32
    %broadcast_in_dim3A_157 = vector.broadcast %jit3A_156 : i32 to vector<16xi32>
    %select_n3A_158 = arith.select %and3A_154, %broadcast_in_dim3A_157, %select_n3A_149 : vector<16xi1>, vector<16xi32>
    %gt3A_159 = arith.cmpf ogt, %get3A_75, %select_n3A_155 : vector<16xf32>
    %ne3A_160 = arith.constant 3 : i32
    %ne3A_161 = vector.broadcast %ne3A_160 : i32 to vector<16xi32>
    %ne3A_162 = arith.cmpi ne, %select_n3A_129, %ne3A_161 : vector<16xi32>
    %and3A_163 = arith.andi %gt3A_159, %ne3A_162 : vector<16xi1>
    %select_n3A_164 = arith.select %and3A_163, %get3A_75, %select_n3A_155 : vector<16xi1>, vector<16xf32>
    %jit3A_165 = arith.constant 3 : i32
    %broadcast_in_dim3A_166 = vector.broadcast %jit3A_165 : i32 to vector<16xi32>
    %select_n3A_167 = arith.select %and3A_163, %broadcast_in_dim3A_166, %select_n3A_158 : vector<16xi1>, vector<16xi32>
    %gt3A_168 = arith.cmpf ogt, %get3A_80, %select_n3A_164 : vector<16xf32>
    %ne3A_169 = arith.constant 4 : i32
    %ne3A_170 = vector.broadcast %ne3A_169 : i32 to vector<16xi32>
    %ne3A_171 = arith.cmpi ne, %select_n3A_129, %ne3A_170 : vector<16xi32>
    %and3A_172 = arith.andi %gt3A_168, %ne3A_171 : vector<16xi1>
    %select_n3A_173 = arith.select %and3A_172, %get3A_80, %select_n3A_164 : vector<16xi1>, vector<16xf32>
    %jit3A_174 = arith.constant 4 : i32
    %broadcast_in_dim3A_175 = vector.broadcast %jit3A_174 : i32 to vector<16xi32>
    %select_n3A_176 = arith.select %and3A_172, %broadcast_in_dim3A_175, %select_n3A_167 : vector<16xi1>, vector<16xi32>
    %gt3A_177 = arith.cmpf ogt, %get3A_85, %select_n3A_173 : vector<16xf32>
    %ne3A_178 = arith.constant 5 : i32
    %ne3A_179 = vector.broadcast %ne3A_178 : i32 to vector<16xi32>
    %ne3A_180 = arith.cmpi ne, %select_n3A_129, %ne3A_179 : vector<16xi32>
    %and3A_181 = arith.andi %gt3A_177, %ne3A_180 : vector<16xi1>
    %select_n3A_182 = arith.select %and3A_181, %get3A_85, %select_n3A_173 : vector<16xi1>, vector<16xf32>
    %jit3A_183 = arith.constant 5 : i32
    %broadcast_in_dim3A_184 = vector.broadcast %jit3A_183 : i32 to vector<16xi32>
    %select_n3A_185 = arith.select %and3A_181, %broadcast_in_dim3A_184, %select_n3A_176 : vector<16xi1>, vector<16xi32>
    %gt3A_186 = arith.cmpf ogt, %get3A_90, %select_n3A_182 : vector<16xf32>
    %ne3A_187 = arith.constant 6 : i32
    %ne3A_188 = vector.broadcast %ne3A_187 : i32 to vector<16xi32>
    %ne3A_189 = arith.cmpi ne, %select_n3A_129, %ne3A_188 : vector<16xi32>
    %and3A_190 = arith.andi %gt3A_186, %ne3A_189 : vector<16xi1>
    %select_n3A_191 = arith.select %and3A_190, %get3A_90, %select_n3A_182 : vector<16xi1>, vector<16xf32>
    %jit3A_192 = arith.constant 6 : i32
    %broadcast_in_dim3A_193 = vector.broadcast %jit3A_192 : i32 to vector<16xi32>
    %select_n3A_194 = arith.select %and3A_190, %broadcast_in_dim3A_193, %select_n3A_185 : vector<16xi1>, vector<16xi32>
    %gt3A_195 = arith.cmpf ogt, %get3A_95, %select_n3A_191 : vector<16xf32>
    %ne3A_196 = arith.constant 7 : i32
    %ne3A_197 = vector.broadcast %ne3A_196 : i32 to vector<16xi32>
    %ne3A_198 = arith.cmpi ne, %select_n3A_129, %ne3A_197 : vector<16xi32>
    %and3A_199 = arith.andi %gt3A_195, %ne3A_198 : vector<16xi1>
    %select_n3A_200 = arith.select %and3A_199, %get3A_95, %select_n3A_191 : vector<16xi1>, vector<16xf32>
    %jit3A_201 = arith.constant 7 : i32
    %broadcast_in_dim3A_202 = vector.broadcast %jit3A_201 : i32 to vector<16xi32>
    %select_n3A_203 = arith.select %and3A_199, %broadcast_in_dim3A_202, %select_n3A_194 : vector<16xi1>, vector<16xi32>
    %sub3A = arith.subf %select_n3A_200, %select_n3A_126 : vector<16xf32>
    %exp3A = math.exp %sub3A : vector<16xf32>
    %add3A_204 = arith.constant 1.000000e+00 : f32
    %add3A_205 = vector.broadcast %add3A_204 : f32 to vector<16xf32>
    %add3A_206 = arith.addf %add3A_205, %exp3A : vector<16xf32>
    %div3A = arith.constant 1.000000e+00 : f32
    %div3A_207 = vector.broadcast %div3A : f32 to vector<16xf32>
    %div3A_208 = arith.divf %div3A_207, %add3A_206 : vector<16xf32>
    %sub3A_209 = arith.constant 1.000000e+00 : f32
    %sub3A_210 = vector.broadcast %sub3A_209 : f32 to vector<16xf32>
    %sub3A_211 = arith.subf %sub3A_210, %div3A_208 : vector<16xf32>
    %sub3A_212 = arith.subf %get3A_60, %select_n3A_126 : vector<16xf32>
    %exp3A_213 = math.exp %sub3A_212 : vector<16xf32>
    %sub3A_214 = arith.subf %get3A_65, %select_n3A_126 : vector<16xf32>
    %exp3A_215 = math.exp %sub3A_214 : vector<16xf32>
    %sub3A_216 = arith.subf %get3A_70, %select_n3A_126 : vector<16xf32>
    %exp3A_217 = math.exp %sub3A_216 : vector<16xf32>
    %sub3A_218 = arith.subf %get3A_75, %select_n3A_126 : vector<16xf32>
    %exp3A_219 = math.exp %sub3A_218 : vector<16xf32>
    %sub3A_220 = arith.subf %get3A_80, %select_n3A_126 : vector<16xf32>
    %exp3A_221 = math.exp %sub3A_220 : vector<16xf32>
    %sub3A_222 = arith.subf %get3A_85, %select_n3A_126 : vector<16xf32>
    %exp3A_223 = math.exp %sub3A_222 : vector<16xf32>
    %sub3A_224 = arith.subf %get3A_90, %select_n3A_126 : vector<16xf32>
    %exp3A_225 = math.exp %sub3A_224 : vector<16xf32>
    %sub3A_226 = arith.subf %get3A_95, %select_n3A_126 : vector<16xf32>
    %exp3A_227 = math.exp %sub3A_226 : vector<16xf32>
    %add3A_228 = arith.addf %exp3A_213, %exp3A_215 : vector<16xf32>
    %add3A_229 = arith.addf %add3A_228, %exp3A_217 : vector<16xf32>
    %add3A_230 = arith.addf %add3A_229, %exp3A_219 : vector<16xf32>
    %add3A_231 = arith.addf %add3A_230, %exp3A_221 : vector<16xf32>
    %add3A_232 = arith.addf %add3A_231, %exp3A_223 : vector<16xf32>
    %add3A_233 = arith.addf %add3A_232, %exp3A_225 : vector<16xf32>
    %add3A_234 = arith.addf %add3A_233, %exp3A_227 : vector<16xf32>
    %div3A_235 = arith.constant 1.000000e+00 : f32
    %div3A_236 = vector.broadcast %div3A_235 : f32 to vector<16xf32>
    %div3A_237 = arith.divf %div3A_236, %add3A_234 : vector<16xf32>
    %eq3A = arith.constant 0 : i32
    %eq3A_238 = vector.broadcast %eq3A : i32 to vector<16xi32>
    %eq3A_239 = arith.cmpi eq, %select_n3A_129, %eq3A_238 : vector<16xi32>
    %eq3A_240 = arith.constant 0 : i32
    %eq3A_241 = vector.broadcast %eq3A_240 : i32 to vector<16xi32>
    %eq3A_242 = arith.cmpi eq, %select_n3A_203, %eq3A_241 : vector<16xi32>
    %jit3A_243 = arith.constant 0.000000e+00 : f32
    %broadcast_in_dim3A_244 = vector.broadcast %jit3A_243 : f32 to vector<16xf32>
    %select_n3A_245 = arith.select %eq3A_239, %div3A_208, %broadcast_in_dim3A_244 : vector<16xi1>, vector<16xf32>
    %jit3A_246 = arith.constant 0.000000e+00 : f32
    %broadcast_in_dim3A_247 = vector.broadcast %jit3A_246 : f32 to vector<16xf32>
    %select_n3A_248 = arith.select %eq3A_242, %sub3A_211, %broadcast_in_dim3A_247 : vector<16xi1>, vector<16xf32>
    %add3A_249 = arith.addf %select_n3A_245, %select_n3A_248 : vector<16xf32>
    %swap3A = arith.constant 0 : i32
    %swap3A_250 = arith.index_cast %swap3A : i32 to index
    %swap3A_251 = arith.constant 0 : index
    %swap3A_252 = tpu.vector_load %arg7[%swap3A_250, %swap3A_251] {strides = array<i32>} : memref<8x64xf32, #tpu.memory_space<vmem>>, vector<1x16xf32>,
    %swap3A_253 = vector.shape_cast %swap3A_252 : vector<1x16xf32> to vector<16xf32>
    %swap3A_254 = vector.shape_cast %add3A_249 : vector<16xf32> to vector<1x16xf32>
    tpu.vector_store %arg7[%swap3A_250, %swap3A_251], %swap3A_254 {strides = array<i32>} : memref<8x64xf32, #tpu.memory_space<vmem>>, vector<1x16xf32>,
    %jit3A_255 = arith.constant 1.000000e+00 : f32
    %jit3A_256 = arith.constant 0.000000e+00 : f32
    %broadcast_in_dim3A_257 = vector.broadcast %jit3A_255 : f32 to vector<16xf32>
    %broadcast_in_dim3A_258 = vector.broadcast %jit3A_256 : f32 to vector<16xf32>
    %select_n3A_259 = arith.select %eq3A_239, %broadcast_in_dim3A_257, %broadcast_in_dim3A_258 : vector<16xi1>, vector<16xf32>
    %add3A_260 = arith.addf %broadcast_in_dim3A_26, %select_n3A_259 : vector<16xf32>
    %jit3A_261 = arith.constant 1.000000e+00 : f32
    %jit3A_262 = arith.constant 0.000000e+00 : f32
    %broadcast_in_dim3A_263 = vector.broadcast %jit3A_261 : f32 to vector<16xf32>
    %broadcast_in_dim3A_264 = vector.broadcast %jit3A_262 : f32 to vector<16xf32>
    %select_n3A_265 = arith.select %eq3A_242, %broadcast_in_dim3A_263, %broadcast_in_dim3A_264 : vector<16xi1>, vector<16xf32>
    %add3A_266 = arith.addf %add3A_260, %select_n3A_265 : vector<16xf32>
    %mul3A_267 = arith.mulf %exp3A_213, %div3A_237 : vector<16xf32>
    %add3A_268 = arith.addf %broadcast_in_dim3A_42, %mul3A_267 : vector<16xf32>
    %eq3A_269 = arith.constant 1 : i32
    %eq3A_270 = vector.broadcast %eq3A_269 : i32 to vector<16xi32>
    %eq3A_271 = arith.cmpi eq, %select_n3A_129, %eq3A_270 : vector<16xi32>
    %eq3A_272 = arith.constant 1 : i32
    %eq3A_273 = vector.broadcast %eq3A_272 : i32 to vector<16xi32>
    %eq3A_274 = arith.cmpi eq, %select_n3A_203, %eq3A_273 : vector<16xi32>
    %jit3A_275 = arith.constant 0.000000e+00 : f32
    %broadcast_in_dim3A_276 = vector.broadcast %jit3A_275 : f32 to vector<16xf32>
    %select_n3A_277 = arith.select %eq3A_271, %div3A_208, %broadcast_in_dim3A_276 : vector<16xi1>, vector<16xf32>
    %jit3A_278 = arith.constant 0.000000e+00 : f32
    %broadcast_in_dim3A_279 = vector.broadcast %jit3A_278 : f32 to vector<16xf32>
    %select_n3A_280 = arith.select %eq3A_274, %sub3A_211, %broadcast_in_dim3A_279 : vector<16xi1>, vector<16xf32>
    %add3A_281 = arith.addf %select_n3A_277, %select_n3A_280 : vector<16xf32>
    %swap3A_282 = arith.constant 1 : i32
    %swap3A_283 = arith.index_cast %swap3A_282 : i32 to index
    %swap3A_284 = arith.constant 0 : index
    %swap3A_285 = tpu.vector_load %arg7[%swap3A_283, %swap3A_284] {strides = array<i32>} : memref<8x64xf32, #tpu.memory_space<vmem>>, vector<1x16xf32>,
    %swap3A_286 = vector.shape_cast %swap3A_285 : vector<1x16xf32> to vector<16xf32>
    %swap3A_287 = vector.shape_cast %add3A_281 : vector<16xf32> to vector<1x16xf32>
    tpu.vector_store %arg7[%swap3A_283, %swap3A_284], %swap3A_287 {strides = array<i32>} : memref<8x64xf32, #tpu.memory_space<vmem>>, vector<1x16xf32>,
    %jit3A_288 = arith.constant 1.000000e+00 : f32
    %jit3A_289 = arith.constant 0.000000e+00 : f32
    %broadcast_in_dim3A_290 = vector.broadcast %jit3A_288 : f32 to vector<16xf32>
    %broadcast_in_dim3A_291 = vector.broadcast %jit3A_289 : f32 to vector<16xf32>
    %select_n3A_292 = arith.select %eq3A_271, %broadcast_in_dim3A_290, %broadcast_in_dim3A_291 : vector<16xi1>, vector<16xf32>
    %add3A_293 = arith.addf %broadcast_in_dim3A_28, %select_n3A_292 : vector<16xf32>
    %jit3A_294 = arith.constant 1.000000e+00 : f32
    %jit3A_295 = arith.constant 0.000000e+00 : f32
    %broadcast_in_dim3A_296 = vector.broadcast %jit3A_294 : f32 to vector<16xf32>
    %broadcast_in_dim3A_297 = vector.broadcast %jit3A_295 : f32 to vector<16xf32>
    %select_n3A_298 = arith.select %eq3A_274, %broadcast_in_dim3A_296, %broadcast_in_dim3A_297 : vector<16xi1>, vector<16xf32>
    %add3A_299 = arith.addf %add3A_293, %select_n3A_298 : vector<16xf32>
    %mul3A_300 = arith.mulf %exp3A_215, %div3A_237 : vector<16xf32>
    %add3A_301 = arith.addf %broadcast_in_dim3A_44, %mul3A_300 : vector<16xf32>
    %eq3A_302 = arith.constant 2 : i32
    %eq3A_303 = vector.broadcast %eq3A_302 : i32 to vector<16xi32>
    %eq3A_304 = arith.cmpi eq, %select_n3A_129, %eq3A_303 : vector<16xi32>
    %eq3A_305 = arith.constant 2 : i32
    %eq3A_306 = vector.broadcast %eq3A_305 : i32 to vector<16xi32>
    %eq3A_307 = arith.cmpi eq, %select_n3A_203, %eq3A_306 : vector<16xi32>
    %jit3A_308 = arith.constant 0.000000e+00 : f32
    %broadcast_in_dim3A_309 = vector.broadcast %jit3A_308 : f32 to vector<16xf32>
    %select_n3A_310 = arith.select %eq3A_304, %div3A_208, %broadcast_in_dim3A_309 : vector<16xi1>, vector<16xf32>
    %jit3A_311 = arith.constant 0.000000e+00 : f32
    %broadcast_in_dim3A_312 = vector.broadcast %jit3A_311 : f32 to vector<16xf32>
    %select_n3A_313 = arith.select %eq3A_307, %sub3A_211, %broadcast_in_dim3A_312 : vector<16xi1>, vector<16xf32>
    %add3A_314 = arith.addf %select_n3A_310, %select_n3A_313 : vector<16xf32>
    %swap3A_315 = arith.constant 2 : i32
    %swap3A_316 = arith.index_cast %swap3A_315 : i32 to index
    %swap3A_317 = arith.constant 0 : index
    %swap3A_318 = tpu.vector_load %arg7[%swap3A_316, %swap3A_317] {strides = array<i32>} : memref<8x64xf32, #tpu.memory_space<vmem>>, vector<1x16xf32>,
    %swap3A_319 = vector.shape_cast %swap3A_318 : vector<1x16xf32> to vector<16xf32>
    %swap3A_320 = vector.shape_cast %add3A_314 : vector<16xf32> to vector<1x16xf32>
    tpu.vector_store %arg7[%swap3A_316, %swap3A_317], %swap3A_320 {strides = array<i32>} : memref<8x64xf32, #tpu.memory_space<vmem>>, vector<1x16xf32>,
    %jit3A_321 = arith.constant 1.000000e+00 : f32
    %jit3A_322 = arith.constant 0.000000e+00 : f32
    %broadcast_in_dim3A_323 = vector.broadcast %jit3A_321 : f32 to vector<16xf32>
    %broadcast_in_dim3A_324 = vector.broadcast %jit3A_322 : f32 to vector<16xf32>
    %select_n3A_325 = arith.select %eq3A_304, %broadcast_in_dim3A_323, %broadcast_in_dim3A_324 : vector<16xi1>, vector<16xf32>
    %add3A_326 = arith.addf %broadcast_in_dim3A_30, %select_n3A_325 : vector<16xf32>
    %jit3A_327 = arith.constant 1.000000e+00 : f32
    %jit3A_328 = arith.constant 0.000000e+00 : f32
    %broadcast_in_dim3A_329 = vector.broadcast %jit3A_327 : f32 to vector<16xf32>
    %broadcast_in_dim3A_330 = vector.broadcast %jit3A_328 : f32 to vector<16xf32>
    %select_n3A_331 = arith.select %eq3A_307, %broadcast_in_dim3A_329, %broadcast_in_dim3A_330 : vector<16xi1>, vector<16xf32>
    %add3A_332 = arith.addf %add3A_326, %select_n3A_331 : vector<16xf32>
    %mul3A_333 = arith.mulf %exp3A_217, %div3A_237 : vector<16xf32>
    %add3A_334 = arith.addf %broadcast_in_dim3A_46, %mul3A_333 : vector<16xf32>
    %eq3A_335 = arith.constant 3 : i32
    %eq3A_336 = vector.broadcast %eq3A_335 : i32 to vector<16xi32>
    %eq3A_337 = arith.cmpi eq, %select_n3A_129, %eq3A_336 : vector<16xi32>
    %eq3A_338 = arith.constant 3 : i32
    %eq3A_339 = vector.broadcast %eq3A_338 : i32 to vector<16xi32>
    %eq3A_340 = arith.cmpi eq, %select_n3A_203, %eq3A_339 : vector<16xi32>
    %jit3A_341 = arith.constant 0.000000e+00 : f32
    %broadcast_in_dim3A_342 = vector.broadcast %jit3A_341 : f32 to vector<16xf32>
    %select_n3A_343 = arith.select %eq3A_337, %div3A_208, %broadcast_in_dim3A_342 : vector<16xi1>, vector<16xf32>
    %jit3A_344 = arith.constant 0.000000e+00 : f32
    %broadcast_in_dim3A_345 = vector.broadcast %jit3A_344 : f32 to vector<16xf32>
    %select_n3A_346 = arith.select %eq3A_340, %sub3A_211, %broadcast_in_dim3A_345 : vector<16xi1>, vector<16xf32>
    %add3A_347 = arith.addf %select_n3A_343, %select_n3A_346 : vector<16xf32>
    %swap3A_348 = arith.constant 3 : i32
    %swap3A_349 = arith.index_cast %swap3A_348 : i32 to index
    %swap3A_350 = arith.constant 0 : index
    %swap3A_351 = tpu.vector_load %arg7[%swap3A_349, %swap3A_350] {strides = array<i32>} : memref<8x64xf32, #tpu.memory_space<vmem>>, vector<1x16xf32>,
    %swap3A_352 = vector.shape_cast %swap3A_351 : vector<1x16xf32> to vector<16xf32>
    %swap3A_353 = vector.shape_cast %add3A_347 : vector<16xf32> to vector<1x16xf32>
    tpu.vector_store %arg7[%swap3A_349, %swap3A_350], %swap3A_353 {strides = array<i32>} : memref<8x64xf32, #tpu.memory_space<vmem>>, vector<1x16xf32>,
    %jit3A_354 = arith.constant 1.000000e+00 : f32
    %jit3A_355 = arith.constant 0.000000e+00 : f32
    %broadcast_in_dim3A_356 = vector.broadcast %jit3A_354 : f32 to vector<16xf32>
    %broadcast_in_dim3A_357 = vector.broadcast %jit3A_355 : f32 to vector<16xf32>
    %select_n3A_358 = arith.select %eq3A_337, %broadcast_in_dim3A_356, %broadcast_in_dim3A_357 : vector<16xi1>, vector<16xf32>
    %add3A_359 = arith.addf %broadcast_in_dim3A_32, %select_n3A_358 : vector<16xf32>
    %jit3A_360 = arith.constant 1.000000e+00 : f32
    %jit3A_361 = arith.constant 0.000000e+00 : f32
    %broadcast_in_dim3A_362 = vector.broadcast %jit3A_360 : f32 to vector<16xf32>
    %broadcast_in_dim3A_363 = vector.broadcast %jit3A_361 : f32 to vector<16xf32>
    %select_n3A_364 = arith.select %eq3A_340, %broadcast_in_dim3A_362, %broadcast_in_dim3A_363 : vector<16xi1>, vector<16xf32>
    %add3A_365 = arith.addf %add3A_359, %select_n3A_364 : vector<16xf32>
    %mul3A_366 = arith.mulf %exp3A_219, %div3A_237 : vector<16xf32>
    %add3A_367 = arith.addf %broadcast_in_dim3A_48, %mul3A_366 : vector<16xf32>
    %eq3A_368 = arith.constant 4 : i32
    %eq3A_369 = vector.broadcast %eq3A_368 : i32 to vector<16xi32>
    %eq3A_370 = arith.cmpi eq, %select_n3A_129, %eq3A_369 : vector<16xi32>
    %eq3A_371 = arith.constant 4 : i32
    %eq3A_372 = vector.broadcast %eq3A_371 : i32 to vector<16xi32>
    %eq3A_373 = arith.cmpi eq, %select_n3A_203, %eq3A_372 : vector<16xi32>
    %jit3A_374 = arith.constant 0.000000e+00 : f32
    %broadcast_in_dim3A_375 = vector.broadcast %jit3A_374 : f32 to vector<16xf32>
    %select_n3A_376 = arith.select %eq3A_370, %div3A_208, %broadcast_in_dim3A_375 : vector<16xi1>, vector<16xf32>
    %jit3A_377 = arith.constant 0.000000e+00 : f32
    %broadcast_in_dim3A_378 = vector.broadcast %jit3A_377 : f32 to vector<16xf32>
    %select_n3A_379 = arith.select %eq3A_373, %sub3A_211, %broadcast_in_dim3A_378 : vector<16xi1>, vector<16xf32>
    %add3A_380 = arith.addf %select_n3A_376, %select_n3A_379 : vector<16xf32>
    %swap3A_381 = arith.constant 4 : i32
    %swap3A_382 = arith.index_cast %swap3A_381 : i32 to index
    %swap3A_383 = arith.constant 0 : index
    %swap3A_384 = tpu.vector_load %arg7[%swap3A_382, %swap3A_383] {strides = array<i32>} : memref<8x64xf32, #tpu.memory_space<vmem>>, vector<1x16xf32>,
    %swap3A_385 = vector.shape_cast %swap3A_384 : vector<1x16xf32> to vector<16xf32>
    %swap3A_386 = vector.shape_cast %add3A_380 : vector<16xf32> to vector<1x16xf32>
    tpu.vector_store %arg7[%swap3A_382, %swap3A_383], %swap3A_386 {strides = array<i32>} : memref<8x64xf32, #tpu.memory_space<vmem>>, vector<1x16xf32>,
    %jit3A_387 = arith.constant 1.000000e+00 : f32
    %jit3A_388 = arith.constant 0.000000e+00 : f32
    %broadcast_in_dim3A_389 = vector.broadcast %jit3A_387 : f32 to vector<16xf32>
    %broadcast_in_dim3A_390 = vector.broadcast %jit3A_388 : f32 to vector<16xf32>
    %select_n3A_391 = arith.select %eq3A_370, %broadcast_in_dim3A_389, %broadcast_in_dim3A_390 : vector<16xi1>, vector<16xf32>
    %add3A_392 = arith.addf %broadcast_in_dim3A_34, %select_n3A_391 : vector<16xf32>
    %jit3A_393 = arith.constant 1.000000e+00 : f32
    %jit3A_394 = arith.constant 0.000000e+00 : f32
    %broadcast_in_dim3A_395 = vector.broadcast %jit3A_393 : f32 to vector<16xf32>
    %broadcast_in_dim3A_396 = vector.broadcast %jit3A_394 : f32 to vector<16xf32>
    %select_n3A_397 = arith.select %eq3A_373, %broadcast_in_dim3A_395, %broadcast_in_dim3A_396 : vector<16xi1>, vector<16xf32>
    %add3A_398 = arith.addf %add3A_392, %select_n3A_397 : vector<16xf32>
    %mul3A_399 = arith.mulf %exp3A_221, %div3A_237 : vector<16xf32>
    %add3A_400 = arith.addf %broadcast_in_dim3A_50, %mul3A_399 : vector<16xf32>
    %eq3A_401 = arith.constant 5 : i32
    %eq3A_402 = vector.broadcast %eq3A_401 : i32 to vector<16xi32>
    %eq3A_403 = arith.cmpi eq, %select_n3A_129, %eq3A_402 : vector<16xi32>
    %eq3A_404 = arith.constant 5 : i32
    %eq3A_405 = vector.broadcast %eq3A_404 : i32 to vector<16xi32>
    %eq3A_406 = arith.cmpi eq, %select_n3A_203, %eq3A_405 : vector<16xi32>
    %jit3A_407 = arith.constant 0.000000e+00 : f32
    %broadcast_in_dim3A_408 = vector.broadcast %jit3A_407 : f32 to vector<16xf32>
    %select_n3A_409 = arith.select %eq3A_403, %div3A_208, %broadcast_in_dim3A_408 : vector<16xi1>, vector<16xf32>
    %jit3A_410 = arith.constant 0.000000e+00 : f32
    %broadcast_in_dim3A_411 = vector.broadcast %jit3A_410 : f32 to vector<16xf32>
    %select_n3A_412 = arith.select %eq3A_406, %sub3A_211, %broadcast_in_dim3A_411 : vector<16xi1>, vector<16xf32>
    %add3A_413 = arith.addf %select_n3A_409, %select_n3A_412 : vector<16xf32>
    %swap3A_414 = arith.constant 5 : i32
    %swap3A_415 = arith.index_cast %swap3A_414 : i32 to index
    %swap3A_416 = arith.constant 0 : index
    %swap3A_417 = tpu.vector_load %arg7[%swap3A_415, %swap3A_416] {strides = array<i32>} : memref<8x64xf32, #tpu.memory_space<vmem>>, vector<1x16xf32>,
    %swap3A_418 = vector.shape_cast %swap3A_417 : vector<1x16xf32> to vector<16xf32>
    %swap3A_419 = vector.shape_cast %add3A_413 : vector<16xf32> to vector<1x16xf32>
    tpu.vector_store %arg7[%swap3A_415, %swap3A_416], %swap3A_419 {strides = array<i32>} : memref<8x64xf32, #tpu.memory_space<vmem>>, vector<1x16xf32>,
    %jit3A_420 = arith.constant 1.000000e+00 : f32
    %jit3A_421 = arith.constant 0.000000e+00 : f32
    %broadcast_in_dim3A_422 = vector.broadcast %jit3A_420 : f32 to vector<16xf32>
    %broadcast_in_dim3A_423 = vector.broadcast %jit3A_421 : f32 to vector<16xf32>
    %select_n3A_424 = arith.select %eq3A_403, %broadcast_in_dim3A_422, %broadcast_in_dim3A_423 : vector<16xi1>, vector<16xf32>
    %add3A_425 = arith.addf %broadcast_in_dim3A_36, %select_n3A_424 : vector<16xf32>
    %jit3A_426 = arith.constant 1.000000e+00 : f32
    %jit3A_427 = arith.constant 0.000000e+00 : f32
    %broadcast_in_dim3A_428 = vector.broadcast %jit3A_426 : f32 to vector<16xf32>
    %broadcast_in_dim3A_429 = vector.broadcast %jit3A_427 : f32 to vector<16xf32>
    %select_n3A_430 = arith.select %eq3A_406, %broadcast_in_dim3A_428, %broadcast_in_dim3A_429 : vector<16xi1>, vector<16xf32>
    %add3A_431 = arith.addf %add3A_425, %select_n3A_430 : vector<16xf32>
    %mul3A_432 = arith.mulf %exp3A_223, %div3A_237 : vector<16xf32>
    %add3A_433 = arith.addf %broadcast_in_dim3A_52, %mul3A_432 : vector<16xf32>
    %eq3A_434 = arith.constant 6 : i32
    %eq3A_435 = vector.broadcast %eq3A_434 : i32 to vector<16xi32>
    %eq3A_436 = arith.cmpi eq, %select_n3A_129, %eq3A_435 : vector<16xi32>
    %eq3A_437 = arith.constant 6 : i32
    %eq3A_438 = vector.broadcast %eq3A_437 : i32 to vector<16xi32>
    %eq3A_439 = arith.cmpi eq, %select_n3A_203, %eq3A_438 : vector<16xi32>
    %jit3A_440 = arith.constant 0.000000e+00 : f32
    %broadcast_in_dim3A_441 = vector.broadcast %jit3A_440 : f32 to vector<16xf32>
    %select_n3A_442 = arith.select %eq3A_436, %div3A_208, %broadcast_in_dim3A_441 : vector<16xi1>, vector<16xf32>
    %jit3A_443 = arith.constant 0.000000e+00 : f32
    %broadcast_in_dim3A_444 = vector.broadcast %jit3A_443 : f32 to vector<16xf32>
    %select_n3A_445 = arith.select %eq3A_439, %sub3A_211, %broadcast_in_dim3A_444 : vector<16xi1>, vector<16xf32>
    %add3A_446 = arith.addf %select_n3A_442, %select_n3A_445 : vector<16xf32>
    %swap3A_447 = arith.constant 6 : i32
    %swap3A_448 = arith.index_cast %swap3A_447 : i32 to index
    %swap3A_449 = arith.constant 0 : index
    %swap3A_450 = tpu.vector_load %arg7[%swap3A_448, %swap3A_449] {strides = array<i32>} : memref<8x64xf32, #tpu.memory_space<vmem>>, vector<1x16xf32>,
    %swap3A_451 = vector.shape_cast %swap3A_450 : vector<1x16xf32> to vector<16xf32>
    %swap3A_452 = vector.shape_cast %add3A_446 : vector<16xf32> to vector<1x16xf32>
    tpu.vector_store %arg7[%swap3A_448, %swap3A_449], %swap3A_452 {strides = array<i32>} : memref<8x64xf32, #tpu.memory_space<vmem>>, vector<1x16xf32>,
    %jit3A_453 = arith.constant 1.000000e+00 : f32
    %jit3A_454 = arith.constant 0.000000e+00 : f32
    %broadcast_in_dim3A_455 = vector.broadcast %jit3A_453 : f32 to vector<16xf32>
    %broadcast_in_dim3A_456 = vector.broadcast %jit3A_454 : f32 to vector<16xf32>
    %select_n3A_457 = arith.select %eq3A_436, %broadcast_in_dim3A_455, %broadcast_in_dim3A_456 : vector<16xi1>, vector<16xf32>
    %add3A_458 = arith.addf %broadcast_in_dim3A_38, %select_n3A_457 : vector<16xf32>
    %jit3A_459 = arith.constant 1.000000e+00 : f32
    %jit3A_460 = arith.constant 0.000000e+00 : f32
    %broadcast_in_dim3A_461 = vector.broadcast %jit3A_459 : f32 to vector<16xf32>
    %broadcast_in_dim3A_462 = vector.broadcast %jit3A_460 : f32 to vector<16xf32>
    %select_n3A_463 = arith.select %eq3A_439, %broadcast_in_dim3A_461, %broadcast_in_dim3A_462 : vector<16xi1>, vector<16xf32>
    %add3A_464 = arith.addf %add3A_458, %select_n3A_463 : vector<16xf32>
    %mul3A_465 = arith.mulf %exp3A_225, %div3A_237 : vector<16xf32>
    %add3A_466 = arith.addf %broadcast_in_dim3A_54, %mul3A_465 : vector<16xf32>
    %eq3A_467 = arith.constant 7 : i32
    %eq3A_468 = vector.broadcast %eq3A_467 : i32 to vector<16xi32>
    %eq3A_469 = arith.cmpi eq, %select_n3A_129, %eq3A_468 : vector<16xi32>
    %eq3A_470 = arith.constant 7 : i32
    %eq3A_471 = vector.broadcast %eq3A_470 : i32 to vector<16xi32>
    %eq3A_472 = arith.cmpi eq, %select_n3A_203, %eq3A_471 : vector<16xi32>
    %jit3A_473 = arith.constant 0.000000e+00 : f32
    %broadcast_in_dim3A_474 = vector.broadcast %jit3A_473 : f32 to vector<16xf32>
    %select_n3A_475 = arith.select %eq3A_469, %div3A_208, %broadcast_in_dim3A_474 : vector<16xi1>, vector<16xf32>
    %jit3A_476 = arith.constant 0.000000e+00 : f32
    %broadcast_in_dim3A_477 = vector.broadcast %jit3A_476 : f32 to vector<16xf32>
    %select_n3A_478 = arith.select %eq3A_472, %sub3A_211, %broadcast_in_dim3A_477 : vector<16xi1>, vector<16xf32>
    %add3A_479 = arith.addf %select_n3A_475, %select_n3A_478 : vector<16xf32>
    %swap3A_480 = arith.constant 7 : i32
    %swap3A_481 = arith.index_cast %swap3A_480 : i32 to index
    %swap3A_482 = arith.constant 0 : index
    %swap3A_483 = tpu.vector_load %arg7[%swap3A_481, %swap3A_482] {strides = array<i32>} : memref<8x64xf32, #tpu.memory_space<vmem>>, vector<1x16xf32>,
    %swap3A_484 = vector.shape_cast %swap3A_483 : vector<1x16xf32> to vector<16xf32>
    %swap3A_485 = vector.shape_cast %add3A_479 : vector<16xf32> to vector<1x16xf32>
    tpu.vector_store %arg7[%swap3A_481, %swap3A_482], %swap3A_485 {strides = array<i32>} : memref<8x64xf32, #tpu.memory_space<vmem>>, vector<1x16xf32>,
    %jit3A_486 = arith.constant 1.000000e+00 : f32
    %jit3A_487 = arith.constant 0.000000e+00 : f32
    %broadcast_in_dim3A_488 = vector.broadcast %jit3A_486 : f32 to vector<16xf32>
    %broadcast_in_dim3A_489 = vector.broadcast %jit3A_487 : f32 to vector<16xf32>
    %select_n3A_490 = arith.select %eq3A_469, %broadcast_in_dim3A_488, %broadcast_in_dim3A_489 : vector<16xi1>, vector<16xf32>
    %add3A_491 = arith.addf %broadcast_in_dim3A_40, %select_n3A_490 : vector<16xf32>
    %jit3A_492 = arith.constant 1.000000e+00 : f32
    %jit3A_493 = arith.constant 0.000000e+00 : f32
    %broadcast_in_dim3A_494 = vector.broadcast %jit3A_492 : f32 to vector<16xf32>
    %broadcast_in_dim3A_495 = vector.broadcast %jit3A_493 : f32 to vector<16xf32>
    %select_n3A_496 = arith.select %eq3A_472, %broadcast_in_dim3A_494, %broadcast_in_dim3A_495 : vector<16xi1>, vector<16xf32>
    %add3A_497 = arith.addf %add3A_491, %select_n3A_496 : vector<16xf32>
    %mul3A_498 = arith.mulf %exp3A_227, %div3A_237 : vector<16xf32>
    %add3A_499 = arith.addf %broadcast_in_dim3A_56, %mul3A_498 : vector<16xf32>
    %get3A_500 = arith.constant 0 : i32
    %get3A_501 = arith.index_cast %get3A_500 : i32 to index
    %get3A_502 = arith.constant 16 : index
    %get3A_503 = tpu.vector_load %arg6[%get3A_501, %get3A_502] {strides = array<i32>} : memref<8x64xf32, #tpu.memory_space<vmem>>, vector<1x16xf32>,
    %get3A_504 = vector.shape_cast %get3A_503 : vector<1x16xf32> to vector<16xf32>
    %get3A_505 = arith.constant 1 : i32
    %get3A_506 = arith.index_cast %get3A_505 : i32 to index
    %get3A_507 = arith.constant 16 : index
    %get3A_508 = tpu.vector_load %arg6[%get3A_506, %get3A_507] {strides = array<i32>} : memref<8x64xf32, #tpu.memory_space<vmem>>, vector<1x16xf32>,
    %get3A_509 = vector.shape_cast %get3A_508 : vector<1x16xf32> to vector<16xf32>
    %get3A_510 = arith.constant 2 : i32
    %get3A_511 = arith.index_cast %get3A_510 : i32 to index
    %get3A_512 = arith.constant 16 : index
    %get3A_513 = tpu.vector_load %arg6[%get3A_511, %get3A_512] {strides = array<i32>} : memref<8x64xf32, #tpu.memory_space<vmem>>, vector<1x16xf32>,
    %get3A_514 = vector.shape_cast %get3A_513 : vector<1x16xf32> to vector<16xf32>
    %get3A_515 = arith.constant 3 : i32
    %get3A_516 = arith.index_cast %get3A_515 : i32 to index
    %get3A_517 = arith.constant 16 : index
    %get3A_518 = tpu.vector_load %arg6[%get3A_516, %get3A_517] {strides = array<i32>} : memref<8x64xf32, #tpu.memory_space<vmem>>, vector<1x16xf32>,
    %get3A_519 = vector.shape_cast %get3A_518 : vector<1x16xf32> to vector<16xf32>
    %get3A_520 = arith.constant 4 : i32
    %get3A_521 = arith.index_cast %get3A_520 : i32 to index
    %get3A_522 = arith.constant 16 : index
    %get3A_523 = tpu.vector_load %arg6[%get3A_521, %get3A_522] {strides = array<i32>} : memref<8x64xf32, #tpu.memory_space<vmem>>, vector<1x16xf32>,
    %get3A_524 = vector.shape_cast %get3A_523 : vector<1x16xf32> to vector<16xf32>
    %get3A_525 = arith.constant 5 : i32
    %get3A_526 = arith.index_cast %get3A_525 : i32 to index
    %get3A_527 = arith.constant 16 : index
    %get3A_528 = tpu.vector_load %arg6[%get3A_526, %get3A_527] {strides = array<i32>} : memref<8x64xf32, #tpu.memory_space<vmem>>, vector<1x16xf32>,
    %get3A_529 = vector.shape_cast %get3A_528 : vector<1x16xf32> to vector<16xf32>
    %get3A_530 = arith.constant 6 : i32
    %get3A_531 = arith.index_cast %get3A_530 : i32 to index
    %get3A_532 = arith.constant 16 : index
    %get3A_533 = tpu.vector_load %arg6[%get3A_531, %get3A_532] {strides = array<i32>} : memref<8x64xf32, #tpu.memory_space<vmem>>, vector<1x16xf32>,
    %get3A_534 = vector.shape_cast %get3A_533 : vector<1x16xf32> to vector<16xf32>
    %get3A_535 = arith.constant 7 : i32
    %get3A_536 = arith.index_cast %get3A_535 : i32 to index
    %get3A_537 = arith.constant 16 : index
    %get3A_538 = tpu.vector_load %arg6[%get3A_536, %get3A_537] {strides = array<i32>} : memref<8x64xf32, #tpu.memory_space<vmem>>, vector<1x16xf32>,
    %get3A_539 = vector.shape_cast %get3A_538 : vector<1x16xf32> to vector<16xf32>
    %broadcast_in_dim3A_540 = arith.constant 0 : i32
    %broadcast_in_dim3A_541 = vector.broadcast %broadcast_in_dim3A_540 : i32 to vector<16xi32>
    %gt3A_542 = arith.cmpf ogt, %get3A_509, %get3A_504 : vector<16xf32>
    %select_n3A_543 = arith.select %gt3A_542, %get3A_509, %get3A_504 : vector<16xi1>, vector<16xf32>
    %jit3A_544 = arith.constant 1 : i32
    %broadcast_in_dim3A_545 = vector.broadcast %jit3A_544 : i32 to vector<16xi32>
    %select_n3A_546 = arith.select %gt3A_542, %broadcast_in_dim3A_545, %broadcast_in_dim3A_541 : vector<16xi1>, vector<16xi32>
    %gt3A_547 = arith.cmpf ogt, %get3A_514, %select_n3A_543 : vector<16xf32>
    %select_n3A_548 = arith.select %gt3A_547, %get3A_514, %select_n3A_543 : vector<16xi1>, vector<16xf32>
    %jit3A_549 = arith.constant 2 : i32
    %broadcast_in_dim3A_550 = vector.broadcast %jit3A_549 : i32 to vector<16xi32>
    %select_n3A_551 = arith.select %gt3A_547, %broadcast_in_dim3A_550, %select_n3A_546 : vector<16xi1>, vector<16xi32>
    %gt3A_552 = arith.cmpf ogt, %get3A_519, %select_n3A_548 : vector<16xf32>
    %select_n3A_553 = arith.select %gt3A_552, %get3A_519, %select_n3A_548 : vector<16xi1>, vector<16xf32>
    %jit3A_554 = arith.constant 3 : i32
    %broadcast_in_dim3A_555 = vector.broadcast %jit3A_554 : i32 to vector<16xi32>
    %select_n3A_556 = arith.select %gt3A_552, %broadcast_in_dim3A_555, %select_n3A_551 : vector<16xi1>, vector<16xi32>
    %gt3A_557 = arith.cmpf ogt, %get3A_524, %select_n3A_553 : vector<16xf32>
    %select_n3A_558 = arith.select %gt3A_557, %get3A_524, %select_n3A_553 : vector<16xi1>, vector<16xf32>
    %jit3A_559 = arith.constant 4 : i32
    %broadcast_in_dim3A_560 = vector.broadcast %jit3A_559 : i32 to vector<16xi32>
    %select_n3A_561 = arith.select %gt3A_557, %broadcast_in_dim3A_560, %select_n3A_556 : vector<16xi1>, vector<16xi32>
    %gt3A_562 = arith.cmpf ogt, %get3A_529, %select_n3A_558 : vector<16xf32>
    %select_n3A_563 = arith.select %gt3A_562, %get3A_529, %select_n3A_558 : vector<16xi1>, vector<16xf32>
    %jit3A_564 = arith.constant 5 : i32
    %broadcast_in_dim3A_565 = vector.broadcast %jit3A_564 : i32 to vector<16xi32>
    %select_n3A_566 = arith.select %gt3A_562, %broadcast_in_dim3A_565, %select_n3A_561 : vector<16xi1>, vector<16xi32>
    %gt3A_567 = arith.cmpf ogt, %get3A_534, %select_n3A_563 : vector<16xf32>
    %select_n3A_568 = arith.select %gt3A_567, %get3A_534, %select_n3A_563 : vector<16xi1>, vector<16xf32>
    %jit3A_569 = arith.constant 6 : i32
    %broadcast_in_dim3A_570 = vector.broadcast %jit3A_569 : i32 to vector<16xi32>
    %select_n3A_571 = arith.select %gt3A_567, %broadcast_in_dim3A_570, %select_n3A_566 : vector<16xi1>, vector<16xi32>
    %gt3A_572 = arith.cmpf ogt, %get3A_539, %select_n3A_568 : vector<16xf32>
    %select_n3A_573 = arith.select %gt3A_572, %get3A_539, %select_n3A_568 : vector<16xi1>, vector<16xf32>
    %jit3A_574 = arith.constant 7 : i32
    %broadcast_in_dim3A_575 = vector.broadcast %jit3A_574 : i32 to vector<16xi32>
    %select_n3A_576 = arith.select %gt3A_572, %broadcast_in_dim3A_575, %select_n3A_571 : vector<16xi1>, vector<16xi32>
    %broadcast_in_dim3A_577 = arith.constant 0xFF800000 : f32
    %broadcast_in_dim3A_578 = vector.broadcast %broadcast_in_dim3A_577 : f32 to vector<16xf32>
    %broadcast_in_dim3A_579 = arith.constant 0 : i32
    %broadcast_in_dim3A_580 = vector.broadcast %broadcast_in_dim3A_579 : i32 to vector<16xi32>
    %gt3A_581 = arith.cmpf ogt, %get3A_504, %broadcast_in_dim3A_578 : vector<16xf32>
    %ne3A_582 = arith.constant 0 : i32
    %ne3A_583 = vector.broadcast %ne3A_582 : i32 to vector<16xi32>
    %ne3A_584 = arith.cmpi ne, %select_n3A_576, %ne3A_583 : vector<16xi32>
    %and3A_585 = arith.andi %gt3A_581, %ne3A_584 : vector<16xi1>
    %select_n3A_586 = arith.select %and3A_585, %get3A_504, %broadcast_in_dim3A_578 : vector<16xi1>, vector<16xf32>
    %jit3A_587 = arith.constant 0 : i32
    %broadcast_in_dim3A_588 = vector.broadcast %jit3A_587 : i32 to vector<16xi32>
    %select_n3A_589 = arith.select %and3A_585, %broadcast_in_dim3A_588, %broadcast_in_dim3A_580 : vector<16xi1>, vector<16xi32>
    %gt3A_590 = arith.cmpf ogt, %get3A_509, %select_n3A_586 : vector<16xf32>
    %ne3A_591 = arith.constant 1 : i32
    %ne3A_592 = vector.broadcast %ne3A_591 : i32 to vector<16xi32>
    %ne3A_593 = arith.cmpi ne, %select_n3A_576, %ne3A_592 : vector<16xi32>
    %and3A_594 = arith.andi %gt3A_590, %ne3A_593 : vector<16xi1>
    %select_n3A_595 = arith.select %and3A_594, %get3A_509, %select_n3A_586 : vector<16xi1>, vector<16xf32>
    %jit3A_596 = arith.constant 1 : i32
    %broadcast_in_dim3A_597 = vector.broadcast %jit3A_596 : i32 to vector<16xi32>
    %select_n3A_598 = arith.select %and3A_594, %broadcast_in_dim3A_597, %select_n3A_589 : vector<16xi1>, vector<16xi32>
    %gt3A_599 = arith.cmpf ogt, %get3A_514, %select_n3A_595 : vector<16xf32>
    %ne3A_600 = arith.constant 2 : i32
    %ne3A_601 = vector.broadcast %ne3A_600 : i32 to vector<16xi32>
    %ne3A_602 = arith.cmpi ne, %select_n3A_576, %ne3A_601 : vector<16xi32>
    %and3A_603 = arith.andi %gt3A_599, %ne3A_602 : vector<16xi1>
    %select_n3A_604 = arith.select %and3A_603, %get3A_514, %select_n3A_595 : vector<16xi1>, vector<16xf32>
    %jit3A_605 = arith.constant 2 : i32
    %broadcast_in_dim3A_606 = vector.broadcast %jit3A_605 : i32 to vector<16xi32>
    %select_n3A_607 = arith.select %and3A_603, %broadcast_in_dim3A_606, %select_n3A_598 : vector<16xi1>, vector<16xi32>
    %gt3A_608 = arith.cmpf ogt, %get3A_519, %select_n3A_604 : vector<16xf32>
    %ne3A_609 = arith.constant 3 : i32
    %ne3A_610 = vector.broadcast %ne3A_609 : i32 to vector<16xi32>
    %ne3A_611 = arith.cmpi ne, %select_n3A_576, %ne3A_610 : vector<16xi32>
    %and3A_612 = arith.andi %gt3A_608, %ne3A_611 : vector<16xi1>
    %select_n3A_613 = arith.select %and3A_612, %get3A_519, %select_n3A_604 : vector<16xi1>, vector<16xf32>
    %jit3A_614 = arith.constant 3 : i32
    %broadcast_in_dim3A_615 = vector.broadcast %jit3A_614 : i32 to vector<16xi32>
    %select_n3A_616 = arith.select %and3A_612, %broadcast_in_dim3A_615, %select_n3A_607 : vector<16xi1>, vector<16xi32>
    %gt3A_617 = arith.cmpf ogt, %get3A_524, %select_n3A_613 : vector<16xf32>
    %ne3A_618 = arith.constant 4 : i32
    %ne3A_619 = vector.broadcast %ne3A_618 : i32 to vector<16xi32>
    %ne3A_620 = arith.cmpi ne, %select_n3A_576, %ne3A_619 : vector<16xi32>
    %and3A_621 = arith.andi %gt3A_617, %ne3A_620 : vector<16xi1>
    %select_n3A_622 = arith.select %and3A_621, %get3A_524, %select_n3A_613 : vector<16xi1>, vector<16xf32>
    %jit3A_623 = arith.constant 4 : i32
    %broadcast_in_dim3A_624 = vector.broadcast %jit3A_623 : i32 to vector<16xi32>
    %select_n3A_625 = arith.select %and3A_621, %broadcast_in_dim3A_624, %select_n3A_616 : vector<16xi1>, vector<16xi32>
    %gt3A_626 = arith.cmpf ogt, %get3A_529, %select_n3A_622 : vector<16xf32>
    %ne3A_627 = arith.constant 5 : i32
    %ne3A_628 = vector.broadcast %ne3A_627 : i32 to vector<16xi32>
    %ne3A_629 = arith.cmpi ne, %select_n3A_576, %ne3A_628 : vector<16xi32>
    %and3A_630 = arith.andi %gt3A_626, %ne3A_629 : vector<16xi1>
    %select_n3A_631 = arith.select %and3A_630, %get3A_529, %select_n3A_622 : vector<16xi1>, vector<16xf32>
    %jit3A_632 = arith.constant 5 : i32
    %broadcast_in_dim3A_633 = vector.broadcast %jit3A_632 : i32 to vector<16xi32>
    %select_n3A_634 = arith.select %and3A_630, %broadcast_in_dim3A_633, %select_n3A_625 : vector<16xi1>, vector<16xi32>
    %gt3A_635 = arith.cmpf ogt, %get3A_534, %select_n3A_631 : vector<16xf32>
    %ne3A_636 = arith.constant 6 : i32
    %ne3A_637 = vector.broadcast %ne3A_636 : i32 to vector<16xi32>
    %ne3A_638 = arith.cmpi ne, %select_n3A_576, %ne3A_637 : vector<16xi32>
    %and3A_639 = arith.andi %gt3A_635, %ne3A_638 : vector<16xi1>
    %select_n3A_640 = arith.select %and3A_639, %get3A_534, %select_n3A_631 : vector<16xi1>, vector<16xf32>
    %jit3A_641 = arith.constant 6 : i32
    %broadcast_in_dim3A_642 = vector.broadcast %jit3A_641 : i32 to vector<16xi32>
    %select_n3A_643 = arith.select %and3A_639, %broadcast_in_dim3A_642, %select_n3A_634 : vector<16xi1>, vector<16xi32>
    %gt3A_644 = arith.cmpf ogt, %get3A_539, %select_n3A_640 : vector<16xf32>
    %ne3A_645 = arith.constant 7 : i32
    %ne3A_646 = vector.broadcast %ne3A_645 : i32 to vector<16xi32>
    %ne3A_647 = arith.cmpi ne, %select_n3A_576, %ne3A_646 : vector<16xi32>
    %and3A_648 = arith.andi %gt3A_644, %ne3A_647 : vector<16xi1>
    %select_n3A_649 = arith.select %and3A_648, %get3A_539, %select_n3A_640 : vector<16xi1>, vector<16xf32>
    %jit3A_650 = arith.constant 7 : i32
    %broadcast_in_dim3A_651 = vector.broadcast %jit3A_650 : i32 to vector<16xi32>
    %select_n3A_652 = arith.select %and3A_648, %broadcast_in_dim3A_651, %select_n3A_643 : vector<16xi1>, vector<16xi32>
    %sub3A_653 = arith.subf %select_n3A_649, %select_n3A_573 : vector<16xf32>
    %exp3A_654 = math.exp %sub3A_653 : vector<16xf32>
    %add3A_655 = arith.constant 1.000000e+00 : f32
    %add3A_656 = vector.broadcast %add3A_655 : f32 to vector<16xf32>
    %add3A_657 = arith.addf %add3A_656, %exp3A_654 : vector<16xf32>
    %div3A_658 = arith.constant 1.000000e+00 : f32
    %div3A_659 = vector.broadcast %div3A_658 : f32 to vector<16xf32>
    %div3A_660 = arith.divf %div3A_659, %add3A_657 : vector<16xf32>
    %sub3A_661 = arith.constant 1.000000e+00 : f32
    %sub3A_662 = vector.broadcast %sub3A_661 : f32 to vector<16xf32>
    %sub3A_663 = arith.subf %sub3A_662, %div3A_660 : vector<16xf32>
    %sub3A_664 = arith.subf %get3A_504, %select_n3A_573 : vector<16xf32>
    %exp3A_665 = math.exp %sub3A_664 : vector<16xf32>
    %sub3A_666 = arith.subf %get3A_509, %select_n3A_573 : vector<16xf32>
    %exp3A_667 = math.exp %sub3A_666 : vector<16xf32>
    %sub3A_668 = arith.subf %get3A_514, %select_n3A_573 : vector<16xf32>
    %exp3A_669 = math.exp %sub3A_668 : vector<16xf32>
    %sub3A_670 = arith.subf %get3A_519, %select_n3A_573 : vector<16xf32>
    %exp3A_671 = math.exp %sub3A_670 : vector<16xf32>
    %sub3A_672 = arith.subf %get3A_524, %select_n3A_573 : vector<16xf32>
    %exp3A_673 = math.exp %sub3A_672 : vector<16xf32>
    %sub3A_674 = arith.subf %get3A_529, %select_n3A_573 : vector<16xf32>
    %exp3A_675 = math.exp %sub3A_674 : vector<16xf32>
    %sub3A_676 = arith.subf %get3A_534, %select_n3A_573 : vector<16xf32>
    %exp3A_677 = math.exp %sub3A_676 : vector<16xf32>
    %sub3A_678 = arith.subf %get3A_539, %select_n3A_573 : vector<16xf32>
    %exp3A_679 = math.exp %sub3A_678 : vector<16xf32>
    %add3A_680 = arith.addf %exp3A_665, %exp3A_667 : vector<16xf32>
    %add3A_681 = arith.addf %add3A_680, %exp3A_669 : vector<16xf32>
    %add3A_682 = arith.addf %add3A_681, %exp3A_671 : vector<16xf32>
    %add3A_683 = arith.addf %add3A_682, %exp3A_673 : vector<16xf32>
    %add3A_684 = arith.addf %add3A_683, %exp3A_675 : vector<16xf32>
    %add3A_685 = arith.addf %add3A_684, %exp3A_677 : vector<16xf32>
    %add3A_686 = arith.addf %add3A_685, %exp3A_679 : vector<16xf32>
    %div3A_687 = arith.constant 1.000000e+00 : f32
    %div3A_688 = vector.broadcast %div3A_687 : f32 to vector<16xf32>
    %div3A_689 = arith.divf %div3A_688, %add3A_686 : vector<16xf32>
    %eq3A_690 = arith.constant 0 : i32
    %eq3A_691 = vector.broadcast %eq3A_690 : i32 to vector<16xi32>
    %eq3A_692 = arith.cmpi eq, %select_n3A_576, %eq3A_691 : vector<16xi32>
    %eq3A_693 = arith.constant 0 : i32
    %eq3A_694 = vector.broadcast %eq3A_693 : i32 to vector<16xi32>
    %eq3A_695 = arith.cmpi eq, %select_n3A_652, %eq3A_694 : vector<16xi32>
    %jit3A_696 = arith.constant 0.000000e+00 : f32
    %broadcast_in_dim3A_697 = vector.broadcast %jit3A_696 : f32 to vector<16xf32>
    %select_n3A_698 = arith.select %eq3A_692, %div3A_660, %broadcast_in_dim3A_697 : vector<16xi1>, vector<16xf32>
    %jit3A_699 = arith.constant 0.000000e+00 : f32
    %broadcast_in_dim3A_700 = vector.broadcast %jit3A_699 : f32 to vector<16xf32>
    %select_n3A_701 = arith.select %eq3A_695, %sub3A_663, %broadcast_in_dim3A_700 : vector<16xi1>, vector<16xf32>
    %add3A_702 = arith.addf %select_n3A_698, %select_n3A_701 : vector<16xf32>
    %swap3A_703 = arith.constant 0 : i32
    %swap3A_704 = arith.index_cast %swap3A_703 : i32 to index
    %swap3A_705 = arith.constant 16 : index
    %swap3A_706 = tpu.vector_load %arg7[%swap3A_704, %swap3A_705] {strides = array<i32>} : memref<8x64xf32, #tpu.memory_space<vmem>>, vector<1x16xf32>,
    %swap3A_707 = vector.shape_cast %swap3A_706 : vector<1x16xf32> to vector<16xf32>
    %swap3A_708 = vector.shape_cast %add3A_702 : vector<16xf32> to vector<1x16xf32>
    tpu.vector_store %arg7[%swap3A_704, %swap3A_705], %swap3A_708 {strides = array<i32>} : memref<8x64xf32, #tpu.memory_space<vmem>>, vector<1x16xf32>,
    %jit3A_709 = arith.constant 1.000000e+00 : f32
    %jit3A_710 = arith.constant 0.000000e+00 : f32
    %broadcast_in_dim3A_711 = vector.broadcast %jit3A_709 : f32 to vector<16xf32>
    %broadcast_in_dim3A_712 = vector.broadcast %jit3A_710 : f32 to vector<16xf32>
    %select_n3A_713 = arith.select %eq3A_692, %broadcast_in_dim3A_711, %broadcast_in_dim3A_712 : vector<16xi1>, vector<16xf32>
    %add3A_714 = arith.addf %add3A_266, %select_n3A_713 : vector<16xf32>
    %jit3A_715 = arith.constant 1.000000e+00 : f32
    %jit3A_716 = arith.constant 0.000000e+00 : f32
    %broadcast_in_dim3A_717 = vector.broadcast %jit3A_715 : f32 to vector<16xf32>
    %broadcast_in_dim3A_718 = vector.broadcast %jit3A_716 : f32 to vector<16xf32>
    %select_n3A_719 = arith.select %eq3A_695, %broadcast_in_dim3A_717, %broadcast_in_dim3A_718 : vector<16xi1>, vector<16xf32>
    %add3A_720 = arith.addf %add3A_714, %select_n3A_719 : vector<16xf32>
    %mul3A_721 = arith.mulf %exp3A_665, %div3A_689 : vector<16xf32>
    %add3A_722 = arith.addf %add3A_268, %mul3A_721 : vector<16xf32>
    %eq3A_723 = arith.constant 1 : i32
    %eq3A_724 = vector.broadcast %eq3A_723 : i32 to vector<16xi32>
    %eq3A_725 = arith.cmpi eq, %select_n3A_576, %eq3A_724 : vector<16xi32>
    %eq3A_726 = arith.constant 1 : i32
    %eq3A_727 = vector.broadcast %eq3A_726 : i32 to vector<16xi32>
    %eq3A_728 = arith.cmpi eq, %select_n3A_652, %eq3A_727 : vector<16xi32>
    %jit3A_729 = arith.constant 0.000000e+00 : f32
    %broadcast_in_dim3A_730 = vector.broadcast %jit3A_729 : f32 to vector<16xf32>
    %select_n3A_731 = arith.select %eq3A_725, %div3A_660, %broadcast_in_dim3A_730 : vector<16xi1>, vector<16xf32>
    %jit3A_732 = arith.constant 0.000000e+00 : f32
    %broadcast_in_dim3A_733 = vector.broadcast %jit3A_732 : f32 to vector<16xf32>
    %select_n3A_734 = arith.select %eq3A_728, %sub3A_663, %broadcast_in_dim3A_733 : vector<16xi1>, vector<16xf32>
    %add3A_735 = arith.addf %select_n3A_731, %select_n3A_734 : vector<16xf32>
    %swap3A_736 = arith.constant 1 : i32
    %swap3A_737 = arith.index_cast %swap3A_736 : i32 to index
    %swap3A_738 = arith.constant 16 : index
    %swap3A_739 = tpu.vector_load %arg7[%swap3A_737, %swap3A_738] {strides = array<i32>} : memref<8x64xf32, #tpu.memory_space<vmem>>, vector<1x16xf32>,
    %swap3A_740 = vector.shape_cast %swap3A_739 : vector<1x16xf32> to vector<16xf32>
    %swap3A_741 = vector.shape_cast %add3A_735 : vector<16xf32> to vector<1x16xf32>
    tpu.vector_store %arg7[%swap3A_737, %swap3A_738], %swap3A_741 {strides = array<i32>} : memref<8x64xf32, #tpu.memory_space<vmem>>, vector<1x16xf32>,
    %jit3A_742 = arith.constant 1.000000e+00 : f32
    %jit3A_743 = arith.constant 0.000000e+00 : f32
    %broadcast_in_dim3A_744 = vector.broadcast %jit3A_742 : f32 to vector<16xf32>
    %broadcast_in_dim3A_745 = vector.broadcast %jit3A_743 : f32 to vector<16xf32>
    %select_n3A_746 = arith.select %eq3A_725, %broadcast_in_dim3A_744, %broadcast_in_dim3A_745 : vector<16xi1>, vector<16xf32>
    %add3A_747 = arith.addf %add3A_299, %select_n3A_746 : vector<16xf32>
    %jit3A_748 = arith.constant 1.000000e+00 : f32
    %jit3A_749 = arith.constant 0.000000e+00 : f32
    %broadcast_in_dim3A_750 = vector.broadcast %jit3A_748 : f32 to vector<16xf32>
    %broadcast_in_dim3A_751 = vector.broadcast %jit3A_749 : f32 to vector<16xf32>
    %select_n3A_752 = arith.select %eq3A_728, %broadcast_in_dim3A_750, %broadcast_in_dim3A_751 : vector<16xi1>, vector<16xf32>
    %add3A_753 = arith.addf %add3A_747, %select_n3A_752 : vector<16xf32>
    %mul3A_754 = arith.mulf %exp3A_667, %div3A_689 : vector<16xf32>
    %add3A_755 = arith.addf %add3A_301, %mul3A_754 : vector<16xf32>
    %eq3A_756 = arith.constant 2 : i32
    %eq3A_757 = vector.broadcast %eq3A_756 : i32 to vector<16xi32>
    %eq3A_758 = arith.cmpi eq, %select_n3A_576, %eq3A_757 : vector<16xi32>
    %eq3A_759 = arith.constant 2 : i32
    %eq3A_760 = vector.broadcast %eq3A_759 : i32 to vector<16xi32>
    %eq3A_761 = arith.cmpi eq, %select_n3A_652, %eq3A_760 : vector<16xi32>
    %jit3A_762 = arith.constant 0.000000e+00 : f32
    %broadcast_in_dim3A_763 = vector.broadcast %jit3A_762 : f32 to vector<16xf32>
    %select_n3A_764 = arith.select %eq3A_758, %div3A_660, %broadcast_in_dim3A_763 : vector<16xi1>, vector<16xf32>
    %jit3A_765 = arith.constant 0.000000e+00 : f32
    %broadcast_in_dim3A_766 = vector.broadcast %jit3A_765 : f32 to vector<16xf32>
    %select_n3A_767 = arith.select %eq3A_761, %sub3A_663, %broadcast_in_dim3A_766 : vector<16xi1>, vector<16xf32>
    %add3A_768 = arith.addf %select_n3A_764, %select_n3A_767 : vector<16xf32>
    %swap3A_769 = arith.constant 2 : i32
    %swap3A_770 = arith.index_cast %swap3A_769 : i32 to index
    %swap3A_771 = arith.constant 16 : index
    %swap3A_772 = tpu.vector_load %arg7[%swap3A_770, %swap3A_771] {strides = array<i32>} : memref<8x64xf32, #tpu.memory_space<vmem>>, vector<1x16xf32>,
    %swap3A_773 = vector.shape_cast %swap3A_772 : vector<1x16xf32> to vector<16xf32>
    %swap3A_774 = vector.shape_cast %add3A_768 : vector<16xf32> to vector<1x16xf32>
    tpu.vector_store %arg7[%swap3A_770, %swap3A_771], %swap3A_774 {strides = array<i32>} : memref<8x64xf32, #tpu.memory_space<vmem>>, vector<1x16xf32>,
    %jit3A_775 = arith.constant 1.000000e+00 : f32
    %jit3A_776 = arith.constant 0.000000e+00 : f32
    %broadcast_in_dim3A_777 = vector.broadcast %jit3A_775 : f32 to vector<16xf32>
    %broadcast_in_dim3A_778 = vector.broadcast %jit3A_776 : f32 to vector<16xf32>
    %select_n3A_779 = arith.select %eq3A_758, %broadcast_in_dim3A_777, %broadcast_in_dim3A_778 : vector<16xi1>, vector<16xf32>
    %add3A_780 = arith.addf %add3A_332, %select_n3A_779 : vector<16xf32>
    %jit3A_781 = arith.constant 1.000000e+00 : f32
    %jit3A_782 = arith.constant 0.000000e+00 : f32
    %broadcast_in_dim3A_783 = vector.broadcast %jit3A_781 : f32 to vector<16xf32>
    %broadcast_in_dim3A_784 = vector.broadcast %jit3A_782 : f32 to vector<16xf32>
    %select_n3A_785 = arith.select %eq3A_761, %broadcast_in_dim3A_783, %broadcast_in_dim3A_784 : vector<16xi1>, vector<16xf32>
    %add3A_786 = arith.addf %add3A_780, %select_n3A_785 : vector<16xf32>
    %mul3A_787 = arith.mulf %exp3A_669, %div3A_689 : vector<16xf32>
    %add3A_788 = arith.addf %add3A_334, %mul3A_787 : vector<16xf32>
    %eq3A_789 = arith.constant 3 : i32
    %eq3A_790 = vector.broadcast %eq3A_789 : i32 to vector<16xi32>
    %eq3A_791 = arith.cmpi eq, %select_n3A_576, %eq3A_790 : vector<16xi32>
    %eq3A_792 = arith.constant 3 : i32
    %eq3A_793 = vector.broadcast %eq3A_792 : i32 to vector<16xi32>
    %eq3A_794 = arith.cmpi eq, %select_n3A_652, %eq3A_793 : vector<16xi32>
    %jit3A_795 = arith.constant 0.000000e+00 : f32
    %broadcast_in_dim3A_796 = vector.broadcast %jit3A_795 : f32 to vector<16xf32>
    %select_n3A_797 = arith.select %eq3A_791, %div3A_660, %broadcast_in_dim3A_796 : vector<16xi1>, vector<16xf32>
    %jit3A_798 = arith.constant 0.000000e+00 : f32
    %broadcast_in_dim3A_799 = vector.broadcast %jit3A_798 : f32 to vector<16xf32>
    %select_n3A_800 = arith.select %eq3A_794, %sub3A_663, %broadcast_in_dim3A_799 : vector<16xi1>, vector<16xf32>
    %add3A_801 = arith.addf %select_n3A_797, %select_n3A_800 : vector<16xf32>
    %swap3A_802 = arith.constant 3 : i32
    %swap3A_803 = arith.index_cast %swap3A_802 : i32 to index
    %swap3A_804 = arith.constant 16 : index
    %swap3A_805 = tpu.vector_load %arg7[%swap3A_803, %swap3A_804] {strides = array<i32>} : memref<8x64xf32, #tpu.memory_space<vmem>>, vector<1x16xf32>,
    %swap3A_806 = vector.shape_cast %swap3A_805 : vector<1x16xf32> to vector<16xf32>
    %swap3A_807 = vector.shape_cast %add3A_801 : vector<16xf32> to vector<1x16xf32>
    tpu.vector_store %arg7[%swap3A_803, %swap3A_804], %swap3A_807 {strides = array<i32>} : memref<8x64xf32, #tpu.memory_space<vmem>>, vector<1x16xf32>,
    %jit3A_808 = arith.constant 1.000000e+00 : f32
    %jit3A_809 = arith.constant 0.000000e+00 : f32
    %broadcast_in_dim3A_810 = vector.broadcast %jit3A_808 : f32 to vector<16xf32>
    %broadcast_in_dim3A_811 = vector.broadcast %jit3A_809 : f32 to vector<16xf32>
    %select_n3A_812 = arith.select %eq3A_791, %broadcast_in_dim3A_810, %broadcast_in_dim3A_811 : vector<16xi1>, vector<16xf32>
    %add3A_813 = arith.addf %add3A_365, %select_n3A_812 : vector<16xf32>
    %jit3A_814 = arith.constant 1.000000e+00 : f32
    %jit3A_815 = arith.constant 0.000000e+00 : f32
    %broadcast_in_dim3A_816 = vector.broadcast %jit3A_814 : f32 to vector<16xf32>
    %broadcast_in_dim3A_817 = vector.broadcast %jit3A_815 : f32 to vector<16xf32>
    %select_n3A_818 = arith.select %eq3A_794, %broadcast_in_dim3A_816, %broadcast_in_dim3A_817 : vector<16xi1>, vector<16xf32>
    %add3A_819 = arith.addf %add3A_813, %select_n3A_818 : vector<16xf32>
    %mul3A_820 = arith.mulf %exp3A_671, %div3A_689 : vector<16xf32>
    %add3A_821 = arith.addf %add3A_367, %mul3A_820 : vector<16xf32>
    %eq3A_822 = arith.constant 4 : i32
    %eq3A_823 = vector.broadcast %eq3A_822 : i32 to vector<16xi32>
    %eq3A_824 = arith.cmpi eq, %select_n3A_576, %eq3A_823 : vector<16xi32>
    %eq3A_825 = arith.constant 4 : i32
    %eq3A_826 = vector.broadcast %eq3A_825 : i32 to vector<16xi32>
    %eq3A_827 = arith.cmpi eq, %select_n3A_652, %eq3A_826 : vector<16xi32>
    %jit3A_828 = arith.constant 0.000000e+00 : f32
    %broadcast_in_dim3A_829 = vector.broadcast %jit3A_828 : f32 to vector<16xf32>
    %select_n3A_830 = arith.select %eq3A_824, %div3A_660, %broadcast_in_dim3A_829 : vector<16xi1>, vector<16xf32>
    %jit3A_831 = arith.constant 0.000000e+00 : f32
    %broadcast_in_dim3A_832 = vector.broadcast %jit3A_831 : f32 to vector<16xf32>
    %select_n3A_833 = arith.select %eq3A_827, %sub3A_663, %broadcast_in_dim3A_832 : vector<16xi1>, vector<16xf32>
    %add3A_834 = arith.addf %select_n3A_830, %select_n3A_833 : vector<16xf32>
    %swap3A_835 = arith.constant 4 : i32
    %swap3A_836 = arith.index_cast %swap3A_835 : i32 to index
    %swap3A_837 = arith.constant 16 : index
    %swap3A_838 = tpu.vector_load %arg7[%swap3A_836, %swap3A_837] {strides = array<i32>} : memref<8x64xf32, #tpu.memory_space<vmem>>, vector<1x16xf32>,
    %swap3A_839 = vector.shape_cast %swap3A_838 : vector<1x16xf32> to vector<16xf32>
    %swap3A_840 = vector.shape_cast %add3A_834 : vector<16xf32> to vector<1x16xf32>
    tpu.vector_store %arg7[%swap3A_836, %swap3A_837], %swap3A_840 {strides = array<i32>} : memref<8x64xf32, #tpu.memory_space<vmem>>, vector<1x16xf32>,
    %jit3A_841 = arith.constant 1.000000e+00 : f32
    %jit3A_842 = arith.constant 0.000000e+00 : f32
    %broadcast_in_dim3A_843 = vector.broadcast %jit3A_841 : f32 to vector<16xf32>
    %broadcast_in_dim3A_844 = vector.broadcast %jit3A_842 : f32 to vector<16xf32>
    %select_n3A_845 = arith.select %eq3A_824, %broadcast_in_dim3A_843, %broadcast_in_dim3A_844 : vector<16xi1>, vector<16xf32>
    %add3A_846 = arith.addf %add3A_398, %select_n3A_845 : vector<16xf32>
    %jit3A_847 = arith.constant 1.000000e+00 : f32
    %jit3A_848 = arith.constant 0.000000e+00 : f32
    %broadcast_in_dim3A_849 = vector.broadcast %jit3A_847 : f32 to vector<16xf32>
    %broadcast_in_dim3A_850 = vector.broadcast %jit3A_848 : f32 to vector<16xf32>
    %select_n3A_851 = arith.select %eq3A_827, %broadcast_in_dim3A_849, %broadcast_in_dim3A_850 : vector<16xi1>, vector<16xf32>
    %add3A_852 = arith.addf %add3A_846, %select_n3A_851 : vector<16xf32>
    %mul3A_853 = arith.mulf %exp3A_673, %div3A_689 : vector<16xf32>
    %add3A_854 = arith.addf %add3A_400, %mul3A_853 : vector<16xf32>
    %eq3A_855 = arith.constant 5 : i32
    %eq3A_856 = vector.broadcast %eq3A_855 : i32 to vector<16xi32>
    %eq3A_857 = arith.cmpi eq, %select_n3A_576, %eq3A_856 : vector<16xi32>
    %eq3A_858 = arith.constant 5 : i32
    %eq3A_859 = vector.broadcast %eq3A_858 : i32 to vector<16xi32>
    %eq3A_860 = arith.cmpi eq, %select_n3A_652, %eq3A_859 : vector<16xi32>
    %jit3A_861 = arith.constant 0.000000e+00 : f32
    %broadcast_in_dim3A_862 = vector.broadcast %jit3A_861 : f32 to vector<16xf32>
    %select_n3A_863 = arith.select %eq3A_857, %div3A_660, %broadcast_in_dim3A_862 : vector<16xi1>, vector<16xf32>
    %jit3A_864 = arith.constant 0.000000e+00 : f32
    %broadcast_in_dim3A_865 = vector.broadcast %jit3A_864 : f32 to vector<16xf32>
    %select_n3A_866 = arith.select %eq3A_860, %sub3A_663, %broadcast_in_dim3A_865 : vector<16xi1>, vector<16xf32>
    %add3A_867 = arith.addf %select_n3A_863, %select_n3A_866 : vector<16xf32>
    %swap3A_868 = arith.constant 5 : i32
    %swap3A_869 = arith.index_cast %swap3A_868 : i32 to index
    %swap3A_870 = arith.constant 16 : index
    %swap3A_871 = tpu.vector_load %arg7[%swap3A_869, %swap3A_870] {strides = array<i32>} : memref<8x64xf32, #tpu.memory_space<vmem>>, vector<1x16xf32>,
    %swap3A_872 = vector.shape_cast %swap3A_871 : vector<1x16xf32> to vector<16xf32>
    %swap3A_873 = vector.shape_cast %add3A_867 : vector<16xf32> to vector<1x16xf32>
    tpu.vector_store %arg7[%swap3A_869, %swap3A_870], %swap3A_873 {strides = array<i32>} : memref<8x64xf32, #tpu.memory_space<vmem>>, vector<1x16xf32>,
    %jit3A_874 = arith.constant 1.000000e+00 : f32
    %jit3A_875 = arith.constant 0.000000e+00 : f32
    %broadcast_in_dim3A_876 = vector.broadcast %jit3A_874 : f32 to vector<16xf32>
    %broadcast_in_dim3A_877 = vector.broadcast %jit3A_875 : f32 to vector<16xf32>
    %select_n3A_878 = arith.select %eq3A_857, %broadcast_in_dim3A_876, %broadcast_in_dim3A_877 : vector<16xi1>, vector<16xf32>
    %add3A_879 = arith.addf %add3A_431, %select_n3A_878 : vector<16xf32>
    %jit3A_880 = arith.constant 1.000000e+00 : f32
    %jit3A_881 = arith.constant 0.000000e+00 : f32
    %broadcast_in_dim3A_882 = vector.broadcast %jit3A_880 : f32 to vector<16xf32>
    %broadcast_in_dim3A_883 = vector.broadcast %jit3A_881 : f32 to vector<16xf32>
    %select_n3A_884 = arith.select %eq3A_860, %broadcast_in_dim3A_882, %broadcast_in_dim3A_883 : vector<16xi1>, vector<16xf32>
    %add3A_885 = arith.addf %add3A_879, %select_n3A_884 : vector<16xf32>
    %mul3A_886 = arith.mulf %exp3A_675, %div3A_689 : vector<16xf32>
    %add3A_887 = arith.addf %add3A_433, %mul3A_886 : vector<16xf32>
    %eq3A_888 = arith.constant 6 : i32
    %eq3A_889 = vector.broadcast %eq3A_888 : i32 to vector<16xi32>
    %eq3A_890 = arith.cmpi eq, %select_n3A_576, %eq3A_889 : vector<16xi32>
    %eq3A_891 = arith.constant 6 : i32
    %eq3A_892 = vector.broadcast %eq3A_891 : i32 to vector<16xi32>
    %eq3A_893 = arith.cmpi eq, %select_n3A_652, %eq3A_892 : vector<16xi32>
    %jit3A_894 = arith.constant 0.000000e+00 : f32
    %broadcast_in_dim3A_895 = vector.broadcast %jit3A_894 : f32 to vector<16xf32>
    %select_n3A_896 = arith.select %eq3A_890, %div3A_660, %broadcast_in_dim3A_895 : vector<16xi1>, vector<16xf32>
    %jit3A_897 = arith.constant 0.000000e+00 : f32
    %broadcast_in_dim3A_898 = vector.broadcast %jit3A_897 : f32 to vector<16xf32>
    %select_n3A_899 = arith.select %eq3A_893, %sub3A_663, %broadcast_in_dim3A_898 : vector<16xi1>, vector<16xf32>
    %add3A_900 = arith.addf %select_n3A_896, %select_n3A_899 : vector<16xf32>
    %swap3A_901 = arith.constant 6 : i32
    %swap3A_902 = arith.index_cast %swap3A_901 : i32 to index
    %swap3A_903 = arith.constant 16 : index
    %swap3A_904 = tpu.vector_load %arg7[%swap3A_902, %swap3A_903] {strides = array<i32>} : memref<8x64xf32, #tpu.memory_space<vmem>>, vector<1x16xf32>,
    %swap3A_905 = vector.shape_cast %swap3A_904 : vector<1x16xf32> to vector<16xf32>
    %swap3A_906 = vector.shape_cast %add3A_900 : vector<16xf32> to vector<1x16xf32>
    tpu.vector_store %arg7[%swap3A_902, %swap3A_903], %swap3A_906 {strides = array<i32>} : memref<8x64xf32, #tpu.memory_space<vmem>>, vector<1x16xf32>,
    %jit3A_907 = arith.constant 1.000000e+00 : f32
    %jit3A_908 = arith.constant 0.000000e+00 : f32
    %broadcast_in_dim3A_909 = vector.broadcast %jit3A_907 : f32 to vector<16xf32>
    %broadcast_in_dim3A_910 = vector.broadcast %jit3A_908 : f32 to vector<16xf32>
    %select_n3A_911 = arith.select %eq3A_890, %broadcast_in_dim3A_909, %broadcast_in_dim3A_910 : vector<16xi1>, vector<16xf32>
    %add3A_912 = arith.addf %add3A_464, %select_n3A_911 : vector<16xf32>
    %jit3A_913 = arith.constant 1.000000e+00 : f32
    %jit3A_914 = arith.constant 0.000000e+00 : f32
    %broadcast_in_dim3A_915 = vector.broadcast %jit3A_913 : f32 to vector<16xf32>
    %broadcast_in_dim3A_916 = vector.broadcast %jit3A_914 : f32 to vector<16xf32>
    %select_n3A_917 = arith.select %eq3A_893, %broadcast_in_dim3A_915, %broadcast_in_dim3A_916 : vector<16xi1>, vector<16xf32>
    %add3A_918 = arith.addf %add3A_912, %select_n3A_917 : vector<16xf32>
    %mul3A_919 = arith.mulf %exp3A_677, %div3A_689 : vector<16xf32>
    %add3A_920 = arith.addf %add3A_466, %mul3A_919 : vector<16xf32>
    %eq3A_921 = arith.constant 7 : i32
    %eq3A_922 = vector.broadcast %eq3A_921 : i32 to vector<16xi32>
    %eq3A_923 = arith.cmpi eq, %select_n3A_576, %eq3A_922 : vector<16xi32>
    %eq3A_924 = arith.constant 7 : i32
    %eq3A_925 = vector.broadcast %eq3A_924 : i32 to vector<16xi32>
    %eq3A_926 = arith.cmpi eq, %select_n3A_652, %eq3A_925 : vector<16xi32>
    %jit3A_927 = arith.constant 0.000000e+00 : f32
    %broadcast_in_dim3A_928 = vector.broadcast %jit3A_927 : f32 to vector<16xf32>
    %select_n3A_929 = arith.select %eq3A_923, %div3A_660, %broadcast_in_dim3A_928 : vector<16xi1>, vector<16xf32>
    %jit3A_930 = arith.constant 0.000000e+00 : f32
    %broadcast_in_dim3A_931 = vector.broadcast %jit3A_930 : f32 to vector<16xf32>
    %select_n3A_932 = arith.select %eq3A_926, %sub3A_663, %broadcast_in_dim3A_931 : vector<16xi1>, vector<16xf32>
    %add3A_933 = arith.addf %select_n3A_929, %select_n3A_932 : vector<16xf32>
    %swap3A_934 = arith.constant 7 : i32
    %swap3A_935 = arith.index_cast %swap3A_934 : i32 to index
    %swap3A_936 = arith.constant 16 : index
    %swap3A_937 = tpu.vector_load %arg7[%swap3A_935, %swap3A_936] {strides = array<i32>} : memref<8x64xf32, #tpu.memory_space<vmem>>, vector<1x16xf32>,
    %swap3A_938 = vector.shape_cast %swap3A_937 : vector<1x16xf32> to vector<16xf32>
    %swap3A_939 = vector.shape_cast %add3A_933 : vector<16xf32> to vector<1x16xf32>
    tpu.vector_store %arg7[%swap3A_935, %swap3A_936], %swap3A_939 {strides = array<i32>} : memref<8x64xf32, #tpu.memory_space<vmem>>, vector<1x16xf32>,
    %jit3A_940 = arith.constant 1.000000e+00 : f32
    %jit3A_941 = arith.constant 0.000000e+00 : f32
    %broadcast_in_dim3A_942 = vector.broadcast %jit3A_940 : f32 to vector<16xf32>
    %broadcast_in_dim3A_943 = vector.broadcast %jit3A_941 : f32 to vector<16xf32>
    %select_n3A_944 = arith.select %eq3A_923, %broadcast_in_dim3A_942, %broadcast_in_dim3A_943 : vector<16xi1>, vector<16xf32>
    %add3A_945 = arith.addf %add3A_497, %select_n3A_944 : vector<16xf32>
    %jit3A_946 = arith.constant 1.000000e+00 : f32
    %jit3A_947 = arith.constant 0.000000e+00 : f32
    %broadcast_in_dim3A_948 = vector.broadcast %jit3A_946 : f32 to vector<16xf32>
    %broadcast_in_dim3A_949 = vector.broadcast %jit3A_947 : f32 to vector<16xf32>
    %select_n3A_950 = arith.select %eq3A_926, %broadcast_in_dim3A_948, %broadcast_in_dim3A_949 : vector<16xi1>, vector<16xf32>
    %add3A_951 = arith.addf %add3A_945, %select_n3A_950 : vector<16xf32>
    %mul3A_952 = arith.mulf %exp3A_679, %div3A_689 : vector<16xf32>
    %add3A_953 = arith.addf %add3A_499, %mul3A_952 : vector<16xf32>
    %get3A_954 = arith.constant 0 : i32
    %get3A_955 = arith.index_cast %get3A_954 : i32 to index
    %get3A_956 = arith.constant 32 : index
    %get3A_957 = tpu.vector_load %arg6[%get3A_955, %get3A_956] {strides = array<i32>} : memref<8x64xf32, #tpu.memory_space<vmem>>, vector<1x16xf32>,
    %get3A_958 = vector.shape_cast %get3A_957 : vector<1x16xf32> to vector<16xf32>
    %get3A_959 = arith.constant 1 : i32
    %get3A_960 = arith.index_cast %get3A_959 : i32 to index
    %get3A_961 = arith.constant 32 : index
    %get3A_962 = tpu.vector_load %arg6[%get3A_960, %get3A_961] {strides = array<i32>} : memref<8x64xf32, #tpu.memory_space<vmem>>, vector<1x16xf32>,
    %get3A_963 = vector.shape_cast %get3A_962 : vector<1x16xf32> to vector<16xf32>
    %get3A_964 = arith.constant 2 : i32
    %get3A_965 = arith.index_cast %get3A_964 : i32 to index
    %get3A_966 = arith.constant 32 : index
    %get3A_967 = tpu.vector_load %arg6[%get3A_965, %get3A_966] {strides = array<i32>} : memref<8x64xf32, #tpu.memory_space<vmem>>, vector<1x16xf32>,
    %get3A_968 = vector.shape_cast %get3A_967 : vector<1x16xf32> to vector<16xf32>
    %get3A_969 = arith.constant 3 : i32
    %get3A_970 = arith.index_cast %get3A_969 : i32 to index
    %get3A_971 = arith.constant 32 : index
    %get3A_972 = tpu.vector_load %arg6[%get3A_970, %get3A_971] {strides = array<i32>} : memref<8x64xf32, #tpu.memory_space<vmem>>, vector<1x16xf32>,
    %get3A_973 = vector.shape_cast %get3A_972 : vector<1x16xf32> to vector<16xf32>
    %get3A_974 = arith.constant 4 : i32
    %get3A_975 = arith.index_cast %get3A_974 : i32 to index
    %get3A_976 = arith.constant 32 : index
    %get3A_977 = tpu.vector_load %arg6[%get3A_975, %get3A_976] {strides = array<i32>} : memref<8x64xf32, #tpu.memory_space<vmem>>, vector<1x16xf32>,
    %get3A_978 = vector.shape_cast %get3A_977 : vector<1x16xf32> to vector<16xf32>
    %get3A_979 = arith.constant 5 : i32
    %get3A_980 = arith.index_cast %get3A_979 : i32 to index
    %get3A_981 = arith.constant 32 : index
    %get3A_982 = tpu.vector_load %arg6[%get3A_980, %get3A_981] {strides = array<i32>} : memref<8x64xf32, #tpu.memory_space<vmem>>, vector<1x16xf32>,
    %get3A_983 = vector.shape_cast %get3A_982 : vector<1x16xf32> to vector<16xf32>
    %get3A_984 = arith.constant 6 : i32
    %get3A_985 = arith.index_cast %get3A_984 : i32 to index
    %get3A_986 = arith.constant 32 : index
    %get3A_987 = tpu.vector_load %arg6[%get3A_985, %get3A_986] {strides = array<i32>} : memref<8x64xf32, #tpu.memory_space<vmem>>, vector<1x16xf32>,
    %get3A_988 = vector.shape_cast %get3A_987 : vector<1x16xf32> to vector<16xf32>
    %get3A_989 = arith.constant 7 : i32
    %get3A_990 = arith.index_cast %get3A_989 : i32 to index
    %get3A_991 = arith.constant 32 : index
    %get3A_992 = tpu.vector_load %arg6[%get3A_990, %get3A_991] {strides = array<i32>} : memref<8x64xf32, #tpu.memory_space<vmem>>, vector<1x16xf32>,
    %get3A_993 = vector.shape_cast %get3A_992 : vector<1x16xf32> to vector<16xf32>
    %broadcast_in_dim3A_994 = arith.constant 0 : i32
    %broadcast_in_dim3A_995 = vector.broadcast %broadcast_in_dim3A_994 : i32 to vector<16xi32>
    %gt3A_996 = arith.cmpf ogt, %get3A_963, %get3A_958 : vector<16xf32>
    %select_n3A_997 = arith.select %gt3A_996, %get3A_963, %get3A_958 : vector<16xi1>, vector<16xf32>
    %jit3A_998 = arith.constant 1 : i32
    %broadcast_in_dim3A_999 = vector.broadcast %jit3A_998 : i32 to vector<16xi32>
    %select_n3A_1000 = arith.select %gt3A_996, %broadcast_in_dim3A_999, %broadcast_in_dim3A_995 : vector<16xi1>, vector<16xi32>
    %gt3A_1001 = arith.cmpf ogt, %get3A_968, %select_n3A_997 : vector<16xf32>
    %select_n3A_1002 = arith.select %gt3A_1001, %get3A_968, %select_n3A_997 : vector<16xi1>, vector<16xf32>
    %jit3A_1003 = arith.constant 2 : i32
    %broadcast_in_dim3A_1004 = vector.broadcast %jit3A_1003 : i32 to vector<16xi32>
    %select_n3A_1005 = arith.select %gt3A_1001, %broadcast_in_dim3A_1004, %select_n3A_1000 : vector<16xi1>, vector<16xi32>
    %gt3A_1006 = arith.cmpf ogt, %get3A_973, %select_n3A_1002 : vector<16xf32>
    %select_n3A_1007 = arith.select %gt3A_1006, %get3A_973, %select_n3A_1002 : vector<16xi1>, vector<16xf32>
    %jit3A_1008 = arith.constant 3 : i32
    %broadcast_in_dim3A_1009 = vector.broadcast %jit3A_1008 : i32 to vector<16xi32>
    %select_n3A_1010 = arith.select %gt3A_1006, %broadcast_in_dim3A_1009, %select_n3A_1005 : vector<16xi1>, vector<16xi32>
    %gt3A_1011 = arith.cmpf ogt, %get3A_978, %select_n3A_1007 : vector<16xf32>
    %select_n3A_1012 = arith.select %gt3A_1011, %get3A_978, %select_n3A_1007 : vector<16xi1>, vector<16xf32>
    %jit3A_1013 = arith.constant 4 : i32
    %broadcast_in_dim3A_1014 = vector.broadcast %jit3A_1013 : i32 to vector<16xi32>
    %select_n3A_1015 = arith.select %gt3A_1011, %broadcast_in_dim3A_1014, %select_n3A_1010 : vector<16xi1>, vector<16xi32>
    %gt3A_1016 = arith.cmpf ogt, %get3A_983, %select_n3A_1012 : vector<16xf32>
    %select_n3A_1017 = arith.select %gt3A_1016, %get3A_983, %select_n3A_1012 : vector<16xi1>, vector<16xf32>
    %jit3A_1018 = arith.constant 5 : i32
    %broadcast_in_dim3A_1019 = vector.broadcast %jit3A_1018 : i32 to vector<16xi32>
    %select_n3A_1020 = arith.select %gt3A_1016, %broadcast_in_dim3A_1019, %select_n3A_1015 : vector<16xi1>, vector<16xi32>
    %gt3A_1021 = arith.cmpf ogt, %get3A_988, %select_n3A_1017 : vector<16xf32>
    %select_n3A_1022 = arith.select %gt3A_1021, %get3A_988, %select_n3A_1017 : vector<16xi1>, vector<16xf32>
    %jit3A_1023 = arith.constant 6 : i32
    %broadcast_in_dim3A_1024 = vector.broadcast %jit3A_1023 : i32 to vector<16xi32>
    %select_n3A_1025 = arith.select %gt3A_1021, %broadcast_in_dim3A_1024, %select_n3A_1020 : vector<16xi1>, vector<16xi32>
    %gt3A_1026 = arith.cmpf ogt, %get3A_993, %select_n3A_1022 : vector<16xf32>
    %select_n3A_1027 = arith.select %gt3A_1026, %get3A_993, %select_n3A_1022 : vector<16xi1>, vector<16xf32>
    %jit3A_1028 = arith.constant 7 : i32
    %broadcast_in_dim3A_1029 = vector.broadcast %jit3A_1028 : i32 to vector<16xi32>
    %select_n3A_1030 = arith.select %gt3A_1026, %broadcast_in_dim3A_1029, %select_n3A_1025 : vector<16xi1>, vector<16xi32>
    %broadcast_in_dim3A_1031 = arith.constant 0xFF800000 : f32
    %broadcast_in_dim3A_1032 = vector.broadcast %broadcast_in_dim3A_1031 : f32 to vector<16xf32>
    %broadcast_in_dim3A_1033 = arith.constant 0 : i32
    %broadcast_in_dim3A_1034 = vector.broadcast %broadcast_in_dim3A_1033 : i32 to vector<16xi32>
    %gt3A_1035 = arith.cmpf ogt, %get3A_958, %broadcast_in_dim3A_1032 : vector<16xf32>
    %ne3A_1036 = arith.constant 0 : i32
    %ne3A_1037 = vector.broadcast %ne3A_1036 : i32 to vector<16xi32>
    %ne3A_1038 = arith.cmpi ne, %select_n3A_1030, %ne3A_1037 : vector<16xi32>
    %and3A_1039 = arith.andi %gt3A_1035, %ne3A_1038 : vector<16xi1>
    %select_n3A_1040 = arith.select %and3A_1039, %get3A_958, %broadcast_in_dim3A_1032 : vector<16xi1>, vector<16xf32>
    %jit3A_1041 = arith.constant 0 : i32
    %broadcast_in_dim3A_1042 = vector.broadcast %jit3A_1041 : i32 to vector<16xi32>
    %select_n3A_1043 = arith.select %and3A_1039, %broadcast_in_dim3A_1042, %broadcast_in_dim3A_1034 : vector<16xi1>, vector<16xi32>
    %gt3A_1044 = arith.cmpf ogt, %get3A_963, %select_n3A_1040 : vector<16xf32>
    %ne3A_1045 = arith.constant 1 : i32
    %ne3A_1046 = vector.broadcast %ne3A_1045 : i32 to vector<16xi32>
    %ne3A_1047 = arith.cmpi ne, %select_n3A_1030, %ne3A_1046 : vector<16xi32>
    %and3A_1048 = arith.andi %gt3A_1044, %ne3A_1047 : vector<16xi1>
    %select_n3A_1049 = arith.select %and3A_1048, %get3A_963, %select_n3A_1040 : vector<16xi1>, vector<16xf32>
    %jit3A_1050 = arith.constant 1 : i32
    %broadcast_in_dim3A_1051 = vector.broadcast %jit3A_1050 : i32 to vector<16xi32>
    %select_n3A_1052 = arith.select %and3A_1048, %broadcast_in_dim3A_1051, %select_n3A_1043 : vector<16xi1>, vector<16xi32>
    %gt3A_1053 = arith.cmpf ogt, %get3A_968, %select_n3A_1049 : vector<16xf32>
    %ne3A_1054 = arith.constant 2 : i32
    %ne3A_1055 = vector.broadcast %ne3A_1054 : i32 to vector<16xi32>
    %ne3A_1056 = arith.cmpi ne, %select_n3A_1030, %ne3A_1055 : vector<16xi32>
    %and3A_1057 = arith.andi %gt3A_1053, %ne3A_1056 : vector<16xi1>
    %select_n3A_1058 = arith.select %and3A_1057, %get3A_968, %select_n3A_1049 : vector<16xi1>, vector<16xf32>
    %jit3A_1059 = arith.constant 2 : i32
    %broadcast_in_dim3A_1060 = vector.broadcast %jit3A_1059 : i32 to vector<16xi32>
    %select_n3A_1061 = arith.select %and3A_1057, %broadcast_in_dim3A_1060, %select_n3A_1052 : vector<16xi1>, vector<16xi32>
    %gt3A_1062 = arith.cmpf ogt, %get3A_973, %select_n3A_1058 : vector<16xf32>
    %ne3A_1063 = arith.constant 3 : i32
    %ne3A_1064 = vector.broadcast %ne3A_1063 : i32 to vector<16xi32>
    %ne3A_1065 = arith.cmpi ne, %select_n3A_1030, %ne3A_1064 : vector<16xi32>
    %and3A_1066 = arith.andi %gt3A_1062, %ne3A_1065 : vector<16xi1>
    %select_n3A_1067 = arith.select %and3A_1066, %get3A_973, %select_n3A_1058 : vector<16xi1>, vector<16xf32>
    %jit3A_1068 = arith.constant 3 : i32
    %broadcast_in_dim3A_1069 = vector.broadcast %jit3A_1068 : i32 to vector<16xi32>
    %select_n3A_1070 = arith.select %and3A_1066, %broadcast_in_dim3A_1069, %select_n3A_1061 : vector<16xi1>, vector<16xi32>
    %gt3A_1071 = arith.cmpf ogt, %get3A_978, %select_n3A_1067 : vector<16xf32>
    %ne3A_1072 = arith.constant 4 : i32
    %ne3A_1073 = vector.broadcast %ne3A_1072 : i32 to vector<16xi32>
    %ne3A_1074 = arith.cmpi ne, %select_n3A_1030, %ne3A_1073 : vector<16xi32>
    %and3A_1075 = arith.andi %gt3A_1071, %ne3A_1074 : vector<16xi1>
    %select_n3A_1076 = arith.select %and3A_1075, %get3A_978, %select_n3A_1067 : vector<16xi1>, vector<16xf32>
    %jit3A_1077 = arith.constant 4 : i32
    %broadcast_in_dim3A_1078 = vector.broadcast %jit3A_1077 : i32 to vector<16xi32>
    %select_n3A_1079 = arith.select %and3A_1075, %broadcast_in_dim3A_1078, %select_n3A_1070 : vector<16xi1>, vector<16xi32>
    %gt3A_1080 = arith.cmpf ogt, %get3A_983, %select_n3A_1076 : vector<16xf32>
    %ne3A_1081 = arith.constant 5 : i32
    %ne3A_1082 = vector.broadcast %ne3A_1081 : i32 to vector<16xi32>
    %ne3A_1083 = arith.cmpi ne, %select_n3A_1030, %ne3A_1082 : vector<16xi32>
    %and3A_1084 = arith.andi %gt3A_1080, %ne3A_1083 : vector<16xi1>
    %select_n3A_1085 = arith.select %and3A_1084, %get3A_983, %select_n3A_1076 : vector<16xi1>, vector<16xf32>
    %jit3A_1086 = arith.constant 5 : i32
    %broadcast_in_dim3A_1087 = vector.broadcast %jit3A_1086 : i32 to vector<16xi32>
    %select_n3A_1088 = arith.select %and3A_1084, %broadcast_in_dim3A_1087, %select_n3A_1079 : vector<16xi1>, vector<16xi32>
    %gt3A_1089 = arith.cmpf ogt, %get3A_988, %select_n3A_1085 : vector<16xf32>
    %ne3A_1090 = arith.constant 6 : i32
    %ne3A_1091 = vector.broadcast %ne3A_1090 : i32 to vector<16xi32>
    %ne3A_1092 = arith.cmpi ne, %select_n3A_1030, %ne3A_1091 : vector<16xi32>
    %and3A_1093 = arith.andi %gt3A_1089, %ne3A_1092 : vector<16xi1>
    %select_n3A_1094 = arith.select %and3A_1093, %get3A_988, %select_n3A_1085 : vector<16xi1>, vector<16xf32>
    %jit3A_1095 = arith.constant 6 : i32
    %broadcast_in_dim3A_1096 = vector.broadcast %jit3A_1095 : i32 to vector<16xi32>
    %select_n3A_1097 = arith.select %and3A_1093, %broadcast_in_dim3A_1096, %select_n3A_1088 : vector<16xi1>, vector<16xi32>
    %gt3A_1098 = arith.cmpf ogt, %get3A_993, %select_n3A_1094 : vector<16xf32>
    %ne3A_1099 = arith.constant 7 : i32
    %ne3A_1100 = vector.broadcast %ne3A_1099 : i32 to vector<16xi32>
    %ne3A_1101 = arith.cmpi ne, %select_n3A_1030, %ne3A_1100 : vector<16xi32>
    %and3A_1102 = arith.andi %gt3A_1098, %ne3A_1101 : vector<16xi1>
    %select_n3A_1103 = arith.select %and3A_1102, %get3A_993, %select_n3A_1094 : vector<16xi1>, vector<16xf32>
    %jit3A_1104 = arith.constant 7 : i32
    %broadcast_in_dim3A_1105 = vector.broadcast %jit3A_1104 : i32 to vector<16xi32>
    %select_n3A_1106 = arith.select %and3A_1102, %broadcast_in_dim3A_1105, %select_n3A_1097 : vector<16xi1>, vector<16xi32>
    %sub3A_1107 = arith.subf %select_n3A_1103, %select_n3A_1027 : vector<16xf32>
    %exp3A_1108 = math.exp %sub3A_1107 : vector<16xf32>
    %add3A_1109 = arith.constant 1.000000e+00 : f32
    %add3A_1110 = vector.broadcast %add3A_1109 : f32 to vector<16xf32>
    %add3A_1111 = arith.addf %add3A_1110, %exp3A_1108 : vector<16xf32>
    %div3A_1112 = arith.constant 1.000000e+00 : f32
    %div3A_1113 = vector.broadcast %div3A_1112 : f32 to vector<16xf32>
    %div3A_1114 = arith.divf %div3A_1113, %add3A_1111 : vector<16xf32>
    %sub3A_1115 = arith.constant 1.000000e+00 : f32
    %sub3A_1116 = vector.broadcast %sub3A_1115 : f32 to vector<16xf32>
    %sub3A_1117 = arith.subf %sub3A_1116, %div3A_1114 : vector<16xf32>
    %sub3A_1118 = arith.subf %get3A_958, %select_n3A_1027 : vector<16xf32>
    %exp3A_1119 = math.exp %sub3A_1118 : vector<16xf32>
    %sub3A_1120 = arith.subf %get3A_963, %select_n3A_1027 : vector<16xf32>
    %exp3A_1121 = math.exp %sub3A_1120 : vector<16xf32>
    %sub3A_1122 = arith.subf %get3A_968, %select_n3A_1027 : vector<16xf32>
    %exp3A_1123 = math.exp %sub3A_1122 : vector<16xf32>
    %sub3A_1124 = arith.subf %get3A_973, %select_n3A_1027 : vector<16xf32>
    %exp3A_1125 = math.exp %sub3A_1124 : vector<16xf32>
    %sub3A_1126 = arith.subf %get3A_978, %select_n3A_1027 : vector<16xf32>
    %exp3A_1127 = math.exp %sub3A_1126 : vector<16xf32>
    %sub3A_1128 = arith.subf %get3A_983, %select_n3A_1027 : vector<16xf32>
    %exp3A_1129 = math.exp %sub3A_1128 : vector<16xf32>
    %sub3A_1130 = arith.subf %get3A_988, %select_n3A_1027 : vector<16xf32>
    %exp3A_1131 = math.exp %sub3A_1130 : vector<16xf32>
    %sub3A_1132 = arith.subf %get3A_993, %select_n3A_1027 : vector<16xf32>
    %exp3A_1133 = math.exp %sub3A_1132 : vector<16xf32>
    %add3A_1134 = arith.addf %exp3A_1119, %exp3A_1121 : vector<16xf32>
    %add3A_1135 = arith.addf %add3A_1134, %exp3A_1123 : vector<16xf32>
    %add3A_1136 = arith.addf %add3A_1135, %exp3A_1125 : vector<16xf32>
    %add3A_1137 = arith.addf %add3A_1136, %exp3A_1127 : vector<16xf32>
    %add3A_1138 = arith.addf %add3A_1137, %exp3A_1129 : vector<16xf32>
    %add3A_1139 = arith.addf %add3A_1138, %exp3A_1131 : vector<16xf32>
    %add3A_1140 = arith.addf %add3A_1139, %exp3A_1133 : vector<16xf32>
    %div3A_1141 = arith.constant 1.000000e+00 : f32
    %div3A_1142 = vector.broadcast %div3A_1141 : f32 to vector<16xf32>
    %div3A_1143 = arith.divf %div3A_1142, %add3A_1140 : vector<16xf32>
    %eq3A_1144 = arith.constant 0 : i32
    %eq3A_1145 = vector.broadcast %eq3A_1144 : i32 to vector<16xi32>
    %eq3A_1146 = arith.cmpi eq, %select_n3A_1030, %eq3A_1145 : vector<16xi32>
    %eq3A_1147 = arith.constant 0 : i32
    %eq3A_1148 = vector.broadcast %eq3A_1147 : i32 to vector<16xi32>
    %eq3A_1149 = arith.cmpi eq, %select_n3A_1106, %eq3A_1148 : vector<16xi32>
    %jit3A_1150 = arith.constant 0.000000e+00 : f32
    %broadcast_in_dim3A_1151 = vector.broadcast %jit3A_1150 : f32 to vector<16xf32>
    %select_n3A_1152 = arith.select %eq3A_1146, %div3A_1114, %broadcast_in_dim3A_1151 : vector<16xi1>, vector<16xf32>
    %jit3A_1153 = arith.constant 0.000000e+00 : f32
    %broadcast_in_dim3A_1154 = vector.broadcast %jit3A_1153 : f32 to vector<16xf32>
    %select_n3A_1155 = arith.select %eq3A_1149, %sub3A_1117, %broadcast_in_dim3A_1154 : vector<16xi1>, vector<16xf32>
    %add3A_1156 = arith.addf %select_n3A_1152, %select_n3A_1155 : vector<16xf32>
    %swap3A_1157 = arith.constant 0 : i32
    %swap3A_1158 = arith.index_cast %swap3A_1157 : i32 to index
    %swap3A_1159 = arith.constant 32 : index
    %swap3A_1160 = tpu.vector_load %arg7[%swap3A_1158, %swap3A_1159] {strides = array<i32>} : memref<8x64xf32, #tpu.memory_space<vmem>>, vector<1x16xf32>,
    %swap3A_1161 = vector.shape_cast %swap3A_1160 : vector<1x16xf32> to vector<16xf32>
    %swap3A_1162 = vector.shape_cast %add3A_1156 : vector<16xf32> to vector<1x16xf32>
    tpu.vector_store %arg7[%swap3A_1158, %swap3A_1159], %swap3A_1162 {strides = array<i32>} : memref<8x64xf32, #tpu.memory_space<vmem>>, vector<1x16xf32>,
    %jit3A_1163 = arith.constant 1.000000e+00 : f32
    %jit3A_1164 = arith.constant 0.000000e+00 : f32
    %broadcast_in_dim3A_1165 = vector.broadcast %jit3A_1163 : f32 to vector<16xf32>
    %broadcast_in_dim3A_1166 = vector.broadcast %jit3A_1164 : f32 to vector<16xf32>
    %select_n3A_1167 = arith.select %eq3A_1146, %broadcast_in_dim3A_1165, %broadcast_in_dim3A_1166 : vector<16xi1>, vector<16xf32>
    %add3A_1168 = arith.addf %add3A_720, %select_n3A_1167 : vector<16xf32>
    %jit3A_1169 = arith.constant 1.000000e+00 : f32
    %jit3A_1170 = arith.constant 0.000000e+00 : f32
    %broadcast_in_dim3A_1171 = vector.broadcast %jit3A_1169 : f32 to vector<16xf32>
    %broadcast_in_dim3A_1172 = vector.broadcast %jit3A_1170 : f32 to vector<16xf32>
    %select_n3A_1173 = arith.select %eq3A_1149, %broadcast_in_dim3A_1171, %broadcast_in_dim3A_1172 : vector<16xi1>, vector<16xf32>
    %add3A_1174 = arith.addf %add3A_1168, %select_n3A_1173 : vector<16xf32>
    %mul3A_1175 = arith.mulf %exp3A_1119, %div3A_1143 : vector<16xf32>
    %add3A_1176 = arith.addf %add3A_722, %mul3A_1175 : vector<16xf32>
    %eq3A_1177 = arith.constant 1 : i32
    %eq3A_1178 = vector.broadcast %eq3A_1177 : i32 to vector<16xi32>
    %eq3A_1179 = arith.cmpi eq, %select_n3A_1030, %eq3A_1178 : vector<16xi32>
    %eq3A_1180 = arith.constant 1 : i32
    %eq3A_1181 = vector.broadcast %eq3A_1180 : i32 to vector<16xi32>
    %eq3A_1182 = arith.cmpi eq, %select_n3A_1106, %eq3A_1181 : vector<16xi32>
    %jit3A_1183 = arith.constant 0.000000e+00 : f32
    %broadcast_in_dim3A_1184 = vector.broadcast %jit3A_1183 : f32 to vector<16xf32>
    %select_n3A_1185 = arith.select %eq3A_1179, %div3A_1114, %broadcast_in_dim3A_1184 : vector<16xi1>, vector<16xf32>
    %jit3A_1186 = arith.constant 0.000000e+00 : f32
    %broadcast_in_dim3A_1187 = vector.broadcast %jit3A_1186 : f32 to vector<16xf32>
    %select_n3A_1188 = arith.select %eq3A_1182, %sub3A_1117, %broadcast_in_dim3A_1187 : vector<16xi1>, vector<16xf32>
    %add3A_1189 = arith.addf %select_n3A_1185, %select_n3A_1188 : vector<16xf32>
    %swap3A_1190 = arith.constant 1 : i32
    %swap3A_1191 = arith.index_cast %swap3A_1190 : i32 to index
    %swap3A_1192 = arith.constant 32 : index
    %swap3A_1193 = tpu.vector_load %arg7[%swap3A_1191, %swap3A_1192] {strides = array<i32>} : memref<8x64xf32, #tpu.memory_space<vmem>>, vector<1x16xf32>,
    %swap3A_1194 = vector.shape_cast %swap3A_1193 : vector<1x16xf32> to vector<16xf32>
    %swap3A_1195 = vector.shape_cast %add3A_1189 : vector<16xf32> to vector<1x16xf32>
    tpu.vector_store %arg7[%swap3A_1191, %swap3A_1192], %swap3A_1195 {strides = array<i32>} : memref<8x64xf32, #tpu.memory_space<vmem>>, vector<1x16xf32>,
    %jit3A_1196 = arith.constant 1.000000e+00 : f32
    %jit3A_1197 = arith.constant 0.000000e+00 : f32
    %broadcast_in_dim3A_1198 = vector.broadcast %jit3A_1196 : f32 to vector<16xf32>
    %broadcast_in_dim3A_1199 = vector.broadcast %jit3A_1197 : f32 to vector<16xf32>
    %select_n3A_1200 = arith.select %eq3A_1179, %broadcast_in_dim3A_1198, %broadcast_in_dim3A_1199 : vector<16xi1>, vector<16xf32>
    %add3A_1201 = arith.addf %add3A_753, %select_n3A_1200 : vector<16xf32>
    %jit3A_1202 = arith.constant 1.000000e+00 : f32
    %jit3A_1203 = arith.constant 0.000000e+00 : f32
    %broadcast_in_dim3A_1204 = vector.broadcast %jit3A_1202 : f32 to vector<16xf32>
    %broadcast_in_dim3A_1205 = vector.broadcast %jit3A_1203 : f32 to vector<16xf32>
    %select_n3A_1206 = arith.select %eq3A_1182, %broadcast_in_dim3A_1204, %broadcast_in_dim3A_1205 : vector<16xi1>, vector<16xf32>
    %add3A_1207 = arith.addf %add3A_1201, %select_n3A_1206 : vector<16xf32>
    %mul3A_1208 = arith.mulf %exp3A_1121, %div3A_1143 : vector<16xf32>
    %add3A_1209 = arith.addf %add3A_755, %mul3A_1208 : vector<16xf32>
    %eq3A_1210 = arith.constant 2 : i32
    %eq3A_1211 = vector.broadcast %eq3A_1210 : i32 to vector<16xi32>
    %eq3A_1212 = arith.cmpi eq, %select_n3A_1030, %eq3A_1211 : vector<16xi32>
    %eq3A_1213 = arith.constant 2 : i32
    %eq3A_1214 = vector.broadcast %eq3A_1213 : i32 to vector<16xi32>
    %eq3A_1215 = arith.cmpi eq, %select_n3A_1106, %eq3A_1214 : vector<16xi32>
    %jit3A_1216 = arith.constant 0.000000e+00 : f32
    %broadcast_in_dim3A_1217 = vector.broadcast %jit3A_1216 : f32 to vector<16xf32>
    %select_n3A_1218 = arith.select %eq3A_1212, %div3A_1114, %broadcast_in_dim3A_1217 : vector<16xi1>, vector<16xf32>
    %jit3A_1219 = arith.constant 0.000000e+00 : f32
    %broadcast_in_dim3A_1220 = vector.broadcast %jit3A_1219 : f32 to vector<16xf32>
    %select_n3A_1221 = arith.select %eq3A_1215, %sub3A_1117, %broadcast_in_dim3A_1220 : vector<16xi1>, vector<16xf32>
    %add3A_1222 = arith.addf %select_n3A_1218, %select_n3A_1221 : vector<16xf32>
    %swap3A_1223 = arith.constant 2 : i32
    %swap3A_1224 = arith.index_cast %swap3A_1223 : i32 to index
    %swap3A_1225 = arith.constant 32 : index
    %swap3A_1226 = tpu.vector_load %arg7[%swap3A_1224, %swap3A_1225] {strides = array<i32>} : memref<8x64xf32, #tpu.memory_space<vmem>>, vector<1x16xf32>,
    %swap3A_1227 = vector.shape_cast %swap3A_1226 : vector<1x16xf32> to vector<16xf32>
    %swap3A_1228 = vector.shape_cast %add3A_1222 : vector<16xf32> to vector<1x16xf32>
    tpu.vector_store %arg7[%swap3A_1224, %swap3A_1225], %swap3A_1228 {strides = array<i32>} : memref<8x64xf32, #tpu.memory_space<vmem>>, vector<1x16xf32>,
    %jit3A_1229 = arith.constant 1.000000e+00 : f32
    %jit3A_1230 = arith.constant 0.000000e+00 : f32
    %broadcast_in_dim3A_1231 = vector.broadcast %jit3A_1229 : f32 to vector<16xf32>
    %broadcast_in_dim3A_1232 = vector.broadcast %jit3A_1230 : f32 to vector<16xf32>
    %select_n3A_1233 = arith.select %eq3A_1212, %broadcast_in_dim3A_1231, %broadcast_in_dim3A_1232 : vector<16xi1>, vector<16xf32>
    %add3A_1234 = arith.addf %add3A_786, %select_n3A_1233 : vector<16xf32>
    %jit3A_1235 = arith.constant 1.000000e+00 : f32
    %jit3A_1236 = arith.constant 0.000000e+00 : f32
    %broadcast_in_dim3A_1237 = vector.broadcast %jit3A_1235 : f32 to vector<16xf32>
    %broadcast_in_dim3A_1238 = vector.broadcast %jit3A_1236 : f32 to vector<16xf32>
    %select_n3A_1239 = arith.select %eq3A_1215, %broadcast_in_dim3A_1237, %broadcast_in_dim3A_1238 : vector<16xi1>, vector<16xf32>
    %add3A_1240 = arith.addf %add3A_1234, %select_n3A_1239 : vector<16xf32>
    %mul3A_1241 = arith.mulf %exp3A_1123, %div3A_1143 : vector<16xf32>
    %add3A_1242 = arith.addf %add3A_788, %mul3A_1241 : vector<16xf32>
    %eq3A_1243 = arith.constant 3 : i32
    %eq3A_1244 = vector.broadcast %eq3A_1243 : i32 to vector<16xi32>
    %eq3A_1245 = arith.cmpi eq, %select_n3A_1030, %eq3A_1244 : vector<16xi32>
    %eq3A_1246 = arith.constant 3 : i32
    %eq3A_1247 = vector.broadcast %eq3A_1246 : i32 to vector<16xi32>
    %eq3A_1248 = arith.cmpi eq, %select_n3A_1106, %eq3A_1247 : vector<16xi32>
    %jit3A_1249 = arith.constant 0.000000e+00 : f32
    %broadcast_in_dim3A_1250 = vector.broadcast %jit3A_1249 : f32 to vector<16xf32>
    %select_n3A_1251 = arith.select %eq3A_1245, %div3A_1114, %broadcast_in_dim3A_1250 : vector<16xi1>, vector<16xf32>
    %jit3A_1252 = arith.constant 0.000000e+00 : f32
    %broadcast_in_dim3A_1253 = vector.broadcast %jit3A_1252 : f32 to vector<16xf32>
    %select_n3A_1254 = arith.select %eq3A_1248, %sub3A_1117, %broadcast_in_dim3A_1253 : vector<16xi1>, vector<16xf32>
    %add3A_1255 = arith.addf %select_n3A_1251, %select_n3A_1254 : vector<16xf32>
    %swap3A_1256 = arith.constant 3 : i32
    %swap3A_1257 = arith.index_cast %swap3A_1256 : i32 to index
    %swap3A_1258 = arith.constant 32 : index
    %swap3A_1259 = tpu.vector_load %arg7[%swap3A_1257, %swap3A_1258] {strides = array<i32>} : memref<8x64xf32, #tpu.memory_space<vmem>>, vector<1x16xf32>,
    %swap3A_1260 = vector.shape_cast %swap3A_1259 : vector<1x16xf32> to vector<16xf32>
    %swap3A_1261 = vector.shape_cast %add3A_1255 : vector<16xf32> to vector<1x16xf32>
    tpu.vector_store %arg7[%swap3A_1257, %swap3A_1258], %swap3A_1261 {strides = array<i32>} : memref<8x64xf32, #tpu.memory_space<vmem>>, vector<1x16xf32>,
    %jit3A_1262 = arith.constant 1.000000e+00 : f32
    %jit3A_1263 = arith.constant 0.000000e+00 : f32
    %broadcast_in_dim3A_1264 = vector.broadcast %jit3A_1262 : f32 to vector<16xf32>
    %broadcast_in_dim3A_1265 = vector.broadcast %jit3A_1263 : f32 to vector<16xf32>
    %select_n3A_1266 = arith.select %eq3A_1245, %broadcast_in_dim3A_1264, %broadcast_in_dim3A_1265 : vector<16xi1>, vector<16xf32>
    %add3A_1267 = arith.addf %add3A_819, %select_n3A_1266 : vector<16xf32>
    %jit3A_1268 = arith.constant 1.000000e+00 : f32
    %jit3A_1269 = arith.constant 0.000000e+00 : f32
    %broadcast_in_dim3A_1270 = vector.broadcast %jit3A_1268 : f32 to vector<16xf32>
    %broadcast_in_dim3A_1271 = vector.broadcast %jit3A_1269 : f32 to vector<16xf32>
    %select_n3A_1272 = arith.select %eq3A_1248, %broadcast_in_dim3A_1270, %broadcast_in_dim3A_1271 : vector<16xi1>, vector<16xf32>
    %add3A_1273 = arith.addf %add3A_1267, %select_n3A_1272 : vector<16xf32>
    %mul3A_1274 = arith.mulf %exp3A_1125, %div3A_1143 : vector<16xf32>
    %add3A_1275 = arith.addf %add3A_821, %mul3A_1274 : vector<16xf32>
    %eq3A_1276 = arith.constant 4 : i32
    %eq3A_1277 = vector.broadcast %eq3A_1276 : i32 to vector<16xi32>
    %eq3A_1278 = arith.cmpi eq, %select_n3A_1030, %eq3A_1277 : vector<16xi32>
    %eq3A_1279 = arith.constant 4 : i32
    %eq3A_1280 = vector.broadcast %eq3A_1279 : i32 to vector<16xi32>
    %eq3A_1281 = arith.cmpi eq, %select_n3A_1106, %eq3A_1280 : vector<16xi32>
    %jit3A_1282 = arith.constant 0.000000e+00 : f32
    %broadcast_in_dim3A_1283 = vector.broadcast %jit3A_1282 : f32 to vector<16xf32>
    %select_n3A_1284 = arith.select %eq3A_1278, %div3A_1114, %broadcast_in_dim3A_1283 : vector<16xi1>, vector<16xf32>
    %jit3A_1285 = arith.constant 0.000000e+00 : f32
    %broadcast_in_dim3A_1286 = vector.broadcast %jit3A_1285 : f32 to vector<16xf32>
    %select_n3A_1287 = arith.select %eq3A_1281, %sub3A_1117, %broadcast_in_dim3A_1286 : vector<16xi1>, vector<16xf32>
    %add3A_1288 = arith.addf %select_n3A_1284, %select_n3A_1287 : vector<16xf32>
    %swap3A_1289 = arith.constant 4 : i32
    %swap3A_1290 = arith.index_cast %swap3A_1289 : i32 to index
    %swap3A_1291 = arith.constant 32 : index
    %swap3A_1292 = tpu.vector_load %arg7[%swap3A_1290, %swap3A_1291] {strides = array<i32>} : memref<8x64xf32, #tpu.memory_space<vmem>>, vector<1x16xf32>,
    %swap3A_1293 = vector.shape_cast %swap3A_1292 : vector<1x16xf32> to vector<16xf32>
    %swap3A_1294 = vector.shape_cast %add3A_1288 : vector<16xf32> to vector<1x16xf32>
    tpu.vector_store %arg7[%swap3A_1290, %swap3A_1291], %swap3A_1294 {strides = array<i32>} : memref<8x64xf32, #tpu.memory_space<vmem>>, vector<1x16xf32>,
    %jit3A_1295 = arith.constant 1.000000e+00 : f32
    %jit3A_1296 = arith.constant 0.000000e+00 : f32
    %broadcast_in_dim3A_1297 = vector.broadcast %jit3A_1295 : f32 to vector<16xf32>
    %broadcast_in_dim3A_1298 = vector.broadcast %jit3A_1296 : f32 to vector<16xf32>
    %select_n3A_1299 = arith.select %eq3A_1278, %broadcast_in_dim3A_1297, %broadcast_in_dim3A_1298 : vector<16xi1>, vector<16xf32>
    %add3A_1300 = arith.addf %add3A_852, %select_n3A_1299 : vector<16xf32>
    %jit3A_1301 = arith.constant 1.000000e+00 : f32
    %jit3A_1302 = arith.constant 0.000000e+00 : f32
    %broadcast_in_dim3A_1303 = vector.broadcast %jit3A_1301 : f32 to vector<16xf32>
    %broadcast_in_dim3A_1304 = vector.broadcast %jit3A_1302 : f32 to vector<16xf32>
    %select_n3A_1305 = arith.select %eq3A_1281, %broadcast_in_dim3A_1303, %broadcast_in_dim3A_1304 : vector<16xi1>, vector<16xf32>
    %add3A_1306 = arith.addf %add3A_1300, %select_n3A_1305 : vector<16xf32>
    %mul3A_1307 = arith.mulf %exp3A_1127, %div3A_1143 : vector<16xf32>
    %add3A_1308 = arith.addf %add3A_854, %mul3A_1307 : vector<16xf32>
    %eq3A_1309 = arith.constant 5 : i32
    %eq3A_1310 = vector.broadcast %eq3A_1309 : i32 to vector<16xi32>
    %eq3A_1311 = arith.cmpi eq, %select_n3A_1030, %eq3A_1310 : vector<16xi32>
    %eq3A_1312 = arith.constant 5 : i32
    %eq3A_1313 = vector.broadcast %eq3A_1312 : i32 to vector<16xi32>
    %eq3A_1314 = arith.cmpi eq, %select_n3A_1106, %eq3A_1313 : vector<16xi32>
    %jit3A_1315 = arith.constant 0.000000e+00 : f32
    %broadcast_in_dim3A_1316 = vector.broadcast %jit3A_1315 : f32 to vector<16xf32>
    %select_n3A_1317 = arith.select %eq3A_1311, %div3A_1114, %broadcast_in_dim3A_1316 : vector<16xi1>, vector<16xf32>
    %jit3A_1318 = arith.constant 0.000000e+00 : f32
    %broadcast_in_dim3A_1319 = vector.broadcast %jit3A_1318 : f32 to vector<16xf32>
    %select_n3A_1320 = arith.select %eq3A_1314, %sub3A_1117, %broadcast_in_dim3A_1319 : vector<16xi1>, vector<16xf32>
    %add3A_1321 = arith.addf %select_n3A_1317, %select_n3A_1320 : vector<16xf32>
    %swap3A_1322 = arith.constant 5 : i32
    %swap3A_1323 = arith.index_cast %swap3A_1322 : i32 to index
    %swap3A_1324 = arith.constant 32 : index
    %swap3A_1325 = tpu.vector_load %arg7[%swap3A_1323, %swap3A_1324] {strides = array<i32>} : memref<8x64xf32, #tpu.memory_space<vmem>>, vector<1x16xf32>,
    %swap3A_1326 = vector.shape_cast %swap3A_1325 : vector<1x16xf32> to vector<16xf32>
    %swap3A_1327 = vector.shape_cast %add3A_1321 : vector<16xf32> to vector<1x16xf32>
    tpu.vector_store %arg7[%swap3A_1323, %swap3A_1324], %swap3A_1327 {strides = array<i32>} : memref<8x64xf32, #tpu.memory_space<vmem>>, vector<1x16xf32>,
    %jit3A_1328 = arith.constant 1.000000e+00 : f32
    %jit3A_1329 = arith.constant 0.000000e+00 : f32
    %broadcast_in_dim3A_1330 = vector.broadcast %jit3A_1328 : f32 to vector<16xf32>
    %broadcast_in_dim3A_1331 = vector.broadcast %jit3A_1329 : f32 to vector<16xf32>
    %select_n3A_1332 = arith.select %eq3A_1311, %broadcast_in_dim3A_1330, %broadcast_in_dim3A_1331 : vector<16xi1>, vector<16xf32>
    %add3A_1333 = arith.addf %add3A_885, %select_n3A_1332 : vector<16xf32>
    %jit3A_1334 = arith.constant 1.000000e+00 : f32
    %jit3A_1335 = arith.constant 0.000000e+00 : f32
    %broadcast_in_dim3A_1336 = vector.broadcast %jit3A_1334 : f32 to vector<16xf32>
    %broadcast_in_dim3A_1337 = vector.broadcast %jit3A_1335 : f32 to vector<16xf32>
    %select_n3A_1338 = arith.select %eq3A_1314, %broadcast_in_dim3A_1336, %broadcast_in_dim3A_1337 : vector<16xi1>, vector<16xf32>
    %add3A_1339 = arith.addf %add3A_1333, %select_n3A_1338 : vector<16xf32>
    %mul3A_1340 = arith.mulf %exp3A_1129, %div3A_1143 : vector<16xf32>
    %add3A_1341 = arith.addf %add3A_887, %mul3A_1340 : vector<16xf32>
    %eq3A_1342 = arith.constant 6 : i32
    %eq3A_1343 = vector.broadcast %eq3A_1342 : i32 to vector<16xi32>
    %eq3A_1344 = arith.cmpi eq, %select_n3A_1030, %eq3A_1343 : vector<16xi32>
    %eq3A_1345 = arith.constant 6 : i32
    %eq3A_1346 = vector.broadcast %eq3A_1345 : i32 to vector<16xi32>
    %eq3A_1347 = arith.cmpi eq, %select_n3A_1106, %eq3A_1346 : vector<16xi32>
    %jit3A_1348 = arith.constant 0.000000e+00 : f32
    %broadcast_in_dim3A_1349 = vector.broadcast %jit3A_1348 : f32 to vector<16xf32>
    %select_n3A_1350 = arith.select %eq3A_1344, %div3A_1114, %broadcast_in_dim3A_1349 : vector<16xi1>, vector<16xf32>
    %jit3A_1351 = arith.constant 0.000000e+00 : f32
    %broadcast_in_dim3A_1352 = vector.broadcast %jit3A_1351 : f32 to vector<16xf32>
    %select_n3A_1353 = arith.select %eq3A_1347, %sub3A_1117, %broadcast_in_dim3A_1352 : vector<16xi1>, vector<16xf32>
    %add3A_1354 = arith.addf %select_n3A_1350, %select_n3A_1353 : vector<16xf32>
    %swap3A_1355 = arith.constant 6 : i32
    %swap3A_1356 = arith.index_cast %swap3A_1355 : i32 to index
    %swap3A_1357 = arith.constant 32 : index
    %swap3A_1358 = tpu.vector_load %arg7[%swap3A_1356, %swap3A_1357] {strides = array<i32>} : memref<8x64xf32, #tpu.memory_space<vmem>>, vector<1x16xf32>,
    %swap3A_1359 = vector.shape_cast %swap3A_1358 : vector<1x16xf32> to vector<16xf32>
    %swap3A_1360 = vector.shape_cast %add3A_1354 : vector<16xf32> to vector<1x16xf32>
    tpu.vector_store %arg7[%swap3A_1356, %swap3A_1357], %swap3A_1360 {strides = array<i32>} : memref<8x64xf32, #tpu.memory_space<vmem>>, vector<1x16xf32>,
    %jit3A_1361 = arith.constant 1.000000e+00 : f32
    %jit3A_1362 = arith.constant 0.000000e+00 : f32
    %broadcast_in_dim3A_1363 = vector.broadcast %jit3A_1361 : f32 to vector<16xf32>
    %broadcast_in_dim3A_1364 = vector.broadcast %jit3A_1362 : f32 to vector<16xf32>
    %select_n3A_1365 = arith.select %eq3A_1344, %broadcast_in_dim3A_1363, %broadcast_in_dim3A_1364 : vector<16xi1>, vector<16xf32>
    %add3A_1366 = arith.addf %add3A_918, %select_n3A_1365 : vector<16xf32>
    %jit3A_1367 = arith.constant 1.000000e+00 : f32
    %jit3A_1368 = arith.constant 0.000000e+00 : f32
    %broadcast_in_dim3A_1369 = vector.broadcast %jit3A_1367 : f32 to vector<16xf32>
    %broadcast_in_dim3A_1370 = vector.broadcast %jit3A_1368 : f32 to vector<16xf32>
    %select_n3A_1371 = arith.select %eq3A_1347, %broadcast_in_dim3A_1369, %broadcast_in_dim3A_1370 : vector<16xi1>, vector<16xf32>
    %add3A_1372 = arith.addf %add3A_1366, %select_n3A_1371 : vector<16xf32>
    %mul3A_1373 = arith.mulf %exp3A_1131, %div3A_1143 : vector<16xf32>
    %add3A_1374 = arith.addf %add3A_920, %mul3A_1373 : vector<16xf32>
    %eq3A_1375 = arith.constant 7 : i32
    %eq3A_1376 = vector.broadcast %eq3A_1375 : i32 to vector<16xi32>
    %eq3A_1377 = arith.cmpi eq, %select_n3A_1030, %eq3A_1376 : vector<16xi32>
    %eq3A_1378 = arith.constant 7 : i32
    %eq3A_1379 = vector.broadcast %eq3A_1378 : i32 to vector<16xi32>
    %eq3A_1380 = arith.cmpi eq, %select_n3A_1106, %eq3A_1379 : vector<16xi32>
    %jit3A_1381 = arith.constant 0.000000e+00 : f32
    %broadcast_in_dim3A_1382 = vector.broadcast %jit3A_1381 : f32 to vector<16xf32>
    %select_n3A_1383 = arith.select %eq3A_1377, %div3A_1114, %broadcast_in_dim3A_1382 : vector<16xi1>, vector<16xf32>
    %jit3A_1384 = arith.constant 0.000000e+00 : f32
    %broadcast_in_dim3A_1385 = vector.broadcast %jit3A_1384 : f32 to vector<16xf32>
    %select_n3A_1386 = arith.select %eq3A_1380, %sub3A_1117, %broadcast_in_dim3A_1385 : vector<16xi1>, vector<16xf32>
    %add3A_1387 = arith.addf %select_n3A_1383, %select_n3A_1386 : vector<16xf32>
    %swap3A_1388 = arith.constant 7 : i32
    %swap3A_1389 = arith.index_cast %swap3A_1388 : i32 to index
    %swap3A_1390 = arith.constant 32 : index
    %swap3A_1391 = tpu.vector_load %arg7[%swap3A_1389, %swap3A_1390] {strides = array<i32>} : memref<8x64xf32, #tpu.memory_space<vmem>>, vector<1x16xf32>,
    %swap3A_1392 = vector.shape_cast %swap3A_1391 : vector<1x16xf32> to vector<16xf32>
    %swap3A_1393 = vector.shape_cast %add3A_1387 : vector<16xf32> to vector<1x16xf32>
    tpu.vector_store %arg7[%swap3A_1389, %swap3A_1390], %swap3A_1393 {strides = array<i32>} : memref<8x64xf32, #tpu.memory_space<vmem>>, vector<1x16xf32>,
    %jit3A_1394 = arith.constant 1.000000e+00 : f32
    %jit3A_1395 = arith.constant 0.000000e+00 : f32
    %broadcast_in_dim3A_1396 = vector.broadcast %jit3A_1394 : f32 to vector<16xf32>
    %broadcast_in_dim3A_1397 = vector.broadcast %jit3A_1395 : f32 to vector<16xf32>
    %select_n3A_1398 = arith.select %eq3A_1377, %broadcast_in_dim3A_1396, %broadcast_in_dim3A_1397 : vector<16xi1>, vector<16xf32>
    %add3A_1399 = arith.addf %add3A_951, %select_n3A_1398 : vector<16xf32>
    %jit3A_1400 = arith.constant 1.000000e+00 : f32
    %jit3A_1401 = arith.constant 0.000000e+00 : f32
    %broadcast_in_dim3A_1402 = vector.broadcast %jit3A_1400 : f32 to vector<16xf32>
    %broadcast_in_dim3A_1403 = vector.broadcast %jit3A_1401 : f32 to vector<16xf32>
    %select_n3A_1404 = arith.select %eq3A_1380, %broadcast_in_dim3A_1402, %broadcast_in_dim3A_1403 : vector<16xi1>, vector<16xf32>
    %add3A_1405 = arith.addf %add3A_1399, %select_n3A_1404 : vector<16xf32>
    %mul3A_1406 = arith.mulf %exp3A_1133, %div3A_1143 : vector<16xf32>
    %add3A_1407 = arith.addf %add3A_953, %mul3A_1406 : vector<16xf32>
    %get3A_1408 = arith.constant 0 : i32
    %get3A_1409 = arith.index_cast %get3A_1408 : i32 to index
    %get3A_1410 = arith.constant 48 : index
    %get3A_1411 = tpu.vector_load %arg6[%get3A_1409, %get3A_1410] {strides = array<i32>} : memref<8x64xf32, #tpu.memory_space<vmem>>, vector<1x16xf32>,
    %get3A_1412 = vector.shape_cast %get3A_1411 : vector<1x16xf32> to vector<16xf32>
    %get3A_1413 = arith.constant 1 : i32
    %get3A_1414 = arith.index_cast %get3A_1413 : i32 to index
    %get3A_1415 = arith.constant 48 : index
    %get3A_1416 = tpu.vector_load %arg6[%get3A_1414, %get3A_1415] {strides = array<i32>} : memref<8x64xf32, #tpu.memory_space<vmem>>, vector<1x16xf32>,
    %get3A_1417 = vector.shape_cast %get3A_1416 : vector<1x16xf32> to vector<16xf32>
    %get3A_1418 = arith.constant 2 : i32
    %get3A_1419 = arith.index_cast %get3A_1418 : i32 to index
    %get3A_1420 = arith.constant 48 : index
    %get3A_1421 = tpu.vector_load %arg6[%get3A_1419, %get3A_1420] {strides = array<i32>} : memref<8x64xf32, #tpu.memory_space<vmem>>, vector<1x16xf32>,
    %get3A_1422 = vector.shape_cast %get3A_1421 : vector<1x16xf32> to vector<16xf32>
    %get3A_1423 = arith.constant 3 : i32
    %get3A_1424 = arith.index_cast %get3A_1423 : i32 to index
    %get3A_1425 = arith.constant 48 : index
    %get3A_1426 = tpu.vector_load %arg6[%get3A_1424, %get3A_1425] {strides = array<i32>} : memref<8x64xf32, #tpu.memory_space<vmem>>, vector<1x16xf32>,
    %get3A_1427 = vector.shape_cast %get3A_1426 : vector<1x16xf32> to vector<16xf32>
    %get3A_1428 = arith.constant 4 : i32
    %get3A_1429 = arith.index_cast %get3A_1428 : i32 to index
    %get3A_1430 = arith.constant 48 : index
    %get3A_1431 = tpu.vector_load %arg6[%get3A_1429, %get3A_1430] {strides = array<i32>} : memref<8x64xf32, #tpu.memory_space<vmem>>, vector<1x16xf32>,
    %get3A_1432 = vector.shape_cast %get3A_1431 : vector<1x16xf32> to vector<16xf32>
    %get3A_1433 = arith.constant 5 : i32
    %get3A_1434 = arith.index_cast %get3A_1433 : i32 to index
    %get3A_1435 = arith.constant 48 : index
    %get3A_1436 = tpu.vector_load %arg6[%get3A_1434, %get3A_1435] {strides = array<i32>} : memref<8x64xf32, #tpu.memory_space<vmem>>, vector<1x16xf32>,
    %get3A_1437 = vector.shape_cast %get3A_1436 : vector<1x16xf32> to vector<16xf32>
    %get3A_1438 = arith.constant 6 : i32
    %get3A_1439 = arith.index_cast %get3A_1438 : i32 to index
    %get3A_1440 = arith.constant 48 : index
    %get3A_1441 = tpu.vector_load %arg6[%get3A_1439, %get3A_1440] {strides = array<i32>} : memref<8x64xf32, #tpu.memory_space<vmem>>, vector<1x16xf32>,
    %get3A_1442 = vector.shape_cast %get3A_1441 : vector<1x16xf32> to vector<16xf32>
    %get3A_1443 = arith.constant 7 : i32
    %get3A_1444 = arith.index_cast %get3A_1443 : i32 to index
    %get3A_1445 = arith.constant 48 : index
    %get3A_1446 = tpu.vector_load %arg6[%get3A_1444, %get3A_1445] {strides = array<i32>} : memref<8x64xf32, #tpu.memory_space<vmem>>, vector<1x16xf32>,
    %get3A_1447 = vector.shape_cast %get3A_1446 : vector<1x16xf32> to vector<16xf32>
    %broadcast_in_dim3A_1448 = arith.constant 0 : i32
    %broadcast_in_dim3A_1449 = vector.broadcast %broadcast_in_dim3A_1448 : i32 to vector<16xi32>
    %gt3A_1450 = arith.cmpf ogt, %get3A_1417, %get3A_1412 : vector<16xf32>
    %select_n3A_1451 = arith.select %gt3A_1450, %get3A_1417, %get3A_1412 : vector<16xi1>, vector<16xf32>
    %jit3A_1452 = arith.constant 1 : i32
    %broadcast_in_dim3A_1453 = vector.broadcast %jit3A_1452 : i32 to vector<16xi32>
    %select_n3A_1454 = arith.select %gt3A_1450, %broadcast_in_dim3A_1453, %broadcast_in_dim3A_1449 : vector<16xi1>, vector<16xi32>
    %gt3A_1455 = arith.cmpf ogt, %get3A_1422, %select_n3A_1451 : vector<16xf32>
    %select_n3A_1456 = arith.select %gt3A_1455, %get3A_1422, %select_n3A_1451 : vector<16xi1>, vector<16xf32>
    %jit3A_1457 = arith.constant 2 : i32
    %broadcast_in_dim3A_1458 = vector.broadcast %jit3A_1457 : i32 to vector<16xi32>
    %select_n3A_1459 = arith.select %gt3A_1455, %broadcast_in_dim3A_1458, %select_n3A_1454 : vector<16xi1>, vector<16xi32>
    %gt3A_1460 = arith.cmpf ogt, %get3A_1427, %select_n3A_1456 : vector<16xf32>
    %select_n3A_1461 = arith.select %gt3A_1460, %get3A_1427, %select_n3A_1456 : vector<16xi1>, vector<16xf32>
    %jit3A_1462 = arith.constant 3 : i32
    %broadcast_in_dim3A_1463 = vector.broadcast %jit3A_1462 : i32 to vector<16xi32>
    %select_n3A_1464 = arith.select %gt3A_1460, %broadcast_in_dim3A_1463, %select_n3A_1459 : vector<16xi1>, vector<16xi32>
    %gt3A_1465 = arith.cmpf ogt, %get3A_1432, %select_n3A_1461 : vector<16xf32>
    %select_n3A_1466 = arith.select %gt3A_1465, %get3A_1432, %select_n3A_1461 : vector<16xi1>, vector<16xf32>
    %jit3A_1467 = arith.constant 4 : i32
    %broadcast_in_dim3A_1468 = vector.broadcast %jit3A_1467 : i32 to vector<16xi32>
    %select_n3A_1469 = arith.select %gt3A_1465, %broadcast_in_dim3A_1468, %select_n3A_1464 : vector<16xi1>, vector<16xi32>
    %gt3A_1470 = arith.cmpf ogt, %get3A_1437, %select_n3A_1466 : vector<16xf32>
    %select_n3A_1471 = arith.select %gt3A_1470, %get3A_1437, %select_n3A_1466 : vector<16xi1>, vector<16xf32>
    %jit3A_1472 = arith.constant 5 : i32
    %broadcast_in_dim3A_1473 = vector.broadcast %jit3A_1472 : i32 to vector<16xi32>
    %select_n3A_1474 = arith.select %gt3A_1470, %broadcast_in_dim3A_1473, %select_n3A_1469 : vector<16xi1>, vector<16xi32>
    %gt3A_1475 = arith.cmpf ogt, %get3A_1442, %select_n3A_1471 : vector<16xf32>
    %select_n3A_1476 = arith.select %gt3A_1475, %get3A_1442, %select_n3A_1471 : vector<16xi1>, vector<16xf32>
    %jit3A_1477 = arith.constant 6 : i32
    %broadcast_in_dim3A_1478 = vector.broadcast %jit3A_1477 : i32 to vector<16xi32>
    %select_n3A_1479 = arith.select %gt3A_1475, %broadcast_in_dim3A_1478, %select_n3A_1474 : vector<16xi1>, vector<16xi32>
    %gt3A_1480 = arith.cmpf ogt, %get3A_1447, %select_n3A_1476 : vector<16xf32>
    %select_n3A_1481 = arith.select %gt3A_1480, %get3A_1447, %select_n3A_1476 : vector<16xi1>, vector<16xf32>
    %jit3A_1482 = arith.constant 7 : i32
    %broadcast_in_dim3A_1483 = vector.broadcast %jit3A_1482 : i32 to vector<16xi32>
    %select_n3A_1484 = arith.select %gt3A_1480, %broadcast_in_dim3A_1483, %select_n3A_1479 : vector<16xi1>, vector<16xi32>
    %broadcast_in_dim3A_1485 = arith.constant 0xFF800000 : f32
    %broadcast_in_dim3A_1486 = vector.broadcast %broadcast_in_dim3A_1485 : f32 to vector<16xf32>
    %broadcast_in_dim3A_1487 = arith.constant 0 : i32
    %broadcast_in_dim3A_1488 = vector.broadcast %broadcast_in_dim3A_1487 : i32 to vector<16xi32>
    %gt3A_1489 = arith.cmpf ogt, %get3A_1412, %broadcast_in_dim3A_1486 : vector<16xf32>
    %ne3A_1490 = arith.constant 0 : i32
    %ne3A_1491 = vector.broadcast %ne3A_1490 : i32 to vector<16xi32>
    %ne3A_1492 = arith.cmpi ne, %select_n3A_1484, %ne3A_1491 : vector<16xi32>
    %and3A_1493 = arith.andi %gt3A_1489, %ne3A_1492 : vector<16xi1>
    %select_n3A_1494 = arith.select %and3A_1493, %get3A_1412, %broadcast_in_dim3A_1486 : vector<16xi1>, vector<16xf32>
    %jit3A_1495 = arith.constant 0 : i32
    %broadcast_in_dim3A_1496 = vector.broadcast %jit3A_1495 : i32 to vector<16xi32>
    %select_n3A_1497 = arith.select %and3A_1493, %broadcast_in_dim3A_1496, %broadcast_in_dim3A_1488 : vector<16xi1>, vector<16xi32>
    %gt3A_1498 = arith.cmpf ogt, %get3A_1417, %select_n3A_1494 : vector<16xf32>
    %ne3A_1499 = arith.constant 1 : i32
    %ne3A_1500 = vector.broadcast %ne3A_1499 : i32 to vector<16xi32>
    %ne3A_1501 = arith.cmpi ne, %select_n3A_1484, %ne3A_1500 : vector<16xi32>
    %and3A_1502 = arith.andi %gt3A_1498, %ne3A_1501 : vector<16xi1>
    %select_n3A_1503 = arith.select %and3A_1502, %get3A_1417, %select_n3A_1494 : vector<16xi1>, vector<16xf32>
    %jit3A_1504 = arith.constant 1 : i32
    %broadcast_in_dim3A_1505 = vector.broadcast %jit3A_1504 : i32 to vector<16xi32>
    %select_n3A_1506 = arith.select %and3A_1502, %broadcast_in_dim3A_1505, %select_n3A_1497 : vector<16xi1>, vector<16xi32>
    %gt3A_1507 = arith.cmpf ogt, %get3A_1422, %select_n3A_1503 : vector<16xf32>
    %ne3A_1508 = arith.constant 2 : i32
    %ne3A_1509 = vector.broadcast %ne3A_1508 : i32 to vector<16xi32>
    %ne3A_1510 = arith.cmpi ne, %select_n3A_1484, %ne3A_1509 : vector<16xi32>
    %and3A_1511 = arith.andi %gt3A_1507, %ne3A_1510 : vector<16xi1>
    %select_n3A_1512 = arith.select %and3A_1511, %get3A_1422, %select_n3A_1503 : vector<16xi1>, vector<16xf32>
    %jit3A_1513 = arith.constant 2 : i32
    %broadcast_in_dim3A_1514 = vector.broadcast %jit3A_1513 : i32 to vector<16xi32>
    %select_n3A_1515 = arith.select %and3A_1511, %broadcast_in_dim3A_1514, %select_n3A_1506 : vector<16xi1>, vector<16xi32>
    %gt3A_1516 = arith.cmpf ogt, %get3A_1427, %select_n3A_1512 : vector<16xf32>
    %ne3A_1517 = arith.constant 3 : i32
    %ne3A_1518 = vector.broadcast %ne3A_1517 : i32 to vector<16xi32>
    %ne3A_1519 = arith.cmpi ne, %select_n3A_1484, %ne3A_1518 : vector<16xi32>
    %and3A_1520 = arith.andi %gt3A_1516, %ne3A_1519 : vector<16xi1>
    %select_n3A_1521 = arith.select %and3A_1520, %get3A_1427, %select_n3A_1512 : vector<16xi1>, vector<16xf32>
    %jit3A_1522 = arith.constant 3 : i32
    %broadcast_in_dim3A_1523 = vector.broadcast %jit3A_1522 : i32 to vector<16xi32>
    %select_n3A_1524 = arith.select %and3A_1520, %broadcast_in_dim3A_1523, %select_n3A_1515 : vector<16xi1>, vector<16xi32>
    %gt3A_1525 = arith.cmpf ogt, %get3A_1432, %select_n3A_1521 : vector<16xf32>
    %ne3A_1526 = arith.constant 4 : i32
    %ne3A_1527 = vector.broadcast %ne3A_1526 : i32 to vector<16xi32>
    %ne3A_1528 = arith.cmpi ne, %select_n3A_1484, %ne3A_1527 : vector<16xi32>
    %and3A_1529 = arith.andi %gt3A_1525, %ne3A_1528 : vector<16xi1>
    %select_n3A_1530 = arith.select %and3A_1529, %get3A_1432, %select_n3A_1521 : vector<16xi1>, vector<16xf32>
    %jit3A_1531 = arith.constant 4 : i32
    %broadcast_in_dim3A_1532 = vector.broadcast %jit3A_1531 : i32 to vector<16xi32>
    %select_n3A_1533 = arith.select %and3A_1529, %broadcast_in_dim3A_1532, %select_n3A_1524 : vector<16xi1>, vector<16xi32>
    %gt3A_1534 = arith.cmpf ogt, %get3A_1437, %select_n3A_1530 : vector<16xf32>
    %ne3A_1535 = arith.constant 5 : i32
    %ne3A_1536 = vector.broadcast %ne3A_1535 : i32 to vector<16xi32>
    %ne3A_1537 = arith.cmpi ne, %select_n3A_1484, %ne3A_1536 : vector<16xi32>
    %and3A_1538 = arith.andi %gt3A_1534, %ne3A_1537 : vector<16xi1>
    %select_n3A_1539 = arith.select %and3A_1538, %get3A_1437, %select_n3A_1530 : vector<16xi1>, vector<16xf32>
    %jit3A_1540 = arith.constant 5 : i32
    %broadcast_in_dim3A_1541 = vector.broadcast %jit3A_1540 : i32 to vector<16xi32>
    %select_n3A_1542 = arith.select %and3A_1538, %broadcast_in_dim3A_1541, %select_n3A_1533 : vector<16xi1>, vector<16xi32>
    %gt3A_1543 = arith.cmpf ogt, %get3A_1442, %select_n3A_1539 : vector<16xf32>
    %ne3A_1544 = arith.constant 6 : i32
    %ne3A_1545 = vector.broadcast %ne3A_1544 : i32 to vector<16xi32>
    %ne3A_1546 = arith.cmpi ne, %select_n3A_1484, %ne3A_1545 : vector<16xi32>
    %and3A_1547 = arith.andi %gt3A_1543, %ne3A_1546 : vector<16xi1>
    %select_n3A_1548 = arith.select %and3A_1547, %get3A_1442, %select_n3A_1539 : vector<16xi1>, vector<16xf32>
    %jit3A_1549 = arith.constant 6 : i32
    %broadcast_in_dim3A_1550 = vector.broadcast %jit3A_1549 : i32 to vector<16xi32>
    %select_n3A_1551 = arith.select %and3A_1547, %broadcast_in_dim3A_1550, %select_n3A_1542 : vector<16xi1>, vector<16xi32>
    %gt3A_1552 = arith.cmpf ogt, %get3A_1447, %select_n3A_1548 : vector<16xf32>
    %ne3A_1553 = arith.constant 7 : i32
    %ne3A_1554 = vector.broadcast %ne3A_1553 : i32 to vector<16xi32>
    %ne3A_1555 = arith.cmpi ne, %select_n3A_1484, %ne3A_1554 : vector<16xi32>
    %and3A_1556 = arith.andi %gt3A_1552, %ne3A_1555 : vector<16xi1>
    %select_n3A_1557 = arith.select %and3A_1556, %get3A_1447, %select_n3A_1548 : vector<16xi1>, vector<16xf32>
    %jit3A_1558 = arith.constant 7 : i32
    %broadcast_in_dim3A_1559 = vector.broadcast %jit3A_1558 : i32 to vector<16xi32>
    %select_n3A_1560 = arith.select %and3A_1556, %broadcast_in_dim3A_1559, %select_n3A_1551 : vector<16xi1>, vector<16xi32>
    %sub3A_1561 = arith.subf %select_n3A_1557, %select_n3A_1481 : vector<16xf32>
    %exp3A_1562 = math.exp %sub3A_1561 : vector<16xf32>
    %add3A_1563 = arith.constant 1.000000e+00 : f32
    %add3A_1564 = vector.broadcast %add3A_1563 : f32 to vector<16xf32>
    %add3A_1565 = arith.addf %add3A_1564, %exp3A_1562 : vector<16xf32>
    %div3A_1566 = arith.constant 1.000000e+00 : f32
    %div3A_1567 = vector.broadcast %div3A_1566 : f32 to vector<16xf32>
    %div3A_1568 = arith.divf %div3A_1567, %add3A_1565 : vector<16xf32>
    %sub3A_1569 = arith.constant 1.000000e+00 : f32
    %sub3A_1570 = vector.broadcast %sub3A_1569 : f32 to vector<16xf32>
    %sub3A_1571 = arith.subf %sub3A_1570, %div3A_1568 : vector<16xf32>
    %sub3A_1572 = arith.subf %get3A_1412, %select_n3A_1481 : vector<16xf32>
    %exp3A_1573 = math.exp %sub3A_1572 : vector<16xf32>
    %sub3A_1574 = arith.subf %get3A_1417, %select_n3A_1481 : vector<16xf32>
    %exp3A_1575 = math.exp %sub3A_1574 : vector<16xf32>
    %sub3A_1576 = arith.subf %get3A_1422, %select_n3A_1481 : vector<16xf32>
    %exp3A_1577 = math.exp %sub3A_1576 : vector<16xf32>
    %sub3A_1578 = arith.subf %get3A_1427, %select_n3A_1481 : vector<16xf32>
    %exp3A_1579 = math.exp %sub3A_1578 : vector<16xf32>
    %sub3A_1580 = arith.subf %get3A_1432, %select_n3A_1481 : vector<16xf32>
    %exp3A_1581 = math.exp %sub3A_1580 : vector<16xf32>
    %sub3A_1582 = arith.subf %get3A_1437, %select_n3A_1481 : vector<16xf32>
    %exp3A_1583 = math.exp %sub3A_1582 : vector<16xf32>
    %sub3A_1584 = arith.subf %get3A_1442, %select_n3A_1481 : vector<16xf32>
    %exp3A_1585 = math.exp %sub3A_1584 : vector<16xf32>
    %sub3A_1586 = arith.subf %get3A_1447, %select_n3A_1481 : vector<16xf32>
    %exp3A_1587 = math.exp %sub3A_1586 : vector<16xf32>
    %add3A_1588 = arith.addf %exp3A_1573, %exp3A_1575 : vector<16xf32>
    %add3A_1589 = arith.addf %add3A_1588, %exp3A_1577 : vector<16xf32>
    %add3A_1590 = arith.addf %add3A_1589, %exp3A_1579 : vector<16xf32>
    %add3A_1591 = arith.addf %add3A_1590, %exp3A_1581 : vector<16xf32>
    %add3A_1592 = arith.addf %add3A_1591, %exp3A_1583 : vector<16xf32>
    %add3A_1593 = arith.addf %add3A_1592, %exp3A_1585 : vector<16xf32>
    %add3A_1594 = arith.addf %add3A_1593, %exp3A_1587 : vector<16xf32>
    %div3A_1595 = arith.constant 1.000000e+00 : f32
    %div3A_1596 = vector.broadcast %div3A_1595 : f32 to vector<16xf32>
    %div3A_1597 = arith.divf %div3A_1596, %add3A_1594 : vector<16xf32>
    %eq3A_1598 = arith.constant 0 : i32
    %eq3A_1599 = vector.broadcast %eq3A_1598 : i32 to vector<16xi32>
    %eq3A_1600 = arith.cmpi eq, %select_n3A_1484, %eq3A_1599 : vector<16xi32>
    %eq3A_1601 = arith.constant 0 : i32
    %eq3A_1602 = vector.broadcast %eq3A_1601 : i32 to vector<16xi32>
    %eq3A_1603 = arith.cmpi eq, %select_n3A_1560, %eq3A_1602 : vector<16xi32>
    %jit3A_1604 = arith.constant 0.000000e+00 : f32
    %broadcast_in_dim3A_1605 = vector.broadcast %jit3A_1604 : f32 to vector<16xf32>
    %select_n3A_1606 = arith.select %eq3A_1600, %div3A_1568, %broadcast_in_dim3A_1605 : vector<16xi1>, vector<16xf32>
    %jit3A_1607 = arith.constant 0.000000e+00 : f32
    %broadcast_in_dim3A_1608 = vector.broadcast %jit3A_1607 : f32 to vector<16xf32>
    %select_n3A_1609 = arith.select %eq3A_1603, %sub3A_1571, %broadcast_in_dim3A_1608 : vector<16xi1>, vector<16xf32>
    %add3A_1610 = arith.addf %select_n3A_1606, %select_n3A_1609 : vector<16xf32>
    %swap3A_1611 = arith.constant 0 : i32
    %swap3A_1612 = arith.index_cast %swap3A_1611 : i32 to index
    %swap3A_1613 = arith.constant 48 : index
    %swap3A_1614 = tpu.vector_load %arg7[%swap3A_1612, %swap3A_1613] {strides = array<i32>} : memref<8x64xf32, #tpu.memory_space<vmem>>, vector<1x16xf32>,
    %swap3A_1615 = vector.shape_cast %swap3A_1614 : vector<1x16xf32> to vector<16xf32>
    %swap3A_1616 = vector.shape_cast %add3A_1610 : vector<16xf32> to vector<1x16xf32>
    tpu.vector_store %arg7[%swap3A_1612, %swap3A_1613], %swap3A_1616 {strides = array<i32>} : memref<8x64xf32, #tpu.memory_space<vmem>>, vector<1x16xf32>,
    %jit3A_1617 = arith.constant 1.000000e+00 : f32
    %jit3A_1618 = arith.constant 0.000000e+00 : f32
    %broadcast_in_dim3A_1619 = vector.broadcast %jit3A_1617 : f32 to vector<16xf32>
    %broadcast_in_dim3A_1620 = vector.broadcast %jit3A_1618 : f32 to vector<16xf32>
    %select_n3A_1621 = arith.select %eq3A_1600, %broadcast_in_dim3A_1619, %broadcast_in_dim3A_1620 : vector<16xi1>, vector<16xf32>
    %add3A_1622 = arith.addf %add3A_1174, %select_n3A_1621 : vector<16xf32>
    %jit3A_1623 = arith.constant 1.000000e+00 : f32
    %jit3A_1624 = arith.constant 0.000000e+00 : f32
    %broadcast_in_dim3A_1625 = vector.broadcast %jit3A_1623 : f32 to vector<16xf32>
    %broadcast_in_dim3A_1626 = vector.broadcast %jit3A_1624 : f32 to vector<16xf32>
    %select_n3A_1627 = arith.select %eq3A_1603, %broadcast_in_dim3A_1625, %broadcast_in_dim3A_1626 : vector<16xi1>, vector<16xf32>
    %add3A_1628 = arith.addf %add3A_1622, %select_n3A_1627 : vector<16xf32>
    %mul3A_1629 = arith.mulf %exp3A_1573, %div3A_1597 : vector<16xf32>
    %add3A_1630 = arith.addf %add3A_1176, %mul3A_1629 : vector<16xf32>
    %eq3A_1631 = arith.constant 1 : i32
    %eq3A_1632 = vector.broadcast %eq3A_1631 : i32 to vector<16xi32>
    %eq3A_1633 = arith.cmpi eq, %select_n3A_1484, %eq3A_1632 : vector<16xi32>
    %eq3A_1634 = arith.constant 1 : i32
    %eq3A_1635 = vector.broadcast %eq3A_1634 : i32 to vector<16xi32>
    %eq3A_1636 = arith.cmpi eq, %select_n3A_1560, %eq3A_1635 : vector<16xi32>
    %jit3A_1637 = arith.constant 0.000000e+00 : f32
    %broadcast_in_dim3A_1638 = vector.broadcast %jit3A_1637 : f32 to vector<16xf32>
    %select_n3A_1639 = arith.select %eq3A_1633, %div3A_1568, %broadcast_in_dim3A_1638 : vector<16xi1>, vector<16xf32>
    %jit3A_1640 = arith.constant 0.000000e+00 : f32
    %broadcast_in_dim3A_1641 = vector.broadcast %jit3A_1640 : f32 to vector<16xf32>
    %select_n3A_1642 = arith.select %eq3A_1636, %sub3A_1571, %broadcast_in_dim3A_1641 : vector<16xi1>, vector<16xf32>
    %add3A_1643 = arith.addf %select_n3A_1639, %select_n3A_1642 : vector<16xf32>
    %swap3A_1644 = arith.constant 1 : i32
    %swap3A_1645 = arith.index_cast %swap3A_1644 : i32 to index
    %swap3A_1646 = arith.constant 48 : index
    %swap3A_1647 = tpu.vector_load %arg7[%swap3A_1645, %swap3A_1646] {strides = array<i32>} : memref<8x64xf32, #tpu.memory_space<vmem>>, vector<1x16xf32>,
    %swap3A_1648 = vector.shape_cast %swap3A_1647 : vector<1x16xf32> to vector<16xf32>
    %swap3A_1649 = vector.shape_cast %add3A_1643 : vector<16xf32> to vector<1x16xf32>
    tpu.vector_store %arg7[%swap3A_1645, %swap3A_1646], %swap3A_1649 {strides = array<i32>} : memref<8x64xf32, #tpu.memory_space<vmem>>, vector<1x16xf32>,
    %jit3A_1650 = arith.constant 1.000000e+00 : f32
    %jit3A_1651 = arith.constant 0.000000e+00 : f32
    %broadcast_in_dim3A_1652 = vector.broadcast %jit3A_1650 : f32 to vector<16xf32>
    %broadcast_in_dim3A_1653 = vector.broadcast %jit3A_1651 : f32 to vector<16xf32>
    %select_n3A_1654 = arith.select %eq3A_1633, %broadcast_in_dim3A_1652, %broadcast_in_dim3A_1653 : vector<16xi1>, vector<16xf32>
    %add3A_1655 = arith.addf %add3A_1207, %select_n3A_1654 : vector<16xf32>
    %jit3A_1656 = arith.constant 1.000000e+00 : f32
    %jit3A_1657 = arith.constant 0.000000e+00 : f32
    %broadcast_in_dim3A_1658 = vector.broadcast %jit3A_1656 : f32 to vector<16xf32>
    %broadcast_in_dim3A_1659 = vector.broadcast %jit3A_1657 : f32 to vector<16xf32>
    %select_n3A_1660 = arith.select %eq3A_1636, %broadcast_in_dim3A_1658, %broadcast_in_dim3A_1659 : vector<16xi1>, vector<16xf32>
    %add3A_1661 = arith.addf %add3A_1655, %select_n3A_1660 : vector<16xf32>
    %mul3A_1662 = arith.mulf %exp3A_1575, %div3A_1597 : vector<16xf32>
    %add3A_1663 = arith.addf %add3A_1209, %mul3A_1662 : vector<16xf32>
    %eq3A_1664 = arith.constant 2 : i32
    %eq3A_1665 = vector.broadcast %eq3A_1664 : i32 to vector<16xi32>
    %eq3A_1666 = arith.cmpi eq, %select_n3A_1484, %eq3A_1665 : vector<16xi32>
    %eq3A_1667 = arith.constant 2 : i32
    %eq3A_1668 = vector.broadcast %eq3A_1667 : i32 to vector<16xi32>
    %eq3A_1669 = arith.cmpi eq, %select_n3A_1560, %eq3A_1668 : vector<16xi32>
    %jit3A_1670 = arith.constant 0.000000e+00 : f32
    %broadcast_in_dim3A_1671 = vector.broadcast %jit3A_1670 : f32 to vector<16xf32>
    %select_n3A_1672 = arith.select %eq3A_1666, %div3A_1568, %broadcast_in_dim3A_1671 : vector<16xi1>, vector<16xf32>
    %jit3A_1673 = arith.constant 0.000000e+00 : f32
    %broadcast_in_dim3A_1674 = vector.broadcast %jit3A_1673 : f32 to vector<16xf32>
    %select_n3A_1675 = arith.select %eq3A_1669, %sub3A_1571, %broadcast_in_dim3A_1674 : vector<16xi1>, vector<16xf32>
    %add3A_1676 = arith.addf %select_n3A_1672, %select_n3A_1675 : vector<16xf32>
    %swap3A_1677 = arith.constant 2 : i32
    %swap3A_1678 = arith.index_cast %swap3A_1677 : i32 to index
    %swap3A_1679 = arith.constant 48 : index
    %swap3A_1680 = tpu.vector_load %arg7[%swap3A_1678, %swap3A_1679] {strides = array<i32>} : memref<8x64xf32, #tpu.memory_space<vmem>>, vector<1x16xf32>,
    %swap3A_1681 = vector.shape_cast %swap3A_1680 : vector<1x16xf32> to vector<16xf32>
    %swap3A_1682 = vector.shape_cast %add3A_1676 : vector<16xf32> to vector<1x16xf32>
    tpu.vector_store %arg7[%swap3A_1678, %swap3A_1679], %swap3A_1682 {strides = array<i32>} : memref<8x64xf32, #tpu.memory_space<vmem>>, vector<1x16xf32>,
    %jit3A_1683 = arith.constant 1.000000e+00 : f32
    %jit3A_1684 = arith.constant 0.000000e+00 : f32
    %broadcast_in_dim3A_1685 = vector.broadcast %jit3A_1683 : f32 to vector<16xf32>
    %broadcast_in_dim3A_1686 = vector.broadcast %jit3A_1684 : f32 to vector<16xf32>
    %select_n3A_1687 = arith.select %eq3A_1666, %broadcast_in_dim3A_1685, %broadcast_in_dim3A_1686 : vector<16xi1>, vector<16xf32>
    %add3A_1688 = arith.addf %add3A_1240, %select_n3A_1687 : vector<16xf32>
    %jit3A_1689 = arith.constant 1.000000e+00 : f32
    %jit3A_1690 = arith.constant 0.000000e+00 : f32
    %broadcast_in_dim3A_1691 = vector.broadcast %jit3A_1689 : f32 to vector<16xf32>
    %broadcast_in_dim3A_1692 = vector.broadcast %jit3A_1690 : f32 to vector<16xf32>
    %select_n3A_1693 = arith.select %eq3A_1669, %broadcast_in_dim3A_1691, %broadcast_in_dim3A_1692 : vector<16xi1>, vector<16xf32>
    %add3A_1694 = arith.addf %add3A_1688, %select_n3A_1693 : vector<16xf32>
    %mul3A_1695 = arith.mulf %exp3A_1577, %div3A_1597 : vector<16xf32>
    %add3A_1696 = arith.addf %add3A_1242, %mul3A_1695 : vector<16xf32>
    %eq3A_1697 = arith.constant 3 : i32
    %eq3A_1698 = vector.broadcast %eq3A_1697 : i32 to vector<16xi32>
    %eq3A_1699 = arith.cmpi eq, %select_n3A_1484, %eq3A_1698 : vector<16xi32>
    %eq3A_1700 = arith.constant 3 : i32
    %eq3A_1701 = vector.broadcast %eq3A_1700 : i32 to vector<16xi32>
    %eq3A_1702 = arith.cmpi eq, %select_n3A_1560, %eq3A_1701 : vector<16xi32>
    %jit3A_1703 = arith.constant 0.000000e+00 : f32
    %broadcast_in_dim3A_1704 = vector.broadcast %jit3A_1703 : f32 to vector<16xf32>
    %select_n3A_1705 = arith.select %eq3A_1699, %div3A_1568, %broadcast_in_dim3A_1704 : vector<16xi1>, vector<16xf32>
    %jit3A_1706 = arith.constant 0.000000e+00 : f32
    %broadcast_in_dim3A_1707 = vector.broadcast %jit3A_1706 : f32 to vector<16xf32>
    %select_n3A_1708 = arith.select %eq3A_1702, %sub3A_1571, %broadcast_in_dim3A_1707 : vector<16xi1>, vector<16xf32>
    %add3A_1709 = arith.addf %select_n3A_1705, %select_n3A_1708 : vector<16xf32>
    %swap3A_1710 = arith.constant 3 : i32
    %swap3A_1711 = arith.index_cast %swap3A_1710 : i32 to index
    %swap3A_1712 = arith.constant 48 : index
    %swap3A_1713 = tpu.vector_load %arg7[%swap3A_1711, %swap3A_1712] {strides = array<i32>} : memref<8x64xf32, #tpu.memory_space<vmem>>, vector<1x16xf32>,
    %swap3A_1714 = vector.shape_cast %swap3A_1713 : vector<1x16xf32> to vector<16xf32>
    %swap3A_1715 = vector.shape_cast %add3A_1709 : vector<16xf32> to vector<1x16xf32>
    tpu.vector_store %arg7[%swap3A_1711, %swap3A_1712], %swap3A_1715 {strides = array<i32>} : memref<8x64xf32, #tpu.memory_space<vmem>>, vector<1x16xf32>,
    %jit3A_1716 = arith.constant 1.000000e+00 : f32
    %jit3A_1717 = arith.constant 0.000000e+00 : f32
    %broadcast_in_dim3A_1718 = vector.broadcast %jit3A_1716 : f32 to vector<16xf32>
    %broadcast_in_dim3A_1719 = vector.broadcast %jit3A_1717 : f32 to vector<16xf32>
    %select_n3A_1720 = arith.select %eq3A_1699, %broadcast_in_dim3A_1718, %broadcast_in_dim3A_1719 : vector<16xi1>, vector<16xf32>
    %add3A_1721 = arith.addf %add3A_1273, %select_n3A_1720 : vector<16xf32>
    %jit3A_1722 = arith.constant 1.000000e+00 : f32
    %jit3A_1723 = arith.constant 0.000000e+00 : f32
    %broadcast_in_dim3A_1724 = vector.broadcast %jit3A_1722 : f32 to vector<16xf32>
    %broadcast_in_dim3A_1725 = vector.broadcast %jit3A_1723 : f32 to vector<16xf32>
    %select_n3A_1726 = arith.select %eq3A_1702, %broadcast_in_dim3A_1724, %broadcast_in_dim3A_1725 : vector<16xi1>, vector<16xf32>
    %add3A_1727 = arith.addf %add3A_1721, %select_n3A_1726 : vector<16xf32>
    %mul3A_1728 = arith.mulf %exp3A_1579, %div3A_1597 : vector<16xf32>
    %add3A_1729 = arith.addf %add3A_1275, %mul3A_1728 : vector<16xf32>
    %eq3A_1730 = arith.constant 4 : i32
    %eq3A_1731 = vector.broadcast %eq3A_1730 : i32 to vector<16xi32>
    %eq3A_1732 = arith.cmpi eq, %select_n3A_1484, %eq3A_1731 : vector<16xi32>
    %eq3A_1733 = arith.constant 4 : i32
    %eq3A_1734 = vector.broadcast %eq3A_1733 : i32 to vector<16xi32>
    %eq3A_1735 = arith.cmpi eq, %select_n3A_1560, %eq3A_1734 : vector<16xi32>
    %jit3A_1736 = arith.constant 0.000000e+00 : f32
    %broadcast_in_dim3A_1737 = vector.broadcast %jit3A_1736 : f32 to vector<16xf32>
    %select_n3A_1738 = arith.select %eq3A_1732, %div3A_1568, %broadcast_in_dim3A_1737 : vector<16xi1>, vector<16xf32>
    %jit3A_1739 = arith.constant 0.000000e+00 : f32
    %broadcast_in_dim3A_1740 = vector.broadcast %jit3A_1739 : f32 to vector<16xf32>
    %select_n3A_1741 = arith.select %eq3A_1735, %sub3A_1571, %broadcast_in_dim3A_1740 : vector<16xi1>, vector<16xf32>
    %add3A_1742 = arith.addf %select_n3A_1738, %select_n3A_1741 : vector<16xf32>
    %swap3A_1743 = arith.constant 4 : i32
    %swap3A_1744 = arith.index_cast %swap3A_1743 : i32 to index
    %swap3A_1745 = arith.constant 48 : index
    %swap3A_1746 = tpu.vector_load %arg7[%swap3A_1744, %swap3A_1745] {strides = array<i32>} : memref<8x64xf32, #tpu.memory_space<vmem>>, vector<1x16xf32>,
    %swap3A_1747 = vector.shape_cast %swap3A_1746 : vector<1x16xf32> to vector<16xf32>
    %swap3A_1748 = vector.shape_cast %add3A_1742 : vector<16xf32> to vector<1x16xf32>
    tpu.vector_store %arg7[%swap3A_1744, %swap3A_1745], %swap3A_1748 {strides = array<i32>} : memref<8x64xf32, #tpu.memory_space<vmem>>, vector<1x16xf32>,
    %jit3A_1749 = arith.constant 1.000000e+00 : f32
    %jit3A_1750 = arith.constant 0.000000e+00 : f32
    %broadcast_in_dim3A_1751 = vector.broadcast %jit3A_1749 : f32 to vector<16xf32>
    %broadcast_in_dim3A_1752 = vector.broadcast %jit3A_1750 : f32 to vector<16xf32>
    %select_n3A_1753 = arith.select %eq3A_1732, %broadcast_in_dim3A_1751, %broadcast_in_dim3A_1752 : vector<16xi1>, vector<16xf32>
    %add3A_1754 = arith.addf %add3A_1306, %select_n3A_1753 : vector<16xf32>
    %jit3A_1755 = arith.constant 1.000000e+00 : f32
    %jit3A_1756 = arith.constant 0.000000e+00 : f32
    %broadcast_in_dim3A_1757 = vector.broadcast %jit3A_1755 : f32 to vector<16xf32>
    %broadcast_in_dim3A_1758 = vector.broadcast %jit3A_1756 : f32 to vector<16xf32>
    %select_n3A_1759 = arith.select %eq3A_1735, %broadcast_in_dim3A_1757, %broadcast_in_dim3A_1758 : vector<16xi1>, vector<16xf32>
    %add3A_1760 = arith.addf %add3A_1754, %select_n3A_1759 : vector<16xf32>
    %mul3A_1761 = arith.mulf %exp3A_1581, %div3A_1597 : vector<16xf32>
    %add3A_1762 = arith.addf %add3A_1308, %mul3A_1761 : vector<16xf32>
    %eq3A_1763 = arith.constant 5 : i32
    %eq3A_1764 = vector.broadcast %eq3A_1763 : i32 to vector<16xi32>
    %eq3A_1765 = arith.cmpi eq, %select_n3A_1484, %eq3A_1764 : vector<16xi32>
    %eq3A_1766 = arith.constant 5 : i32
    %eq3A_1767 = vector.broadcast %eq3A_1766 : i32 to vector<16xi32>
    %eq3A_1768 = arith.cmpi eq, %select_n3A_1560, %eq3A_1767 : vector<16xi32>
    %jit3A_1769 = arith.constant 0.000000e+00 : f32
    %broadcast_in_dim3A_1770 = vector.broadcast %jit3A_1769 : f32 to vector<16xf32>
    %select_n3A_1771 = arith.select %eq3A_1765, %div3A_1568, %broadcast_in_dim3A_1770 : vector<16xi1>, vector<16xf32>
    %jit3A_1772 = arith.constant 0.000000e+00 : f32
    %broadcast_in_dim3A_1773 = vector.broadcast %jit3A_1772 : f32 to vector<16xf32>
    %select_n3A_1774 = arith.select %eq3A_1768, %sub3A_1571, %broadcast_in_dim3A_1773 : vector<16xi1>, vector<16xf32>
    %add3A_1775 = arith.addf %select_n3A_1771, %select_n3A_1774 : vector<16xf32>
    %swap3A_1776 = arith.constant 5 : i32
    %swap3A_1777 = arith.index_cast %swap3A_1776 : i32 to index
    %swap3A_1778 = arith.constant 48 : index
    %swap3A_1779 = tpu.vector_load %arg7[%swap3A_1777, %swap3A_1778] {strides = array<i32>} : memref<8x64xf32, #tpu.memory_space<vmem>>, vector<1x16xf32>,
    %swap3A_1780 = vector.shape_cast %swap3A_1779 : vector<1x16xf32> to vector<16xf32>
    %swap3A_1781 = vector.shape_cast %add3A_1775 : vector<16xf32> to vector<1x16xf32>
    tpu.vector_store %arg7[%swap3A_1777, %swap3A_1778], %swap3A_1781 {strides = array<i32>} : memref<8x64xf32, #tpu.memory_space<vmem>>, vector<1x16xf32>,
    %jit3A_1782 = arith.constant 1.000000e+00 : f32
    %jit3A_1783 = arith.constant 0.000000e+00 : f32
    %broadcast_in_dim3A_1784 = vector.broadcast %jit3A_1782 : f32 to vector<16xf32>
    %broadcast_in_dim3A_1785 = vector.broadcast %jit3A_1783 : f32 to vector<16xf32>
    %select_n3A_1786 = arith.select %eq3A_1765, %broadcast_in_dim3A_1784, %broadcast_in_dim3A_1785 : vector<16xi1>, vector<16xf32>
    %add3A_1787 = arith.addf %add3A_1339, %select_n3A_1786 : vector<16xf32>
    %jit3A_1788 = arith.constant 1.000000e+00 : f32
    %jit3A_1789 = arith.constant 0.000000e+00 : f32
    %broadcast_in_dim3A_1790 = vector.broadcast %jit3A_1788 : f32 to vector<16xf32>
    %broadcast_in_dim3A_1791 = vector.broadcast %jit3A_1789 : f32 to vector<16xf32>
    %select_n3A_1792 = arith.select %eq3A_1768, %broadcast_in_dim3A_1790, %broadcast_in_dim3A_1791 : vector<16xi1>, vector<16xf32>
    %add3A_1793 = arith.addf %add3A_1787, %select_n3A_1792 : vector<16xf32>
    %mul3A_1794 = arith.mulf %exp3A_1583, %div3A_1597 : vector<16xf32>
    %add3A_1795 = arith.addf %add3A_1341, %mul3A_1794 : vector<16xf32>
    %eq3A_1796 = arith.constant 6 : i32
    %eq3A_1797 = vector.broadcast %eq3A_1796 : i32 to vector<16xi32>
    %eq3A_1798 = arith.cmpi eq, %select_n3A_1484, %eq3A_1797 : vector<16xi32>
    %eq3A_1799 = arith.constant 6 : i32
    %eq3A_1800 = vector.broadcast %eq3A_1799 : i32 to vector<16xi32>
    %eq3A_1801 = arith.cmpi eq, %select_n3A_1560, %eq3A_1800 : vector<16xi32>
    %jit3A_1802 = arith.constant 0.000000e+00 : f32
    %broadcast_in_dim3A_1803 = vector.broadcast %jit3A_1802 : f32 to vector<16xf32>
    %select_n3A_1804 = arith.select %eq3A_1798, %div3A_1568, %broadcast_in_dim3A_1803 : vector<16xi1>, vector<16xf32>
    %jit3A_1805 = arith.constant 0.000000e+00 : f32
    %broadcast_in_dim3A_1806 = vector.broadcast %jit3A_1805 : f32 to vector<16xf32>
    %select_n3A_1807 = arith.select %eq3A_1801, %sub3A_1571, %broadcast_in_dim3A_1806 : vector<16xi1>, vector<16xf32>
    %add3A_1808 = arith.addf %select_n3A_1804, %select_n3A_1807 : vector<16xf32>
    %swap3A_1809 = arith.constant 6 : i32
    %swap3A_1810 = arith.index_cast %swap3A_1809 : i32 to index
    %swap3A_1811 = arith.constant 48 : index
    %swap3A_1812 = tpu.vector_load %arg7[%swap3A_1810, %swap3A_1811] {strides = array<i32>} : memref<8x64xf32, #tpu.memory_space<vmem>>, vector<1x16xf32>,
    %swap3A_1813 = vector.shape_cast %swap3A_1812 : vector<1x16xf32> to vector<16xf32>
    %swap3A_1814 = vector.shape_cast %add3A_1808 : vector<16xf32> to vector<1x16xf32>
    tpu.vector_store %arg7[%swap3A_1810, %swap3A_1811], %swap3A_1814 {strides = array<i32>} : memref<8x64xf32, #tpu.memory_space<vmem>>, vector<1x16xf32>,
    %jit3A_1815 = arith.constant 1.000000e+00 : f32
    %jit3A_1816 = arith.constant 0.000000e+00 : f32
    %broadcast_in_dim3A_1817 = vector.broadcast %jit3A_1815 : f32 to vector<16xf32>
    %broadcast_in_dim3A_1818 = vector.broadcast %jit3A_1816 : f32 to vector<16xf32>
    %select_n3A_1819 = arith.select %eq3A_1798, %broadcast_in_dim3A_1817, %broadcast_in_dim3A_1818 : vector<16xi1>, vector<16xf32>
    %add3A_1820 = arith.addf %add3A_1372, %select_n3A_1819 : vector<16xf32>
    %jit3A_1821 = arith.constant 1.000000e+00 : f32
    %jit3A_1822 = arith.constant 0.000000e+00 : f32
    %broadcast_in_dim3A_1823 = vector.broadcast %jit3A_1821 : f32 to vector<16xf32>
    %broadcast_in_dim3A_1824 = vector.broadcast %jit3A_1822 : f32 to vector<16xf32>
    %select_n3A_1825 = arith.select %eq3A_1801, %broadcast_in_dim3A_1823, %broadcast_in_dim3A_1824 : vector<16xi1>, vector<16xf32>
    %add3A_1826 = arith.addf %add3A_1820, %select_n3A_1825 : vector<16xf32>
    %mul3A_1827 = arith.mulf %exp3A_1585, %div3A_1597 : vector<16xf32>
    %add3A_1828 = arith.addf %add3A_1374, %mul3A_1827 : vector<16xf32>
    %eq3A_1829 = arith.constant 7 : i32
    %eq3A_1830 = vector.broadcast %eq3A_1829 : i32 to vector<16xi32>
    %eq3A_1831 = arith.cmpi eq, %select_n3A_1484, %eq3A_1830 : vector<16xi32>
    %eq3A_1832 = arith.constant 7 : i32
    %eq3A_1833 = vector.broadcast %eq3A_1832 : i32 to vector<16xi32>
    %eq3A_1834 = arith.cmpi eq, %select_n3A_1560, %eq3A_1833 : vector<16xi32>
    %jit3A_1835 = arith.constant 0.000000e+00 : f32
    %broadcast_in_dim3A_1836 = vector.broadcast %jit3A_1835 : f32 to vector<16xf32>
    %select_n3A_1837 = arith.select %eq3A_1831, %div3A_1568, %broadcast_in_dim3A_1836 : vector<16xi1>, vector<16xf32>
    %jit3A_1838 = arith.constant 0.000000e+00 : f32
    %broadcast_in_dim3A_1839 = vector.broadcast %jit3A_1838 : f32 to vector<16xf32>
    %select_n3A_1840 = arith.select %eq3A_1834, %sub3A_1571, %broadcast_in_dim3A_1839 : vector<16xi1>, vector<16xf32>
    %add3A_1841 = arith.addf %select_n3A_1837, %select_n3A_1840 : vector<16xf32>
    %swap3A_1842 = arith.constant 7 : i32
    %swap3A_1843 = arith.index_cast %swap3A_1842 : i32 to index
    %swap3A_1844 = arith.constant 48 : index
    %swap3A_1845 = tpu.vector_load %arg7[%swap3A_1843, %swap3A_1844] {strides = array<i32>} : memref<8x64xf32, #tpu.memory_space<vmem>>, vector<1x16xf32>,
    %swap3A_1846 = vector.shape_cast %swap3A_1845 : vector<1x16xf32> to vector<16xf32>
    %swap3A_1847 = vector.shape_cast %add3A_1841 : vector<16xf32> to vector<1x16xf32>
    tpu.vector_store %arg7[%swap3A_1843, %swap3A_1844], %swap3A_1847 {strides = array<i32>} : memref<8x64xf32, #tpu.memory_space<vmem>>, vector<1x16xf32>,
    %jit3A_1848 = arith.constant 1.000000e+00 : f32
    %jit3A_1849 = arith.constant 0.000000e+00 : f32
    %broadcast_in_dim3A_1850 = vector.broadcast %jit3A_1848 : f32 to vector<16xf32>
    %broadcast_in_dim3A_1851 = vector.broadcast %jit3A_1849 : f32 to vector<16xf32>
    %select_n3A_1852 = arith.select %eq3A_1831, %broadcast_in_dim3A_1850, %broadcast_in_dim3A_1851 : vector<16xi1>, vector<16xf32>
    %add3A_1853 = arith.addf %add3A_1405, %select_n3A_1852 : vector<16xf32>
    %jit3A_1854 = arith.constant 1.000000e+00 : f32
    %jit3A_1855 = arith.constant 0.000000e+00 : f32
    %broadcast_in_dim3A_1856 = vector.broadcast %jit3A_1854 : f32 to vector<16xf32>
    %broadcast_in_dim3A_1857 = vector.broadcast %jit3A_1855 : f32 to vector<16xf32>
    %select_n3A_1858 = arith.select %eq3A_1834, %broadcast_in_dim3A_1856, %broadcast_in_dim3A_1857 : vector<16xi1>, vector<16xf32>
    %add3A_1859 = arith.addf %add3A_1853, %select_n3A_1858 : vector<16xf32>
    %mul3A_1860 = arith.mulf %exp3A_1587, %div3A_1597 : vector<16xf32>
    %add3A_1861 = arith.addf %add3A_1407, %mul3A_1860 : vector<16xf32>
    %swap3A_1862 = arith.constant 0 : index
    %swap3A_1863 = tpu.vector_load %arg8[%swap3A_1862] {strides = array<i32>} : memref<128xf32, #tpu.memory_space<vmem>>, vector<16xf32>,
    %swap3A_1864 = vector.shape_cast %swap3A_1863 : vector<16xf32> to vector<16xf32>
    %swap3A_1865 = vector.shape_cast %add3A_1628 : vector<16xf32> to vector<16xf32>
    tpu.vector_store %arg8[%swap3A_1862], %swap3A_1865 {strides = array<i32>} : memref<128xf32, #tpu.memory_space<vmem>>, vector<16xf32>,
    %swap3A_1866 = arith.constant 0 : index
    %swap3A_1867 = tpu.vector_load %arg9[%swap3A_1866] {strides = array<i32>} : memref<128xf32, #tpu.memory_space<vmem>>, vector<16xf32>,
    %swap3A_1868 = vector.shape_cast %swap3A_1867 : vector<16xf32> to vector<16xf32>
    %swap3A_1869 = vector.shape_cast %add3A_1630 : vector<16xf32> to vector<16xf32>
    tpu.vector_store %arg9[%swap3A_1866], %swap3A_1869 {strides = array<i32>} : memref<128xf32, #tpu.memory_space<vmem>>, vector<16xf32>,
    %swap3A_1870 = arith.constant 16 : index
    %swap3A_1871 = tpu.vector_load %arg8[%swap3A_1870] {strides = array<i32>} : memref<128xf32, #tpu.memory_space<vmem>>, vector<16xf32>,
    %swap3A_1872 = vector.shape_cast %swap3A_1871 : vector<16xf32> to vector<16xf32>
    %swap3A_1873 = vector.shape_cast %add3A_1661 : vector<16xf32> to vector<16xf32>
    tpu.vector_store %arg8[%swap3A_1870], %swap3A_1873 {strides = array<i32>} : memref<128xf32, #tpu.memory_space<vmem>>, vector<16xf32>,
    %swap3A_1874 = arith.constant 16 : index
    %swap3A_1875 = tpu.vector_load %arg9[%swap3A_1874] {strides = array<i32>} : memref<128xf32, #tpu.memory_space<vmem>>, vector<16xf32>,
    %swap3A_1876 = vector.shape_cast %swap3A_1875 : vector<16xf32> to vector<16xf32>
    %swap3A_1877 = vector.shape_cast %add3A_1663 : vector<16xf32> to vector<16xf32>
    tpu.vector_store %arg9[%swap3A_1874], %swap3A_1877 {strides = array<i32>} : memref<128xf32, #tpu.memory_space<vmem>>, vector<16xf32>,
    %swap3A_1878 = arith.constant 32 : index
    %swap3A_1879 = tpu.vector_load %arg8[%swap3A_1878] {strides = array<i32>} : memref<128xf32, #tpu.memory_space<vmem>>, vector<16xf32>,
    %swap3A_1880 = vector.shape_cast %swap3A_1879 : vector<16xf32> to vector<16xf32>
    %swap3A_1881 = vector.shape_cast %add3A_1694 : vector<16xf32> to vector<16xf32>
    tpu.vector_store %arg8[%swap3A_1878], %swap3A_1881 {strides = array<i32>} : memref<128xf32, #tpu.memory_space<vmem>>, vector<16xf32>,
    %swap3A_1882 = arith.constant 32 : index
    %swap3A_1883 = tpu.vector_load %arg9[%swap3A_1882] {strides = array<i32>} : memref<128xf32, #tpu.memory_space<vmem>>, vector<16xf32>,
    %swap3A_1884 = vector.shape_cast %swap3A_1883 : vector<16xf32> to vector<16xf32>
    %swap3A_1885 = vector.shape_cast %add3A_1696 : vector<16xf32> to vector<16xf32>
    tpu.vector_store %arg9[%swap3A_1882], %swap3A_1885 {strides = array<i32>} : memref<128xf32, #tpu.memory_space<vmem>>, vector<16xf32>,
    %swap3A_1886 = arith.constant 48 : index
    %swap3A_1887 = tpu.vector_load %arg8[%swap3A_1886] {strides = array<i32>} : memref<128xf32, #tpu.memory_space<vmem>>, vector<16xf32>,
    %swap3A_1888 = vector.shape_cast %swap3A_1887 : vector<16xf32> to vector<16xf32>
    %swap3A_1889 = vector.shape_cast %add3A_1727 : vector<16xf32> to vector<16xf32>
    tpu.vector_store %arg8[%swap3A_1886], %swap3A_1889 {strides = array<i32>} : memref<128xf32, #tpu.memory_space<vmem>>, vector<16xf32>,
    %swap3A_1890 = arith.constant 48 : index
    %swap3A_1891 = tpu.vector_load %arg9[%swap3A_1890] {strides = array<i32>} : memref<128xf32, #tpu.memory_space<vmem>>, vector<16xf32>,
    %swap3A_1892 = vector.shape_cast %swap3A_1891 : vector<16xf32> to vector<16xf32>
    %swap3A_1893 = vector.shape_cast %add3A_1729 : vector<16xf32> to vector<16xf32>
    tpu.vector_store %arg9[%swap3A_1890], %swap3A_1893 {strides = array<i32>} : memref<128xf32, #tpu.memory_space<vmem>>, vector<16xf32>,
    %swap3A_1894 = arith.constant 64 : index
    %swap3A_1895 = tpu.vector_load %arg8[%swap3A_1894] {strides = array<i32>} : memref<128xf32, #tpu.memory_space<vmem>>, vector<16xf32>,
    %swap3A_1896 = vector.shape_cast %swap3A_1895 : vector<16xf32> to vector<16xf32>
    %swap3A_1897 = vector.shape_cast %add3A_1760 : vector<16xf32> to vector<16xf32>
    tpu.vector_store %arg8[%swap3A_1894], %swap3A_1897 {strides = array<i32>} : memref<128xf32, #tpu.memory_space<vmem>>, vector<16xf32>,
    %swap3A_1898 = arith.constant 64 : index
    %swap3A_1899 = tpu.vector_load %arg9[%swap3A_1898] {strides = array<i32>} : memref<128xf32, #tpu.memory_space<vmem>>, vector<16xf32>,
    %swap3A_1900 = vector.shape_cast %swap3A_1899 : vector<16xf32> to vector<16xf32>
    %swap3A_1901 = vector.shape_cast %add3A_1762 : vector<16xf32> to vector<16xf32>
    tpu.vector_store %arg9[%swap3A_1898], %swap3A_1901 {strides = array<i32>} : memref<128xf32, #tpu.memory_space<vmem>>, vector<16xf32>,
    %swap3A_1902 = arith.constant 80 : index
    %swap3A_1903 = tpu.vector_load %arg8[%swap3A_1902] {strides = array<i32>} : memref<128xf32, #tpu.memory_space<vmem>>, vector<16xf32>,
    %swap3A_1904 = vector.shape_cast %swap3A_1903 : vector<16xf32> to vector<16xf32>
    %swap3A_1905 = vector.shape_cast %add3A_1793 : vector<16xf32> to vector<16xf32>
    tpu.vector_store %arg8[%swap3A_1902], %swap3A_1905 {strides = array<i32>} : memref<128xf32, #tpu.memory_space<vmem>>, vector<16xf32>,
    %swap3A_1906 = arith.constant 80 : index
    %swap3A_1907 = tpu.vector_load %arg9[%swap3A_1906] {strides = array<i32>} : memref<128xf32, #tpu.memory_space<vmem>>, vector<16xf32>,
    %swap3A_1908 = vector.shape_cast %swap3A_1907 : vector<16xf32> to vector<16xf32>
    %swap3A_1909 = vector.shape_cast %add3A_1795 : vector<16xf32> to vector<16xf32>
    tpu.vector_store %arg9[%swap3A_1906], %swap3A_1909 {strides = array<i32>} : memref<128xf32, #tpu.memory_space<vmem>>, vector<16xf32>,
    %swap3A_1910 = arith.constant 96 : index
    %swap3A_1911 = tpu.vector_load %arg8[%swap3A_1910] {strides = array<i32>} : memref<128xf32, #tpu.memory_space<vmem>>, vector<16xf32>,
    %swap3A_1912 = vector.shape_cast %swap3A_1911 : vector<16xf32> to vector<16xf32>
    %swap3A_1913 = vector.shape_cast %add3A_1826 : vector<16xf32> to vector<16xf32>
    tpu.vector_store %arg8[%swap3A_1910], %swap3A_1913 {strides = array<i32>} : memref<128xf32, #tpu.memory_space<vmem>>, vector<16xf32>,
    %swap3A_1914 = arith.constant 96 : index
    %swap3A_1915 = tpu.vector_load %arg9[%swap3A_1914] {strides = array<i32>} : memref<128xf32, #tpu.memory_space<vmem>>, vector<16xf32>,
    %swap3A_1916 = vector.shape_cast %swap3A_1915 : vector<16xf32> to vector<16xf32>
    %swap3A_1917 = vector.shape_cast %add3A_1828 : vector<16xf32> to vector<16xf32>
    tpu.vector_store %arg9[%swap3A_1914], %swap3A_1917 {strides = array<i32>} : memref<128xf32, #tpu.memory_space<vmem>>, vector<16xf32>,
    %swap3A_1918 = arith.constant 112 : index
    %swap3A_1919 = tpu.vector_load %arg8[%swap3A_1918] {strides = array<i32>} : memref<128xf32, #tpu.memory_space<vmem>>, vector<16xf32>,
    %swap3A_1920 = vector.shape_cast %swap3A_1919 : vector<16xf32> to vector<16xf32>
    %swap3A_1921 = vector.shape_cast %add3A_1859 : vector<16xf32> to vector<16xf32>
    tpu.vector_store %arg8[%swap3A_1918], %swap3A_1921 {strides = array<i32>} : memref<128xf32, #tpu.memory_space<vmem>>, vector<16xf32>,
    %swap3A_1922 = arith.constant 112 : index
    %swap3A_1923 = tpu.vector_load %arg9[%swap3A_1922] {strides = array<i32>} : memref<128xf32, #tpu.memory_space<vmem>>, vector<16xf32>,
    %swap3A_1924 = vector.shape_cast %swap3A_1923 : vector<16xf32> to vector<16xf32>
    %swap3A_1925 = vector.shape_cast %add3A_1861 : vector<16xf32> to vector<16xf32>
    tpu.vector_store %arg9[%swap3A_1922], %swap3A_1925 {strides = array<i32>} : memref<128xf32, #tpu.memory_space<vmem>>, vector<16xf32>,
    %add3A_1926 = arith.constant 0 : i32
    %add3A_1927 = arith.addi %add3A_1926, %mul3A_2 : i32
    %run_scoped3A_1928 = arith.constant 0 : i32
    "tpu.region"() ({
      %run_scoped3A_1958 = tpu.sem_alloc : memref<!tpu.dma_semaphore, #tpu.memory_space<semaphore_mem>>
      %dma_start3A = arith.constant 0 : i32
      %dma_start3A_1959 = tpu.memref_slice %arg7[%run_scoped3A_1928, %dma_start3A] : memref<8x64xf32, #tpu.memory_space<vmem>> -> memref<1x64xf32, #tpu.memory_space<vmem>>
      %dma_start3A_1960 = tpu.memref_squeeze %dma_start3A_1959 : memref<1x64xf32, #tpu.memory_space<vmem>> -> memref<64xf32, #tpu.memory_space<vmem>>
      %dma_start3A_1961 = tpu.memref_slice %arg3[%add3A_1927] : memref<16384xf32, #tpu.memory_space<hbm>> -> memref<64xf32, #tpu.memory_space<hbm>>
      %dma_start3A_1962 = tpu.memref_slice %arg3[%add3A_1927] : memref<16384xf32, #tpu.memory_space<hbm>> -> memref<64xf32, #tpu.memory_space<hbm>>
      %dma_start3A_1963 = arith.constant 0 : i32
      %dma_start3A_1964 = tpu.memref_slice %arg7[%run_scoped3A_1928, %dma_start3A_1963] : memref<8x64xf32, #tpu.memory_space<vmem>> -> memref<1x64xf32, #tpu.memory_space<vmem>>
      %dma_start3A_1965 = tpu.memref_squeeze %dma_start3A_1964 : memref<1x64xf32, #tpu.memory_space<vmem>> -> memref<64xf32, #tpu.memory_space<vmem>>
      tpu.enqueue_dma source(%dma_start3A_1965 : memref<64xf32, #tpu.memory_space<vmem>>) target(%dma_start3A_1962 : memref<64xf32, #tpu.memory_space<hbm>>) target_semaphore(%run_scoped3A_1958 : memref<!tpu.dma_semaphore, #tpu.memory_space<semaphore_mem>>)
      %dma_wait3A = arith.constant 0 : i32
      %dma_wait3A_1966 = tpu.memref_slice %arg7[%run_scoped3A_1928, %dma_wait3A] : memref<8x64xf32, #tpu.memory_space<vmem>> -> memref<1x64xf32, #tpu.memory_space<vmem>>
      %dma_wait3A_1967 = tpu.memref_squeeze %dma_wait3A_1966 : memref<1x64xf32, #tpu.memory_space<vmem>> -> memref<64xf32, #tpu.memory_space<vmem>>
      %dma_wait3A_1968 = tpu.memref_slice %arg3[%add3A_1927] : memref<16384xf32, #tpu.memory_space<hbm>> -> memref<64xf32, #tpu.memory_space<hbm>>
      %dma_wait3A_1969 = tpu.memref_slice %arg3[%add3A_1927] : memref<16384xf32, #tpu.memory_space<hbm>> -> memref<64xf32, #tpu.memory_space<hbm>>
      %dma_wait3A_1970 = arith.constant 0 : i32
      %dma_wait3A_1971 = tpu.memref_slice %arg7[%run_scoped3A_1928, %dma_wait3A_1970] : memref<8x64xf32, #tpu.memory_space<vmem>> -> memref<1x64xf32, #tpu.memory_space<vmem>>
      %dma_wait3A_1972 = tpu.memref_squeeze %dma_wait3A_1971 : memref<1x64xf32, #tpu.memory_space<vmem>> -> memref<64xf32, #tpu.memory_space<vmem>>
      tpu.wait_dma2 semaphore(%run_scoped3A_1958 : memref<!tpu.dma_semaphore, #tpu.memory_space<semaphore_mem>>) src(%dma_wait3A_1972 : memref<64xf32, #tpu.memory_space<vmem>>) dst(%dma_wait3A_1969 : memref<64xf32, #tpu.memory_space<hbm>>)
      tpu.yield
    }) : () -> ()
    %add3A_1929 = arith.constant 2048 : i32
    %add3A_1930 = arith.addi %add3A_1929, %mul3A_2 : i32
    %run_scoped3A_1931 = arith.constant 1 : i32
    "tpu.region"() ({
      %run_scoped3A_1958 = tpu.sem_alloc : memref<!tpu.dma_semaphore, #tpu.memory_space<semaphore_mem>>
      %dma_start3A = arith.constant 0 : i32
      %dma_start3A_1959 = tpu.memref_slice %arg7[%run_scoped3A_1931, %dma_start3A] : memref<8x64xf32, #tpu.memory_space<vmem>> -> memref<1x64xf32, #tpu.memory_space<vmem>>
      %dma_start3A_1960 = tpu.memref_squeeze %dma_start3A_1959 : memref<1x64xf32, #tpu.memory_space<vmem>> -> memref<64xf32, #tpu.memory_space<vmem>>
      %dma_start3A_1961 = tpu.memref_slice %arg3[%add3A_1930] : memref<16384xf32, #tpu.memory_space<hbm>> -> memref<64xf32, #tpu.memory_space<hbm>>
      %dma_start3A_1962 = tpu.memref_slice %arg3[%add3A_1930] : memref<16384xf32, #tpu.memory_space<hbm>> -> memref<64xf32, #tpu.memory_space<hbm>>
      %dma_start3A_1963 = arith.constant 0 : i32
      %dma_start3A_1964 = tpu.memref_slice %arg7[%run_scoped3A_1931, %dma_start3A_1963] : memref<8x64xf32, #tpu.memory_space<vmem>> -> memref<1x64xf32, #tpu.memory_space<vmem>>
      %dma_start3A_1965 = tpu.memref_squeeze %dma_start3A_1964 : memref<1x64xf32, #tpu.memory_space<vmem>> -> memref<64xf32, #tpu.memory_space<vmem>>
      tpu.enqueue_dma source(%dma_start3A_1965 : memref<64xf32, #tpu.memory_space<vmem>>) target(%dma_start3A_1962 : memref<64xf32, #tpu.memory_space<hbm>>) target_semaphore(%run_scoped3A_1958 : memref<!tpu.dma_semaphore, #tpu.memory_space<semaphore_mem>>)
      %dma_wait3A = arith.constant 0 : i32
      %dma_wait3A_1966 = tpu.memref_slice %arg7[%run_scoped3A_1931, %dma_wait3A] : memref<8x64xf32, #tpu.memory_space<vmem>> -> memref<1x64xf32, #tpu.memory_space<vmem>>
      %dma_wait3A_1967 = tpu.memref_squeeze %dma_wait3A_1966 : memref<1x64xf32, #tpu.memory_space<vmem>> -> memref<64xf32, #tpu.memory_space<vmem>>
      %dma_wait3A_1968 = tpu.memref_slice %arg3[%add3A_1930] : memref<16384xf32, #tpu.memory_space<hbm>> -> memref<64xf32, #tpu.memory_space<hbm>>
      %dma_wait3A_1969 = tpu.memref_slice %arg3[%add3A_1930] : memref<16384xf32, #tpu.memory_space<hbm>> -> memref<64xf32, #tpu.memory_space<hbm>>
      %dma_wait3A_1970 = arith.constant 0 : i32
      %dma_wait3A_1971 = tpu.memref_slice %arg7[%run_scoped3A_1931, %dma_wait3A_1970] : memref<8x64xf32, #tpu.memory_space<vmem>> -> memref<1x64xf32, #tpu.memory_space<vmem>>
      %dma_wait3A_1972 = tpu.memref_squeeze %dma_wait3A_1971 : memref<1x64xf32, #tpu.memory_space<vmem>> -> memref<64xf32, #tpu.memory_space<vmem>>
      tpu.wait_dma2 semaphore(%run_scoped3A_1958 : memref<!tpu.dma_semaphore, #tpu.memory_space<semaphore_mem>>) src(%dma_wait3A_1972 : memref<64xf32, #tpu.memory_space<vmem>>) dst(%dma_wait3A_1969 : memref<64xf32, #tpu.memory_space<hbm>>)
      tpu.yield
    }) : () -> ()
    %add3A_1932 = arith.constant 4096 : i32
    %add3A_1933 = arith.addi %add3A_1932, %mul3A_2 : i32
    %run_scoped3A_1934 = arith.constant 2 : i32
    "tpu.region"() ({
      %run_scoped3A_1958 = tpu.sem_alloc : memref<!tpu.dma_semaphore, #tpu.memory_space<semaphore_mem>>
      %dma_start3A = arith.constant 0 : i32
      %dma_start3A_1959 = tpu.memref_slice %arg7[%run_scoped3A_1934, %dma_start3A] : memref<8x64xf32, #tpu.memory_space<vmem>> -> memref<1x64xf32, #tpu.memory_space<vmem>>
      %dma_start3A_1960 = tpu.memref_squeeze %dma_start3A_1959 : memref<1x64xf32, #tpu.memory_space<vmem>> -> memref<64xf32, #tpu.memory_space<vmem>>
      %dma_start3A_1961 = tpu.memref_slice %arg3[%add3A_1933] : memref<16384xf32, #tpu.memory_space<hbm>> -> memref<64xf32, #tpu.memory_space<hbm>>
      %dma_start3A_1962 = tpu.memref_slice %arg3[%add3A_1933] : memref<16384xf32, #tpu.memory_space<hbm>> -> memref<64xf32, #tpu.memory_space<hbm>>
      %dma_start3A_1963 = arith.constant 0 : i32
      %dma_start3A_1964 = tpu.memref_slice %arg7[%run_scoped3A_1934, %dma_start3A_1963] : memref<8x64xf32, #tpu.memory_space<vmem>> -> memref<1x64xf32, #tpu.memory_space<vmem>>
      %dma_start3A_1965 = tpu.memref_squeeze %dma_start3A_1964 : memref<1x64xf32, #tpu.memory_space<vmem>> -> memref<64xf32, #tpu.memory_space<vmem>>
      tpu.enqueue_dma source(%dma_start3A_1965 : memref<64xf32, #tpu.memory_space<vmem>>) target(%dma_start3A_1962 : memref<64xf32, #tpu.memory_space<hbm>>) target_semaphore(%run_scoped3A_1958 : memref<!tpu.dma_semaphore, #tpu.memory_space<semaphore_mem>>)
      %dma_wait3A = arith.constant 0 : i32
      %dma_wait3A_1966 = tpu.memref_slice %arg7[%run_scoped3A_1934, %dma_wait3A] : memref<8x64xf32, #tpu.memory_space<vmem>> -> memref<1x64xf32, #tpu.memory_space<vmem>>
      %dma_wait3A_1967 = tpu.memref_squeeze %dma_wait3A_1966 : memref<1x64xf32, #tpu.memory_space<vmem>> -> memref<64xf32, #tpu.memory_space<vmem>>
      %dma_wait3A_1968 = tpu.memref_slice %arg3[%add3A_1933] : memref<16384xf32, #tpu.memory_space<hbm>> -> memref<64xf32, #tpu.memory_space<hbm>>
      %dma_wait3A_1969 = tpu.memref_slice %arg3[%add3A_1933] : memref<16384xf32, #tpu.memory_space<hbm>> -> memref<64xf32, #tpu.memory_space<hbm>>
      %dma_wait3A_1970 = arith.constant 0 : i32
      %dma_wait3A_1971 = tpu.memref_slice %arg7[%run_scoped3A_1934, %dma_wait3A_1970] : memref<8x64xf32, #tpu.memory_space<vmem>> -> memref<1x64xf32, #tpu.memory_space<vmem>>
      %dma_wait3A_1972 = tpu.memref_squeeze %dma_wait3A_1971 : memref<1x64xf32, #tpu.memory_space<vmem>> -> memref<64xf32, #tpu.memory_space<vmem>>
      tpu.wait_dma2 semaphore(%run_scoped3A_1958 : memref<!tpu.dma_semaphore, #tpu.memory_space<semaphore_mem>>) src(%dma_wait3A_1972 : memref<64xf32, #tpu.memory_space<vmem>>) dst(%dma_wait3A_1969 : memref<64xf32, #tpu.memory_space<hbm>>)
      tpu.yield
    }) : () -> ()
    %add3A_1935 = arith.constant 6144 : i32
    %add3A_1936 = arith.addi %add3A_1935, %mul3A_2 : i32
    %run_scoped3A_1937 = arith.constant 3 : i32
    "tpu.region"() ({
      %run_scoped3A_1958 = tpu.sem_alloc : memref<!tpu.dma_semaphore, #tpu.memory_space<semaphore_mem>>
      %dma_start3A = arith.constant 0 : i32
      %dma_start3A_1959 = tpu.memref_slice %arg7[%run_scoped3A_1937, %dma_start3A] : memref<8x64xf32, #tpu.memory_space<vmem>> -> memref<1x64xf32, #tpu.memory_space<vmem>>
      %dma_start3A_1960 = tpu.memref_squeeze %dma_start3A_1959 : memref<1x64xf32, #tpu.memory_space<vmem>> -> memref<64xf32, #tpu.memory_space<vmem>>
      %dma_start3A_1961 = tpu.memref_slice %arg3[%add3A_1936] : memref<16384xf32, #tpu.memory_space<hbm>> -> memref<64xf32, #tpu.memory_space<hbm>>
      %dma_start3A_1962 = tpu.memref_slice %arg3[%add3A_1936] : memref<16384xf32, #tpu.memory_space<hbm>> -> memref<64xf32, #tpu.memory_space<hbm>>
      %dma_start3A_1963 = arith.constant 0 : i32
      %dma_start3A_1964 = tpu.memref_slice %arg7[%run_scoped3A_1937, %dma_start3A_1963] : memref<8x64xf32, #tpu.memory_space<vmem>> -> memref<1x64xf32, #tpu.memory_space<vmem>>
      %dma_start3A_1965 = tpu.memref_squeeze %dma_start3A_1964 : memref<1x64xf32, #tpu.memory_space<vmem>> -> memref<64xf32, #tpu.memory_space<vmem>>
      tpu.enqueue_dma source(%dma_start3A_1965 : memref<64xf32, #tpu.memory_space<vmem>>) target(%dma_start3A_1962 : memref<64xf32, #tpu.memory_space<hbm>>) target_semaphore(%run_scoped3A_1958 : memref<!tpu.dma_semaphore, #tpu.memory_space<semaphore_mem>>)
      %dma_wait3A = arith.constant 0 : i32
      %dma_wait3A_1966 = tpu.memref_slice %arg7[%run_scoped3A_1937, %dma_wait3A] : memref<8x64xf32, #tpu.memory_space<vmem>> -> memref<1x64xf32, #tpu.memory_space<vmem>>
      %dma_wait3A_1967 = tpu.memref_squeeze %dma_wait3A_1966 : memref<1x64xf32, #tpu.memory_space<vmem>> -> memref<64xf32, #tpu.memory_space<vmem>>
      %dma_wait3A_1968 = tpu.memref_slice %arg3[%add3A_1936] : memref<16384xf32, #tpu.memory_space<hbm>> -> memref<64xf32, #tpu.memory_space<hbm>>
      %dma_wait3A_1969 = tpu.memref_slice %arg3[%add3A_1936] : memref<16384xf32, #tpu.memory_space<hbm>> -> memref<64xf32, #tpu.memory_space<hbm>>
      %dma_wait3A_1970 = arith.constant 0 : i32
      %dma_wait3A_1971 = tpu.memref_slice %arg7[%run_scoped3A_1937, %dma_wait3A_1970] : memref<8x64xf32, #tpu.memory_space<vmem>> -> memref<1x64xf32, #tpu.memory_space<vmem>>
      %dma_wait3A_1972 = tpu.memref_squeeze %dma_wait3A_1971 : memref<1x64xf32, #tpu.memory_space<vmem>> -> memref<64xf32, #tpu.memory_space<vmem>>
      tpu.wait_dma2 semaphore(%run_scoped3A_1958 : memref<!tpu.dma_semaphore, #tpu.memory_space<semaphore_mem>>) src(%dma_wait3A_1972 : memref<64xf32, #tpu.memory_space<vmem>>) dst(%dma_wait3A_1969 : memref<64xf32, #tpu.memory_space<hbm>>)
      tpu.yield
    }) : () -> ()
    %add3A_1938 = arith.constant 8192 : i32
    %add3A_1939 = arith.addi %add3A_1938, %mul3A_2 : i32
    %run_scoped3A_1940 = arith.constant 4 : i32
    "tpu.region"() ({
      %run_scoped3A_1958 = tpu.sem_alloc : memref<!tpu.dma_semaphore, #tpu.memory_space<semaphore_mem>>
      %dma_start3A = arith.constant 0 : i32
      %dma_start3A_1959 = tpu.memref_slice %arg7[%run_scoped3A_1940, %dma_start3A] : memref<8x64xf32, #tpu.memory_space<vmem>> -> memref<1x64xf32, #tpu.memory_space<vmem>>
      %dma_start3A_1960 = tpu.memref_squeeze %dma_start3A_1959 : memref<1x64xf32, #tpu.memory_space<vmem>> -> memref<64xf32, #tpu.memory_space<vmem>>
      %dma_start3A_1961 = tpu.memref_slice %arg3[%add3A_1939] : memref<16384xf32, #tpu.memory_space<hbm>> -> memref<64xf32, #tpu.memory_space<hbm>>
      %dma_start3A_1962 = tpu.memref_slice %arg3[%add3A_1939] : memref<16384xf32, #tpu.memory_space<hbm>> -> memref<64xf32, #tpu.memory_space<hbm>>
      %dma_start3A_1963 = arith.constant 0 : i32
      %dma_start3A_1964 = tpu.memref_slice %arg7[%run_scoped3A_1940, %dma_start3A_1963] : memref<8x64xf32, #tpu.memory_space<vmem>> -> memref<1x64xf32, #tpu.memory_space<vmem>>
      %dma_start3A_1965 = tpu.memref_squeeze %dma_start3A_1964 : memref<1x64xf32, #tpu.memory_space<vmem>> -> memref<64xf32, #tpu.memory_space<vmem>>
      tpu.enqueue_dma source(%dma_start3A_1965 : memref<64xf32, #tpu.memory_space<vmem>>) target(%dma_start3A_1962 : memref<64xf32, #tpu.memory_space<hbm>>) target_semaphore(%run_scoped3A_1958 : memref<!tpu.dma_semaphore, #tpu.memory_space<semaphore_mem>>)
      %dma_wait3A = arith.constant 0 : i32
      %dma_wait3A_1966 = tpu.memref_slice %arg7[%run_scoped3A_1940, %dma_wait3A] : memref<8x64xf32, #tpu.memory_space<vmem>> -> memref<1x64xf32, #tpu.memory_space<vmem>>
      %dma_wait3A_1967 = tpu.memref_squeeze %dma_wait3A_1966 : memref<1x64xf32, #tpu.memory_space<vmem>> -> memref<64xf32, #tpu.memory_space<vmem>>
      %dma_wait3A_1968 = tpu.memref_slice %arg3[%add3A_1939] : memref<16384xf32, #tpu.memory_space<hbm>> -> memref<64xf32, #tpu.memory_space<hbm>>
      %dma_wait3A_1969 = tpu.memref_slice %arg3[%add3A_1939] : memref<16384xf32, #tpu.memory_space<hbm>> -> memref<64xf32, #tpu.memory_space<hbm>>
      %dma_wait3A_1970 = arith.constant 0 : i32
      %dma_wait3A_1971 = tpu.memref_slice %arg7[%run_scoped3A_1940, %dma_wait3A_1970] : memref<8x64xf32, #tpu.memory_space<vmem>> -> memref<1x64xf32, #tpu.memory_space<vmem>>
      %dma_wait3A_1972 = tpu.memref_squeeze %dma_wait3A_1971 : memref<1x64xf32, #tpu.memory_space<vmem>> -> memref<64xf32, #tpu.memory_space<vmem>>
      tpu.wait_dma2 semaphore(%run_scoped3A_1958 : memref<!tpu.dma_semaphore, #tpu.memory_space<semaphore_mem>>) src(%dma_wait3A_1972 : memref<64xf32, #tpu.memory_space<vmem>>) dst(%dma_wait3A_1969 : memref<64xf32, #tpu.memory_space<hbm>>)
      tpu.yield
    }) : () -> ()
    %add3A_1941 = arith.constant 10240 : i32
    %add3A_1942 = arith.addi %add3A_1941, %mul3A_2 : i32
    %run_scoped3A_1943 = arith.constant 5 : i32
    "tpu.region"() ({
      %run_scoped3A_1958 = tpu.sem_alloc : memref<!tpu.dma_semaphore, #tpu.memory_space<semaphore_mem>>
      %dma_start3A = arith.constant 0 : i32
      %dma_start3A_1959 = tpu.memref_slice %arg7[%run_scoped3A_1943, %dma_start3A] : memref<8x64xf32, #tpu.memory_space<vmem>> -> memref<1x64xf32, #tpu.memory_space<vmem>>
      %dma_start3A_1960 = tpu.memref_squeeze %dma_start3A_1959 : memref<1x64xf32, #tpu.memory_space<vmem>> -> memref<64xf32, #tpu.memory_space<vmem>>
      %dma_start3A_1961 = tpu.memref_slice %arg3[%add3A_1942] : memref<16384xf32, #tpu.memory_space<hbm>> -> memref<64xf32, #tpu.memory_space<hbm>>
      %dma_start3A_1962 = tpu.memref_slice %arg3[%add3A_1942] : memref<16384xf32, #tpu.memory_space<hbm>> -> memref<64xf32, #tpu.memory_space<hbm>>
      %dma_start3A_1963 = arith.constant 0 : i32
      %dma_start3A_1964 = tpu.memref_slice %arg7[%run_scoped3A_1943, %dma_start3A_1963] : memref<8x64xf32, #tpu.memory_space<vmem>> -> memref<1x64xf32, #tpu.memory_space<vmem>>
      %dma_start3A_1965 = tpu.memref_squeeze %dma_start3A_1964 : memref<1x64xf32, #tpu.memory_space<vmem>> -> memref<64xf32, #tpu.memory_space<vmem>>
      tpu.enqueue_dma source(%dma_start3A_1965 : memref<64xf32, #tpu.memory_space<vmem>>) target(%dma_start3A_1962 : memref<64xf32, #tpu.memory_space<hbm>>) target_semaphore(%run_scoped3A_1958 : memref<!tpu.dma_semaphore, #tpu.memory_space<semaphore_mem>>)
      %dma_wait3A = arith.constant 0 : i32
      %dma_wait3A_1966 = tpu.memref_slice %arg7[%run_scoped3A_1943, %dma_wait3A] : memref<8x64xf32, #tpu.memory_space<vmem>> -> memref<1x64xf32, #tpu.memory_space<vmem>>
      %dma_wait3A_1967 = tpu.memref_squeeze %dma_wait3A_1966 : memref<1x64xf32, #tpu.memory_space<vmem>> -> memref<64xf32, #tpu.memory_space<vmem>>
      %dma_wait3A_1968 = tpu.memref_slice %arg3[%add3A_1942] : memref<16384xf32, #tpu.memory_space<hbm>> -> memref<64xf32, #tpu.memory_space<hbm>>
      %dma_wait3A_1969 = tpu.memref_slice %arg3[%add3A_1942] : memref<16384xf32, #tpu.memory_space<hbm>> -> memref<64xf32, #tpu.memory_space<hbm>>
      %dma_wait3A_1970 = arith.constant 0 : i32
      %dma_wait3A_1971 = tpu.memref_slice %arg7[%run_scoped3A_1943, %dma_wait3A_1970] : memref<8x64xf32, #tpu.memory_space<vmem>> -> memref<1x64xf32, #tpu.memory_space<vmem>>
      %dma_wait3A_1972 = tpu.memref_squeeze %dma_wait3A_1971 : memref<1x64xf32, #tpu.memory_space<vmem>> -> memref<64xf32, #tpu.memory_space<vmem>>
      tpu.wait_dma2 semaphore(%run_scoped3A_1958 : memref<!tpu.dma_semaphore, #tpu.memory_space<semaphore_mem>>) src(%dma_wait3A_1972 : memref<64xf32, #tpu.memory_space<vmem>>) dst(%dma_wait3A_1969 : memref<64xf32, #tpu.memory_space<hbm>>)
      tpu.yield
    }) : () -> ()
    %add3A_1944 = arith.constant 12288 : i32
    %add3A_1945 = arith.addi %add3A_1944, %mul3A_2 : i32
    %run_scoped3A_1946 = arith.constant 6 : i32
    "tpu.region"() ({
      %run_scoped3A_1958 = tpu.sem_alloc : memref<!tpu.dma_semaphore, #tpu.memory_space<semaphore_mem>>
      %dma_start3A = arith.constant 0 : i32
      %dma_start3A_1959 = tpu.memref_slice %arg7[%run_scoped3A_1946, %dma_start3A] : memref<8x64xf32, #tpu.memory_space<vmem>> -> memref<1x64xf32, #tpu.memory_space<vmem>>
      %dma_start3A_1960 = tpu.memref_squeeze %dma_start3A_1959 : memref<1x64xf32, #tpu.memory_space<vmem>> -> memref<64xf32, #tpu.memory_space<vmem>>
      %dma_start3A_1961 = tpu.memref_slice %arg3[%add3A_1945] : memref<16384xf32, #tpu.memory_space<hbm>> -> memref<64xf32, #tpu.memory_space<hbm>>
      %dma_start3A_1962 = tpu.memref_slice %arg3[%add3A_1945] : memref<16384xf32, #tpu.memory_space<hbm>> -> memref<64xf32, #tpu.memory_space<hbm>>
      %dma_start3A_1963 = arith.constant 0 : i32
      %dma_start3A_1964 = tpu.memref_slice %arg7[%run_scoped3A_1946, %dma_start3A_1963] : memref<8x64xf32, #tpu.memory_space<vmem>> -> memref<1x64xf32, #tpu.memory_space<vmem>>
      %dma_start3A_1965 = tpu.memref_squeeze %dma_start3A_1964 : memref<1x64xf32, #tpu.memory_space<vmem>> -> memref<64xf32, #tpu.memory_space<vmem>>
      tpu.enqueue_dma source(%dma_start3A_1965 : memref<64xf32, #tpu.memory_space<vmem>>) target(%dma_start3A_1962 : memref<64xf32, #tpu.memory_space<hbm>>) target_semaphore(%run_scoped3A_1958 : memref<!tpu.dma_semaphore, #tpu.memory_space<semaphore_mem>>)
      %dma_wait3A = arith.constant 0 : i32
      %dma_wait3A_1966 = tpu.memref_slice %arg7[%run_scoped3A_1946, %dma_wait3A] : memref<8x64xf32, #tpu.memory_space<vmem>> -> memref<1x64xf32, #tpu.memory_space<vmem>>
      %dma_wait3A_1967 = tpu.memref_squeeze %dma_wait3A_1966 : memref<1x64xf32, #tpu.memory_space<vmem>> -> memref<64xf32, #tpu.memory_space<vmem>>
      %dma_wait3A_1968 = tpu.memref_slice %arg3[%add3A_1945] : memref<16384xf32, #tpu.memory_space<hbm>> -> memref<64xf32, #tpu.memory_space<hbm>>
      %dma_wait3A_1969 = tpu.memref_slice %arg3[%add3A_1945] : memref<16384xf32, #tpu.memory_space<hbm>> -> memref<64xf32, #tpu.memory_space<hbm>>
      %dma_wait3A_1970 = arith.constant 0 : i32
      %dma_wait3A_1971 = tpu.memref_slice %arg7[%run_scoped3A_1946, %dma_wait3A_1970] : memref<8x64xf32, #tpu.memory_space<vmem>> -> memref<1x64xf32, #tpu.memory_space<vmem>>
      %dma_wait3A_1972 = tpu.memref_squeeze %dma_wait3A_1971 : memref<1x64xf32, #tpu.memory_space<vmem>> -> memref<64xf32, #tpu.memory_space<vmem>>
      tpu.wait_dma2 semaphore(%run_scoped3A_1958 : memref<!tpu.dma_semaphore, #tpu.memory_space<semaphore_mem>>) src(%dma_wait3A_1972 : memref<64xf32, #tpu.memory_space<vmem>>) dst(%dma_wait3A_1969 : memref<64xf32, #tpu.memory_space<hbm>>)
      tpu.yield
    }) : () -> ()
    %add3A_1947 = arith.constant 14336 : i32
    %add3A_1948 = arith.addi %add3A_1947, %mul3A_2 : i32
    %run_scoped3A_1949 = arith.constant 7 : i32
    "tpu.region"() ({
      %run_scoped3A_1958 = tpu.sem_alloc : memref<!tpu.dma_semaphore, #tpu.memory_space<semaphore_mem>>
      %dma_start3A = arith.constant 0 : i32
      %dma_start3A_1959 = tpu.memref_slice %arg7[%run_scoped3A_1949, %dma_start3A] : memref<8x64xf32, #tpu.memory_space<vmem>> -> memref<1x64xf32, #tpu.memory_space<vmem>>
      %dma_start3A_1960 = tpu.memref_squeeze %dma_start3A_1959 : memref<1x64xf32, #tpu.memory_space<vmem>> -> memref<64xf32, #tpu.memory_space<vmem>>
      %dma_start3A_1961 = tpu.memref_slice %arg3[%add3A_1948] : memref<16384xf32, #tpu.memory_space<hbm>> -> memref<64xf32, #tpu.memory_space<hbm>>
      %dma_start3A_1962 = tpu.memref_slice %arg3[%add3A_1948] : memref<16384xf32, #tpu.memory_space<hbm>> -> memref<64xf32, #tpu.memory_space<hbm>>
      %dma_start3A_1963 = arith.constant 0 : i32
      %dma_start3A_1964 = tpu.memref_slice %arg7[%run_scoped3A_1949, %dma_start3A_1963] : memref<8x64xf32, #tpu.memory_space<vmem>> -> memref<1x64xf32, #tpu.memory_space<vmem>>
      %dma_start3A_1965 = tpu.memref_squeeze %dma_start3A_1964 : memref<1x64xf32, #tpu.memory_space<vmem>> -> memref<64xf32, #tpu.memory_space<vmem>>
      tpu.enqueue_dma source(%dma_start3A_1965 : memref<64xf32, #tpu.memory_space<vmem>>) target(%dma_start3A_1962 : memref<64xf32, #tpu.memory_space<hbm>>) target_semaphore(%run_scoped3A_1958 : memref<!tpu.dma_semaphore, #tpu.memory_space<semaphore_mem>>)
      %dma_wait3A = arith.constant 0 : i32
      %dma_wait3A_1966 = tpu.memref_slice %arg7[%run_scoped3A_1949, %dma_wait3A] : memref<8x64xf32, #tpu.memory_space<vmem>> -> memref<1x64xf32, #tpu.memory_space<vmem>>
      %dma_wait3A_1967 = tpu.memref_squeeze %dma_wait3A_1966 : memref<1x64xf32, #tpu.memory_space<vmem>> -> memref<64xf32, #tpu.memory_space<vmem>>
      %dma_wait3A_1968 = tpu.memref_slice %arg3[%add3A_1948] : memref<16384xf32, #tpu.memory_space<hbm>> -> memref<64xf32, #tpu.memory_space<hbm>>
      %dma_wait3A_1969 = tpu.memref_slice %arg3[%add3A_1948] : memref<16384xf32, #tpu.memory_space<hbm>> -> memref<64xf32, #tpu.memory_space<hbm>>
      %dma_wait3A_1970 = arith.constant 0 : i32
      %dma_wait3A_1971 = tpu.memref_slice %arg7[%run_scoped3A_1949, %dma_wait3A_1970] : memref<8x64xf32, #tpu.memory_space<vmem>> -> memref<1x64xf32, #tpu.memory_space<vmem>>
      %dma_wait3A_1972 = tpu.memref_squeeze %dma_wait3A_1971 : memref<1x64xf32, #tpu.memory_space<vmem>> -> memref<64xf32, #tpu.memory_space<vmem>>
      tpu.wait_dma2 semaphore(%run_scoped3A_1958 : memref<!tpu.dma_semaphore, #tpu.memory_space<semaphore_mem>>) src(%dma_wait3A_1972 : memref<64xf32, #tpu.memory_space<vmem>>) dst(%dma_wait3A_1969 : memref<64xf32, #tpu.memory_space<hbm>>)
      tpu.yield
    }) : () -> ()
    %mul3A_1950 = arith.constant 8 : i32
    %mul3A_1951 = arith.muli %add3A, %mul3A_1950 : i32
    %mul3A_1952 = arith.constant 16 : i32
    %mul3A_1953 = arith.muli %mul3A_1951, %mul3A_1952 : i32
    "tpu.region"() ({
      %run_scoped3A_1958 = tpu.sem_alloc : memref<!tpu.dma_semaphore, #tpu.memory_space<semaphore_mem>>
      %dma_start3A = tpu.memref_slice %arg4[%mul3A_1953] : memref<4096xf32, #tpu.memory_space<hbm>> -> memref<128xf32, #tpu.memory_space<hbm>>
      %dma_start3A_1959 = tpu.memref_slice %arg4[%mul3A_1953] : memref<4096xf32, #tpu.memory_space<hbm>> -> memref<128xf32, #tpu.memory_space<hbm>>
      tpu.enqueue_dma source(%arg8 : memref<128xf32, #tpu.memory_space<vmem>>) target(%dma_start3A_1959 : memref<128xf32, #tpu.memory_space<hbm>>) target_semaphore(%run_scoped3A_1958 : memref<!tpu.dma_semaphore, #tpu.memory_space<semaphore_mem>>)
      %dma_wait3A = tpu.memref_slice %arg4[%mul3A_1953] : memref<4096xf32, #tpu.memory_space<hbm>> -> memref<128xf32, #tpu.memory_space<hbm>>
      %dma_wait3A_1960 = tpu.memref_slice %arg4[%mul3A_1953] : memref<4096xf32, #tpu.memory_space<hbm>> -> memref<128xf32, #tpu.memory_space<hbm>>
      tpu.wait_dma2 semaphore(%run_scoped3A_1958 : memref<!tpu.dma_semaphore, #tpu.memory_space<semaphore_mem>>) src(%arg8 : memref<128xf32, #tpu.memory_space<vmem>>) dst(%dma_wait3A_1960 : memref<128xf32, #tpu.memory_space<hbm>>)
      tpu.yield
    }) : () -> ()
    %mul3A_1954 = arith.constant 8 : i32
    %mul3A_1955 = arith.muli %add3A, %mul3A_1954 : i32
    %mul3A_1956 = arith.constant 16 : i32
    %mul3A_1957 = arith.muli %mul3A_1955, %mul3A_1956 : i32
    "tpu.region"() ({
      %run_scoped3A_1958 = tpu.sem_alloc : memref<!tpu.dma_semaphore, #tpu.memory_space<semaphore_mem>>
      %dma_start3A = tpu.memref_slice %arg5[%mul3A_1957] : memref<4096xf32, #tpu.memory_space<hbm>> -> memref<128xf32, #tpu.memory_space<hbm>>
      %dma_start3A_1959 = tpu.memref_slice %arg5[%mul3A_1957] : memref<4096xf32, #tpu.memory_space<hbm>> -> memref<128xf32, #tpu.memory_space<hbm>>
      tpu.enqueue_dma source(%arg9 : memref<128xf32, #tpu.memory_space<vmem>>) target(%dma_start3A_1959 : memref<128xf32, #tpu.memory_space<hbm>>) target_semaphore(%run_scoped3A_1958 : memref<!tpu.dma_semaphore, #tpu.memory_space<semaphore_mem>>)
      %dma_wait3A = tpu.memref_slice %arg5[%mul3A_1957] : memref<4096xf32, #tpu.memory_space<hbm>> -> memref<128xf32, #tpu.memory_space<hbm>>
      %dma_wait3A_1960 = tpu.memref_slice %arg5[%mul3A_1957] : memref<4096xf32, #tpu.memory_space<hbm>> -> memref<128xf32, #tpu.memory_space<hbm>>
      tpu.wait_dma2 semaphore(%run_scoped3A_1958 : memref<!tpu.dma_semaphore, #tpu.memory_space<semaphore_mem>>) src(%arg9 : memref<128xf32, #tpu.memory_space<vmem>>) dst(%dma_wait3A_1960 : memref<128xf32, #tpu.memory_space<hbm>>)
      tpu.yield
    }) : () -> ()
    return
  }
}

module attributes {stable_mosaic.version = 14 : i64} {
  func.func @_gate_body(%arg0: i32, %arg1: memref<512x1024xf32, #tpu.memory_space<vmem>>, %arg2: memref<256x1024xf32, #tpu.memory_space<vmem>>, %arg3: memref<1x256xf32, #tpu.memory_space<vmem>>, %arg4: memref<8x256xf32, #tpu.memory_space<vmem>>, %arg5: memref<8x1xf32, #tpu.memory_space<vmem>>, %arg6: memref<8x512xf32, #tpu.memory_space<vmem>>) attributes {dimension_semantics = [#tpu.dimension_semantics<arbitrary>], iteration_bounds = array<i64: 4>, scalar_prefetch = 0 : i64, scratch_operands = 0 : i64, tpu.core_type = #tpu.core_type<tc>, window_params = [{transform_indices = @transform_0, window_bounds = array<i64: 512, 1024>}, {pipeline_mode = #tpu.pipeline_mode<synchronous>, transform_indices = @transform_1, window_bounds = array<i64: 256, 1024>}, {pipeline_mode = #tpu.pipeline_mode<synchronous>, transform_indices = @transform_2, window_bounds = array<i64: 1, 256>}, {pipeline_mode = #tpu.pipeline_mode<synchronous>, transform_indices = @transform_3, window_bounds = array<i64: 8, 256>}, {pipeline_mode = #tpu.pipeline_mode<synchronous>, transform_indices = @transform_4, window_bounds = array<i64: 8, 1>}, {transform_indices = @transform_5, window_bounds = array<i64: 8, 512>}]} {
    %get3A = arith.constant 0 : index
    %get3A_0 = arith.constant 0 : index
    %get3A_1 = vector.load %arg1[%get3A, %get3A_0] : memref<512x1024xf32, #tpu.memory_space<vmem>>, vector<512x1024xf32>
    %get3A_2 = arith.constant 0 : index
    %get3A_3 = arith.constant 0 : index
    %get3A_4 = vector.load %arg2[%get3A_2, %get3A_3] : memref<256x1024xf32, #tpu.memory_space<vmem>>, vector<256x1024xf32>
    %dot_general3A = arith.constant dense<0.000000e+00> : vector<512x256xf32>
    %dot_general3A_5 = tpu.matmul %get3A_1, %get3A_4, %dot_general3A {dimension_numbers = #tpu.dot_dimension_numbers<[1], [1], [0], [0], [0, 0, 1, 0], [], []>, transpose_lhs_hint = false} : vector<512x1024xf32>, vector<256x1024xf32>, vector<512x256xf32> -> vector<512x256xf32>
    %get3A_6 = arith.constant 0 : index
    %get3A_7 = arith.constant 0 : index
    %get3A_8 = vector.load %arg3[%get3A_6, %get3A_7] : memref<1x256xf32, #tpu.memory_space<vmem>>, vector<1x256xf32>
    %add3A = vector.broadcast %get3A_8 : vector<1x256xf32> to vector<512x256xf32>
    %add3A_9 = arith.addf %dot_general3A_5, %add3A : vector<512x256xf32>
    %max3A = arith.constant 0.000000e+00 : f32
    %max3A_10 = vector.broadcast %max3A : f32 to vector<512x256xf32>
    %max3A_11 = arith.maximumf %add3A_9, %max3A_10 : vector<512x256xf32>
    %get3A_12 = arith.constant 0 : index
    %get3A_13 = arith.constant 0 : index
    %get3A_14 = vector.load %arg4[%get3A_12, %get3A_13] : memref<8x256xf32, #tpu.memory_space<vmem>>, vector<8x256xf32>
    %dot_general3A_15 = arith.constant dense<0.000000e+00> : vector<8x512xf32>
    %dot_general3A_16 = tpu.matmul %get3A_14, %max3A_11, %dot_general3A_15 {dimension_numbers = #tpu.dot_dimension_numbers<[1], [1], [0], [0], [0, 0, 1, 0], [], []>, transpose_lhs_hint = false} : vector<8x256xf32>, vector<512x256xf32>, vector<8x512xf32> -> vector<8x512xf32>
    %get3A_17 = arith.constant 0 : index
    %get3A_18 = arith.constant 0 : index
    %get3A_19 = vector.load %arg5[%get3A_17, %get3A_18] : memref<8x1xf32, #tpu.memory_space<vmem>>, vector<8x1xf32>
    %add3A_20 = vector.broadcast %get3A_19 : vector<8x1xf32> to vector<8x512xf32>
    %add3A_21 = arith.addf %dot_general3A_16, %add3A_20 : vector<8x512xf32>
    %swap3A = arith.constant 0 : index
    %swap3A_22 = arith.constant 0 : index
    %swap3A_23 = vector.load %arg6[%swap3A, %swap3A_22] : memref<8x512xf32, #tpu.memory_space<vmem>>, vector<8x512xf32>
    tpu.vector_store %arg6[%swap3A, %swap3A_22], %add3A_21 {strides = array<i32>} : memref<8x512xf32, #tpu.memory_space<vmem>>, vector<8x512xf32>,
    return
  }
  func.func @transform_0(%arg0: i32) -> (i32, i32) {
    %c0_i32 = arith.constant 0 : i32
    %c0_i32_0 = arith.constant 0 : i32
    return %arg0, %c0_i32 : i32, i32
  }
  func.func @transform_1(%arg0: i32) -> (i32, i32) {
    %c0_i32 = arith.constant 0 : i32
    %c0_i32_0 = arith.constant 0 : i32
    %c0_i32_1 = arith.constant 0 : i32
    return %c0_i32, %c0_i32_0 : i32, i32
  }
  func.func @transform_2(%arg0: i32) -> (i32, i32) {
    %c0_i32 = arith.constant 0 : i32
    %c0_i32_0 = arith.constant 0 : i32
    %c0_i32_1 = arith.constant 0 : i32
    return %c0_i32, %c0_i32_0 : i32, i32
  }
  func.func @transform_3(%arg0: i32) -> (i32, i32) {
    %c0_i32 = arith.constant 0 : i32
    %c0_i32_0 = arith.constant 0 : i32
    %c0_i32_1 = arith.constant 0 : i32
    return %c0_i32, %c0_i32_0 : i32, i32
  }
  func.func @transform_4(%arg0: i32) -> (i32, i32) {
    %c0_i32 = arith.constant 0 : i32
    %c0_i32_0 = arith.constant 0 : i32
    %c0_i32_1 = arith.constant 0 : i32
    return %c0_i32, %c0_i32_0 : i32, i32
  }
  func.func @transform_5(%arg0: i32) -> (i32, i32) {
    %c0_i32 = arith.constant 0 : i32
    %c0_i32_0 = arith.constant 0 : i32
    return %c0_i32, %arg0 : i32, i32
  }
}

module attributes {stable_mosaic.version = 14 : i64} {
  func.func @_main_body(%arg0: i32, %arg1: memref<512x1024xf32, #tpu.memory_space<vmem>>, %arg2: memref<1024x1024xf32, #tpu.memory_space<vmem>>, %arg3: memref<128x1024xf32, #tpu.memory_space<vmem>>, %arg4: memref<128x1024xf32, #tpu.memory_space<vmem>>, %arg5: memref<1x1024xf32, #tpu.memory_space<vmem>>, %arg6: memref<8x512xf32, #tpu.memory_space<vmem>>, %arg7: memref<256x16xf32, #tpu.memory_space<vmem>>, %arg8: memref<256x16xf32, #tpu.memory_space<vmem>>, %arg9: memref<512x1024xf32, #tpu.memory_space<vmem>>, %arg10: memref<1x1xf32, #tpu.memory_space<vmem>>) attributes {dimension_semantics = [#tpu.dimension_semantics<arbitrary>], iteration_bounds = array<i64: 4>, scalar_prefetch = 0 : i64, scratch_operands = 0 : i64, tpu.core_type = #tpu.core_type<tc>, window_params = [{transform_indices = @transform_0, window_bounds = array<i64: 512, 1024>}, {pipeline_mode = #tpu.pipeline_mode<synchronous>, transform_indices = @transform_1, window_bounds = array<i64: 1024, 1024>}, {pipeline_mode = #tpu.pipeline_mode<synchronous>, transform_indices = @transform_2, window_bounds = array<i64: 128, 1024>}, {pipeline_mode = #tpu.pipeline_mode<synchronous>, transform_indices = @transform_3, window_bounds = array<i64: 128, 1024>}, {pipeline_mode = #tpu.pipeline_mode<synchronous>, transform_indices = @transform_4, window_bounds = array<i64: 1, 1024>}, {transform_indices = @transform_5, window_bounds = array<i64: 8, 512>}, {pipeline_mode = #tpu.pipeline_mode<synchronous>, transform_indices = @transform_6, window_bounds = array<i64: 256, 16>}, {pipeline_mode = #tpu.pipeline_mode<synchronous>, transform_indices = @transform_7, window_bounds = array<i64: 256, 16>}, {transform_indices = @transform_8, window_bounds = array<i64: 512, 1024>}, {pipeline_mode = #tpu.pipeline_mode<synchronous>, transform_indices = @transform_9, window_bounds = array<i64: 1, 1>}]} {
    %get3A = arith.constant 0 : index
    %get3A_0 = arith.constant 0 : index
    %get3A_1 = vector.load %arg1[%get3A, %get3A_0] : memref<512x1024xf32, #tpu.memory_space<vmem>>, vector<512x1024xf32>
    %get3A_2 = arith.constant 0 : index
    %get3A_3 = arith.constant 0 : index
    %get3A_4 = vector.load %arg2[%get3A_2, %get3A_3] : memref<1024x1024xf32, #tpu.memory_space<vmem>>, vector<1024x1024xf32>
    %dot_general3A = arith.constant dense<0.000000e+00> : vector<512x1024xf32>
    %dot_general3A_5 = tpu.matmul %get3A_1, %get3A_4, %dot_general3A {dimension_numbers = #tpu.dot_dimension_numbers<[1], [1], [0], [0], [0, 0, 1, 0], [], []>, transpose_lhs_hint = false} : vector<512x1024xf32>, vector<1024x1024xf32>, vector<512x1024xf32> -> vector<512x1024xf32>
    %get3A_6 = arith.constant 0 : index
    %get3A_7 = arith.constant 0 : index
    %get3A_8 = vector.load %arg3[%get3A_6, %get3A_7] : memref<128x1024xf32, #tpu.memory_space<vmem>>, vector<128x1024xf32>
    %dot_general3A_9 = arith.constant dense<0.000000e+00> : vector<512x128xf32>
    %dot_general3A_10 = tpu.matmul %get3A_1, %get3A_8, %dot_general3A_9 {dimension_numbers = #tpu.dot_dimension_numbers<[1], [1], [0], [0], [0, 0, 1, 0], [], []>, transpose_lhs_hint = false} : vector<512x1024xf32>, vector<128x1024xf32>, vector<512x128xf32> -> vector<512x128xf32>
    %iota3A = tpu.iota {dimensions = array<i32: 0>} : vector<8x128xi32>
    %iota3A_11 = tpu.iota {dimensions = array<i32: 1>} : vector<8x128xi32>
    %jit3A = arith.constant 16 : i32
    %div3A = vector.broadcast %jit3A : i32 to vector<8x128xi32>
    %div3A_12 = arith.divsi %iota3A_11, %div3A : vector<8x128xi32>
    %sign3A = arith.constant 0 : i32
    %sign3A_13 = vector.broadcast %sign3A : i32 to vector<8x128xi32>
    %sign3A_14 = arith.cmpi sgt, %iota3A_11, %sign3A_13 : vector<8x128xi32>
    %sign3A_15 = arith.extui %sign3A_14 : vector<8x128xi1> to vector<8x128xi32>
    %sign3A_16 = arith.constant 0 : i32
    %sign3A_17 = vector.broadcast %sign3A_16 : i32 to vector<8x128xi32>
    %sign3A_18 = arith.cmpi slt, %iota3A_11, %sign3A_17 : vector<8x128xi32>
    %sign3A_19 = arith.extui %sign3A_18 : vector<8x128xi1> to vector<8x128xi32>
    %sign3A_20 = arith.subi %sign3A_15, %sign3A_19 : vector<8x128xi32>
    %sign3A_21 = arith.constant 0 : i32
    %sign3A_22 = arith.cmpi sgt, %jit3A, %sign3A_21 : i32
    %sign3A_23 = arith.extui %sign3A_22 : i1 to i32
    %sign3A_24 = arith.constant 0 : i32
    %sign3A_25 = arith.cmpi slt, %jit3A, %sign3A_24 : i32
    %sign3A_26 = arith.extui %sign3A_25 : i1 to i32
    %sign3A_27 = arith.subi %sign3A_23, %sign3A_26 : i32
    %ne3A = vector.broadcast %sign3A_27 : i32 to vector<8x128xi32>
    %ne3A_28 = arith.cmpi ne, %sign3A_20, %ne3A : vector<8x128xi32>
    %rem3A = vector.broadcast %jit3A : i32 to vector<8x128xi32>
    %rem3A_29 = arith.remsi %iota3A_11, %rem3A : vector<8x128xi32>
    %ne3A_30 = arith.constant 0 : i32
    %ne3A_31 = vector.broadcast %ne3A_30 : i32 to vector<8x128xi32>
    %ne3A_32 = arith.cmpi ne, %rem3A_29, %ne3A_31 : vector<8x128xi32>
    %and3A = arith.andi %ne3A_28, %ne3A_32 : vector<8x128xi1>
    %sub3A = arith.constant 1 : i32
    %sub3A_33 = vector.broadcast %sub3A : i32 to vector<8x128xi32>
    %sub3A_34 = arith.subi %div3A_12, %sub3A_33 : vector<8x128xi32>
    %select_n3A = arith.select %and3A, %sub3A_34, %div3A_12 : vector<8x128xi1>, vector<8x128xi32>
    %eq3A = arith.cmpi eq, %select_n3A, %iota3A : vector<8x128xi32>
    %convert_element_type3A = arith.extui %eq3A : vector<8x128xi1> to vector<8x128xi32>
    %convert_element_type3A_35 = arith.sitofp %convert_element_type3A : vector<8x128xi32> to vector<8x128xf32>
    %get3A_36 = arith.constant 0 : index
    %get3A_37 = arith.constant 0 : index
    %get3A_38 = vector.load %arg6[%get3A_36, %get3A_37] : memref<8x512xf32, #tpu.memory_space<vmem>>, vector<8x512xf32>
    %dot_general3A_39 = arith.constant dense<0.000000e+00> : vector<512x128xf32>
    %dot_general3A_40 = tpu.matmul %get3A_38, %convert_element_type3A_35, %dot_general3A_39 {dimension_numbers = #tpu.dot_dimension_numbers<[0], [0], [1], [1], [0, 1, 1, 1], [], []>, transpose_lhs_hint = false} : vector<8x512xf32>, vector<8x128xf32>, vector<512x128xf32> -> vector<512x128xf32>
    %mul3A = arith.mulf %dot_general3A_10, %dot_general3A_40 : vector<512x128xf32>
    %get3A_41 = arith.constant 0 : index
    %get3A_42 = arith.constant 0 : index
    %get3A_43 = vector.load %arg4[%get3A_41, %get3A_42] : memref<128x1024xf32, #tpu.memory_space<vmem>>, vector<128x1024xf32>
    %dot_general3A_44 = arith.constant dense<0.000000e+00> : vector<512x1024xf32>
    %dot_general3A_45 = tpu.matmul %mul3A, %get3A_43, %dot_general3A_44 {dimension_numbers = #tpu.dot_dimension_numbers<[1], [0], [0], [1], [0, 0, 1, 1], [], []>, transpose_lhs_hint = false} : vector<512x128xf32>, vector<128x1024xf32>, vector<512x1024xf32> -> vector<512x1024xf32>
    %add3A = arith.addf %dot_general3A_5, %dot_general3A_45 : vector<512x1024xf32>
    %get3A_46 = arith.constant 0 : index
    %get3A_47 = arith.constant 0 : index
    %get3A_48 = vector.load %arg5[%get3A_46, %get3A_47] : memref<1x1024xf32, #tpu.memory_space<vmem>>, vector<1x1024xf32>
    %add3A_49 = vector.broadcast %get3A_48 : vector<1x1024xf32> to vector<512x1024xf32>
    %add3A_50 = arith.addf %add3A, %add3A_49 : vector<512x1024xf32>
    %swap3A = arith.constant 0 : index
    %swap3A_51 = arith.constant 0 : index
    %swap3A_52 = vector.load %arg9[%swap3A, %swap3A_51] : memref<512x1024xf32, #tpu.memory_space<vmem>>, vector<512x1024xf32>
    tpu.vector_store %arg9[%swap3A, %swap3A_51], %add3A_50 {strides = array<i32>} : memref<512x1024xf32, #tpu.memory_space<vmem>>, vector<512x1024xf32>,
    %eq3A_53 = arith.constant 3 : i32
    %eq3A_54 = arith.cmpi eq, %arg0, %eq3A_53 : i32
    %convert_element_type3A_55 = arith.extui %eq3A_54 : i1 to i32
    %cond3A = arith.constant 0 : i32
    %cond3A_56 = arith.cmpi ne, %convert_element_type3A_55, %cond3A : i32
    scf.if %cond3A_56 {
      %get3A_57 = arith.constant 0 : index
      %get3A_58 = arith.constant 0 : index
      %get3A_59 = vector.load %arg7[%get3A_57, %get3A_58] : memref<256x16xf32, #tpu.memory_space<vmem>>, vector<8x16xf32>
      %get3A_60 = arith.constant 0 : index
      %get3A_61 = arith.constant 0 : index
      %get3A_62 = vector.load %arg8[%get3A_60, %get3A_61] : memref<256x16xf32, #tpu.memory_space<vmem>>, vector<8x16xf32>
      %get3A_63 = arith.constant 8 : index
      %get3A_64 = arith.constant 0 : index
      %get3A_65 = vector.load %arg7[%get3A_63, %get3A_64] : memref<256x16xf32, #tpu.memory_space<vmem>>, vector<8x16xf32>
      %add3A_66 = arith.addf %get3A_59, %get3A_65 : vector<8x16xf32>
      %get3A_67 = arith.constant 8 : index
      %get3A_68 = arith.constant 0 : index
      %get3A_69 = vector.load %arg8[%get3A_67, %get3A_68] : memref<256x16xf32, #tpu.memory_space<vmem>>, vector<8x16xf32>
      %add3A_70 = arith.addf %get3A_62, %get3A_69 : vector<8x16xf32>
      %get3A_71 = arith.constant 16 : index
      %get3A_72 = arith.constant 0 : index
      %get3A_73 = vector.load %arg7[%get3A_71, %get3A_72] : memref<256x16xf32, #tpu.memory_space<vmem>>, vector<8x16xf32>
      %add3A_74 = arith.addf %add3A_66, %get3A_73 : vector<8x16xf32>
      %get3A_75 = arith.constant 16 : index
      %get3A_76 = arith.constant 0 : index
      %get3A_77 = vector.load %arg8[%get3A_75, %get3A_76] : memref<256x16xf32, #tpu.memory_space<vmem>>, vector<8x16xf32>
      %add3A_78 = arith.addf %add3A_70, %get3A_77 : vector<8x16xf32>
      %get3A_79 = arith.constant 24 : index
      %get3A_80 = arith.constant 0 : index
      %get3A_81 = vector.load %arg7[%get3A_79, %get3A_80] : memref<256x16xf32, #tpu.memory_space<vmem>>, vector<8x16xf32>
      %add3A_82 = arith.addf %add3A_74, %get3A_81 : vector<8x16xf32>
      %get3A_83 = arith.constant 24 : index
      %get3A_84 = arith.constant 0 : index
      %get3A_85 = vector.load %arg8[%get3A_83, %get3A_84] : memref<256x16xf32, #tpu.memory_space<vmem>>, vector<8x16xf32>
      %add3A_86 = arith.addf %add3A_78, %get3A_85 : vector<8x16xf32>
      %get3A_87 = arith.constant 32 : index
      %get3A_88 = arith.constant 0 : index
      %get3A_89 = vector.load %arg7[%get3A_87, %get3A_88] : memref<256x16xf32, #tpu.memory_space<vmem>>, vector<8x16xf32>
      %add3A_90 = arith.addf %add3A_82, %get3A_89 : vector<8x16xf32>
      %get3A_91 = arith.constant 32 : index
      %get3A_92 = arith.constant 0 : index
      %get3A_93 = vector.load %arg8[%get3A_91, %get3A_92] : memref<256x16xf32, #tpu.memory_space<vmem>>, vector<8x16xf32>
      %add3A_94 = arith.addf %add3A_86, %get3A_93 : vector<8x16xf32>
      %get3A_95 = arith.constant 40 : index
      %get3A_96 = arith.constant 0 : index
      %get3A_97 = vector.load %arg7[%get3A_95, %get3A_96] : memref<256x16xf32, #tpu.memory_space<vmem>>, vector<8x16xf32>
      %add3A_98 = arith.addf %add3A_90, %get3A_97 : vector<8x16xf32>
      %get3A_99 = arith.constant 40 : index
      %get3A_100 = arith.constant 0 : index
      %get3A_101 = vector.load %arg8[%get3A_99, %get3A_100] : memref<256x16xf32, #tpu.memory_space<vmem>>, vector<8x16xf32>
      %add3A_102 = arith.addf %add3A_94, %get3A_101 : vector<8x16xf32>
      %get3A_103 = arith.constant 48 : index
      %get3A_104 = arith.constant 0 : index
      %get3A_105 = vector.load %arg7[%get3A_103, %get3A_104] : memref<256x16xf32, #tpu.memory_space<vmem>>, vector<8x16xf32>
      %add3A_106 = arith.addf %add3A_98, %get3A_105 : vector<8x16xf32>
      %get3A_107 = arith.constant 48 : index
      %get3A_108 = arith.constant 0 : index
      %get3A_109 = vector.load %arg8[%get3A_107, %get3A_108] : memref<256x16xf32, #tpu.memory_space<vmem>>, vector<8x16xf32>
      %add3A_110 = arith.addf %add3A_102, %get3A_109 : vector<8x16xf32>
      %get3A_111 = arith.constant 56 : index
      %get3A_112 = arith.constant 0 : index
      %get3A_113 = vector.load %arg7[%get3A_111, %get3A_112] : memref<256x16xf32, #tpu.memory_space<vmem>>, vector<8x16xf32>
      %add3A_114 = arith.addf %add3A_106, %get3A_113 : vector<8x16xf32>
      %get3A_115 = arith.constant 56 : index
      %get3A_116 = arith.constant 0 : index
      %get3A_117 = vector.load %arg8[%get3A_115, %get3A_116] : memref<256x16xf32, #tpu.memory_space<vmem>>, vector<8x16xf32>
      %add3A_118 = arith.addf %add3A_110, %get3A_117 : vector<8x16xf32>
      %get3A_119 = arith.constant 64 : index
      %get3A_120 = arith.constant 0 : index
      %get3A_121 = vector.load %arg7[%get3A_119, %get3A_120] : memref<256x16xf32, #tpu.memory_space<vmem>>, vector<8x16xf32>
      %add3A_122 = arith.addf %add3A_114, %get3A_121 : vector<8x16xf32>
      %get3A_123 = arith.constant 64 : index
      %get3A_124 = arith.constant 0 : index
      %get3A_125 = vector.load %arg8[%get3A_123, %get3A_124] : memref<256x16xf32, #tpu.memory_space<vmem>>, vector<8x16xf32>
      %add3A_126 = arith.addf %add3A_118, %get3A_125 : vector<8x16xf32>
      %get3A_127 = arith.constant 72 : index
      %get3A_128 = arith.constant 0 : index
      %get3A_129 = vector.load %arg7[%get3A_127, %get3A_128] : memref<256x16xf32, #tpu.memory_space<vmem>>, vector<8x16xf32>
      %add3A_130 = arith.addf %add3A_122, %get3A_129 : vector<8x16xf32>
      %get3A_131 = arith.constant 72 : index
      %get3A_132 = arith.constant 0 : index
      %get3A_133 = vector.load %arg8[%get3A_131, %get3A_132] : memref<256x16xf32, #tpu.memory_space<vmem>>, vector<8x16xf32>
      %add3A_134 = arith.addf %add3A_126, %get3A_133 : vector<8x16xf32>
      %get3A_135 = arith.constant 80 : index
      %get3A_136 = arith.constant 0 : index
      %get3A_137 = vector.load %arg7[%get3A_135, %get3A_136] : memref<256x16xf32, #tpu.memory_space<vmem>>, vector<8x16xf32>
      %add3A_138 = arith.addf %add3A_130, %get3A_137 : vector<8x16xf32>
      %get3A_139 = arith.constant 80 : index
      %get3A_140 = arith.constant 0 : index
      %get3A_141 = vector.load %arg8[%get3A_139, %get3A_140] : memref<256x16xf32, #tpu.memory_space<vmem>>, vector<8x16xf32>
      %add3A_142 = arith.addf %add3A_134, %get3A_141 : vector<8x16xf32>
      %get3A_143 = arith.constant 88 : index
      %get3A_144 = arith.constant 0 : index
      %get3A_145 = vector.load %arg7[%get3A_143, %get3A_144] : memref<256x16xf32, #tpu.memory_space<vmem>>, vector<8x16xf32>
      %add3A_146 = arith.addf %add3A_138, %get3A_145 : vector<8x16xf32>
      %get3A_147 = arith.constant 88 : index
      %get3A_148 = arith.constant 0 : index
      %get3A_149 = vector.load %arg8[%get3A_147, %get3A_148] : memref<256x16xf32, #tpu.memory_space<vmem>>, vector<8x16xf32>
      %add3A_150 = arith.addf %add3A_142, %get3A_149 : vector<8x16xf32>
      %get3A_151 = arith.constant 96 : index
      %get3A_152 = arith.constant 0 : index
      %get3A_153 = vector.load %arg7[%get3A_151, %get3A_152] : memref<256x16xf32, #tpu.memory_space<vmem>>, vector<8x16xf32>
      %add3A_154 = arith.addf %add3A_146, %get3A_153 : vector<8x16xf32>
      %get3A_155 = arith.constant 96 : index
      %get3A_156 = arith.constant 0 : index
      %get3A_157 = vector.load %arg8[%get3A_155, %get3A_156] : memref<256x16xf32, #tpu.memory_space<vmem>>, vector<8x16xf32>
      %add3A_158 = arith.addf %add3A_150, %get3A_157 : vector<8x16xf32>
      %get3A_159 = arith.constant 104 : index
      %get3A_160 = arith.constant 0 : index
      %get3A_161 = vector.load %arg7[%get3A_159, %get3A_160] : memref<256x16xf32, #tpu.memory_space<vmem>>, vector<8x16xf32>
      %add3A_162 = arith.addf %add3A_154, %get3A_161 : vector<8x16xf32>
      %get3A_163 = arith.constant 104 : index
      %get3A_164 = arith.constant 0 : index
      %get3A_165 = vector.load %arg8[%get3A_163, %get3A_164] : memref<256x16xf32, #tpu.memory_space<vmem>>, vector<8x16xf32>
      %add3A_166 = arith.addf %add3A_158, %get3A_165 : vector<8x16xf32>
      %get3A_167 = arith.constant 112 : index
      %get3A_168 = arith.constant 0 : index
      %get3A_169 = vector.load %arg7[%get3A_167, %get3A_168] : memref<256x16xf32, #tpu.memory_space<vmem>>, vector<8x16xf32>
      %add3A_170 = arith.addf %add3A_162, %get3A_169 : vector<8x16xf32>
      %get3A_171 = arith.constant 112 : index
      %get3A_172 = arith.constant 0 : index
      %get3A_173 = vector.load %arg8[%get3A_171, %get3A_172] : memref<256x16xf32, #tpu.memory_space<vmem>>, vector<8x16xf32>
      %add3A_174 = arith.addf %add3A_166, %get3A_173 : vector<8x16xf32>
      %get3A_175 = arith.constant 120 : index
      %get3A_176 = arith.constant 0 : index
      %get3A_177 = vector.load %arg7[%get3A_175, %get3A_176] : memref<256x16xf32, #tpu.memory_space<vmem>>, vector<8x16xf32>
      %add3A_178 = arith.addf %add3A_170, %get3A_177 : vector<8x16xf32>
      %get3A_179 = arith.constant 120 : index
      %get3A_180 = arith.constant 0 : index
      %get3A_181 = vector.load %arg8[%get3A_179, %get3A_180] : memref<256x16xf32, #tpu.memory_space<vmem>>, vector<8x16xf32>
      %add3A_182 = arith.addf %add3A_174, %get3A_181 : vector<8x16xf32>
      %get3A_183 = arith.constant 128 : index
      %get3A_184 = arith.constant 0 : index
      %get3A_185 = vector.load %arg7[%get3A_183, %get3A_184] : memref<256x16xf32, #tpu.memory_space<vmem>>, vector<8x16xf32>
      %add3A_186 = arith.addf %add3A_178, %get3A_185 : vector<8x16xf32>
      %get3A_187 = arith.constant 128 : index
      %get3A_188 = arith.constant 0 : index
      %get3A_189 = vector.load %arg8[%get3A_187, %get3A_188] : memref<256x16xf32, #tpu.memory_space<vmem>>, vector<8x16xf32>
      %add3A_190 = arith.addf %add3A_182, %get3A_189 : vector<8x16xf32>
      %get3A_191 = arith.constant 136 : index
      %get3A_192 = arith.constant 0 : index
      %get3A_193 = vector.load %arg7[%get3A_191, %get3A_192] : memref<256x16xf32, #tpu.memory_space<vmem>>, vector<8x16xf32>
      %add3A_194 = arith.addf %add3A_186, %get3A_193 : vector<8x16xf32>
      %get3A_195 = arith.constant 136 : index
      %get3A_196 = arith.constant 0 : index
      %get3A_197 = vector.load %arg8[%get3A_195, %get3A_196] : memref<256x16xf32, #tpu.memory_space<vmem>>, vector<8x16xf32>
      %add3A_198 = arith.addf %add3A_190, %get3A_197 : vector<8x16xf32>
      %get3A_199 = arith.constant 144 : index
      %get3A_200 = arith.constant 0 : index
      %get3A_201 = vector.load %arg7[%get3A_199, %get3A_200] : memref<256x16xf32, #tpu.memory_space<vmem>>, vector<8x16xf32>
      %add3A_202 = arith.addf %add3A_194, %get3A_201 : vector<8x16xf32>
      %get3A_203 = arith.constant 144 : index
      %get3A_204 = arith.constant 0 : index
      %get3A_205 = vector.load %arg8[%get3A_203, %get3A_204] : memref<256x16xf32, #tpu.memory_space<vmem>>, vector<8x16xf32>
      %add3A_206 = arith.addf %add3A_198, %get3A_205 : vector<8x16xf32>
      %get3A_207 = arith.constant 152 : index
      %get3A_208 = arith.constant 0 : index
      %get3A_209 = vector.load %arg7[%get3A_207, %get3A_208] : memref<256x16xf32, #tpu.memory_space<vmem>>, vector<8x16xf32>
      %add3A_210 = arith.addf %add3A_202, %get3A_209 : vector<8x16xf32>
      %get3A_211 = arith.constant 152 : index
      %get3A_212 = arith.constant 0 : index
      %get3A_213 = vector.load %arg8[%get3A_211, %get3A_212] : memref<256x16xf32, #tpu.memory_space<vmem>>, vector<8x16xf32>
      %add3A_214 = arith.addf %add3A_206, %get3A_213 : vector<8x16xf32>
      %get3A_215 = arith.constant 160 : index
      %get3A_216 = arith.constant 0 : index
      %get3A_217 = vector.load %arg7[%get3A_215, %get3A_216] : memref<256x16xf32, #tpu.memory_space<vmem>>, vector<8x16xf32>
      %add3A_218 = arith.addf %add3A_210, %get3A_217 : vector<8x16xf32>
      %get3A_219 = arith.constant 160 : index
      %get3A_220 = arith.constant 0 : index
      %get3A_221 = vector.load %arg8[%get3A_219, %get3A_220] : memref<256x16xf32, #tpu.memory_space<vmem>>, vector<8x16xf32>
      %add3A_222 = arith.addf %add3A_214, %get3A_221 : vector<8x16xf32>
      %get3A_223 = arith.constant 168 : index
      %get3A_224 = arith.constant 0 : index
      %get3A_225 = vector.load %arg7[%get3A_223, %get3A_224] : memref<256x16xf32, #tpu.memory_space<vmem>>, vector<8x16xf32>
      %add3A_226 = arith.addf %add3A_218, %get3A_225 : vector<8x16xf32>
      %get3A_227 = arith.constant 168 : index
      %get3A_228 = arith.constant 0 : index
      %get3A_229 = vector.load %arg8[%get3A_227, %get3A_228] : memref<256x16xf32, #tpu.memory_space<vmem>>, vector<8x16xf32>
      %add3A_230 = arith.addf %add3A_222, %get3A_229 : vector<8x16xf32>
      %get3A_231 = arith.constant 176 : index
      %get3A_232 = arith.constant 0 : index
      %get3A_233 = vector.load %arg7[%get3A_231, %get3A_232] : memref<256x16xf32, #tpu.memory_space<vmem>>, vector<8x16xf32>
      %add3A_234 = arith.addf %add3A_226, %get3A_233 : vector<8x16xf32>
      %get3A_235 = arith.constant 176 : index
      %get3A_236 = arith.constant 0 : index
      %get3A_237 = vector.load %arg8[%get3A_235, %get3A_236] : memref<256x16xf32, #tpu.memory_space<vmem>>, vector<8x16xf32>
      %add3A_238 = arith.addf %add3A_230, %get3A_237 : vector<8x16xf32>
      %get3A_239 = arith.constant 184 : index
      %get3A_240 = arith.constant 0 : index
      %get3A_241 = vector.load %arg7[%get3A_239, %get3A_240] : memref<256x16xf32, #tpu.memory_space<vmem>>, vector<8x16xf32>
      %add3A_242 = arith.addf %add3A_234, %get3A_241 : vector<8x16xf32>
      %get3A_243 = arith.constant 184 : index
      %get3A_244 = arith.constant 0 : index
      %get3A_245 = vector.load %arg8[%get3A_243, %get3A_244] : memref<256x16xf32, #tpu.memory_space<vmem>>, vector<8x16xf32>
      %add3A_246 = arith.addf %add3A_238, %get3A_245 : vector<8x16xf32>
      %get3A_247 = arith.constant 192 : index
      %get3A_248 = arith.constant 0 : index
      %get3A_249 = vector.load %arg7[%get3A_247, %get3A_248] : memref<256x16xf32, #tpu.memory_space<vmem>>, vector<8x16xf32>
      %add3A_250 = arith.addf %add3A_242, %get3A_249 : vector<8x16xf32>
      %get3A_251 = arith.constant 192 : index
      %get3A_252 = arith.constant 0 : index
      %get3A_253 = vector.load %arg8[%get3A_251, %get3A_252] : memref<256x16xf32, #tpu.memory_space<vmem>>, vector<8x16xf32>
      %add3A_254 = arith.addf %add3A_246, %get3A_253 : vector<8x16xf32>
      %get3A_255 = arith.constant 200 : index
      %get3A_256 = arith.constant 0 : index
      %get3A_257 = vector.load %arg7[%get3A_255, %get3A_256] : memref<256x16xf32, #tpu.memory_space<vmem>>, vector<8x16xf32>
      %add3A_258 = arith.addf %add3A_250, %get3A_257 : vector<8x16xf32>
      %get3A_259 = arith.constant 200 : index
      %get3A_260 = arith.constant 0 : index
      %get3A_261 = vector.load %arg8[%get3A_259, %get3A_260] : memref<256x16xf32, #tpu.memory_space<vmem>>, vector<8x16xf32>
      %add3A_262 = arith.addf %add3A_254, %get3A_261 : vector<8x16xf32>
      %get3A_263 = arith.constant 208 : index
      %get3A_264 = arith.constant 0 : index
      %get3A_265 = vector.load %arg7[%get3A_263, %get3A_264] : memref<256x16xf32, #tpu.memory_space<vmem>>, vector<8x16xf32>
      %add3A_266 = arith.addf %add3A_258, %get3A_265 : vector<8x16xf32>
      %get3A_267 = arith.constant 208 : index
      %get3A_268 = arith.constant 0 : index
      %get3A_269 = vector.load %arg8[%get3A_267, %get3A_268] : memref<256x16xf32, #tpu.memory_space<vmem>>, vector<8x16xf32>
      %add3A_270 = arith.addf %add3A_262, %get3A_269 : vector<8x16xf32>
      %get3A_271 = arith.constant 216 : index
      %get3A_272 = arith.constant 0 : index
      %get3A_273 = vector.load %arg7[%get3A_271, %get3A_272] : memref<256x16xf32, #tpu.memory_space<vmem>>, vector<8x16xf32>
      %add3A_274 = arith.addf %add3A_266, %get3A_273 : vector<8x16xf32>
      %get3A_275 = arith.constant 216 : index
      %get3A_276 = arith.constant 0 : index
      %get3A_277 = vector.load %arg8[%get3A_275, %get3A_276] : memref<256x16xf32, #tpu.memory_space<vmem>>, vector<8x16xf32>
      %add3A_278 = arith.addf %add3A_270, %get3A_277 : vector<8x16xf32>
      %get3A_279 = arith.constant 224 : index
      %get3A_280 = arith.constant 0 : index
      %get3A_281 = vector.load %arg7[%get3A_279, %get3A_280] : memref<256x16xf32, #tpu.memory_space<vmem>>, vector<8x16xf32>
      %add3A_282 = arith.addf %add3A_274, %get3A_281 : vector<8x16xf32>
      %get3A_283 = arith.constant 224 : index
      %get3A_284 = arith.constant 0 : index
      %get3A_285 = vector.load %arg8[%get3A_283, %get3A_284] : memref<256x16xf32, #tpu.memory_space<vmem>>, vector<8x16xf32>
      %add3A_286 = arith.addf %add3A_278, %get3A_285 : vector<8x16xf32>
      %get3A_287 = arith.constant 232 : index
      %get3A_288 = arith.constant 0 : index
      %get3A_289 = vector.load %arg7[%get3A_287, %get3A_288] : memref<256x16xf32, #tpu.memory_space<vmem>>, vector<8x16xf32>
      %add3A_290 = arith.addf %add3A_282, %get3A_289 : vector<8x16xf32>
      %get3A_291 = arith.constant 232 : index
      %get3A_292 = arith.constant 0 : index
      %get3A_293 = vector.load %arg8[%get3A_291, %get3A_292] : memref<256x16xf32, #tpu.memory_space<vmem>>, vector<8x16xf32>
      %add3A_294 = arith.addf %add3A_286, %get3A_293 : vector<8x16xf32>
      %get3A_295 = arith.constant 240 : index
      %get3A_296 = arith.constant 0 : index
      %get3A_297 = vector.load %arg7[%get3A_295, %get3A_296] : memref<256x16xf32, #tpu.memory_space<vmem>>, vector<8x16xf32>
      %add3A_298 = arith.addf %add3A_290, %get3A_297 : vector<8x16xf32>
      %get3A_299 = arith.constant 240 : index
      %get3A_300 = arith.constant 0 : index
      %get3A_301 = vector.load %arg8[%get3A_299, %get3A_300] : memref<256x16xf32, #tpu.memory_space<vmem>>, vector<8x16xf32>
      %add3A_302 = arith.addf %add3A_294, %get3A_301 : vector<8x16xf32>
      %get3A_303 = arith.constant 248 : index
      %get3A_304 = arith.constant 0 : index
      %get3A_305 = vector.load %arg7[%get3A_303, %get3A_304] : memref<256x16xf32, #tpu.memory_space<vmem>>, vector<8x16xf32>
      %add3A_306 = arith.addf %add3A_298, %get3A_305 : vector<8x16xf32>
      %get3A_307 = arith.constant 248 : index
      %get3A_308 = arith.constant 0 : index
      %get3A_309 = vector.load %arg8[%get3A_307, %get3A_308] : memref<256x16xf32, #tpu.memory_space<vmem>>, vector<8x16xf32>
      %add3A_310 = arith.addf %add3A_302, %get3A_309 : vector<8x16xf32>
      %reduce_sum3A = arith.constant dense<0.000000e+00> : vector<8xf32>
      %reduce_sum3A_311 = vector.multi_reduction <add>, %add3A_306, %reduce_sum3A [1] : vector<8x16xf32> to vector<8xf32>
      %broadcast_in_dim3A = vector.shape_cast %reduce_sum3A_311 : vector<8xf32> to vector<8x1xf32>
      %reduce_sum3A_312 = arith.constant dense<0.000000e+00> : vector<8xf32>
      %reduce_sum3A_313 = vector.multi_reduction <add>, %add3A_310, %reduce_sum3A_312 [1] : vector<8x16xf32> to vector<8xf32>
      %broadcast_in_dim3A_314 = vector.shape_cast %reduce_sum3A_313 : vector<8xf32> to vector<8x1xf32>
      %mul3A_315 = arith.mulf %broadcast_in_dim3A, %broadcast_in_dim3A_314 : vector<8x1xf32>
      %reduce_sum3A_316 = vector.shape_cast %mul3A_315 : vector<8x1xf32> to vector<1x8x1xf32>
      %reduce_sum3A_317 = arith.constant dense<0.000000e+00> : vector<1xf32>
      %reduce_sum3A_318 = vector.multi_reduction <add>, %reduce_sum3A_316, %reduce_sum3A_317 [1, 2] : vector<1x8x1xf32> to vector<1xf32>
      %reduce_sum3A_319 = vector.shape_cast %reduce_sum3A_318 : vector<1xf32> to vector<1x1x1xf32>
      %reduce_sum3A_320 = vector.extract %reduce_sum3A_319[0, 0, 0] : f32 from vector<1x1x1xf32>
      %broadcast_in_dim3A_321 = vector.broadcast %reduce_sum3A_320 : f32 to vector<1x1xf32>
      %mul3A_322 = arith.constant 1.90734863E-6 : f32
      %mul3A_323 = vector.broadcast %mul3A_322 : f32 to vector<1x1xf32>
      %mul3A_324 = arith.mulf %mul3A_323, %broadcast_in_dim3A_321 : vector<1x1xf32>
      %swap3A_325 = arith.constant 0 : index
      %swap3A_326 = arith.constant 0 : index
      %swap3A_327 = vector.load %arg10[%swap3A_325, %swap3A_326] : memref<1x1xf32, #tpu.memory_space<vmem>>, vector<1x1xf32>
      tpu.vector_store %arg10[%swap3A_325, %swap3A_326], %mul3A_324 {strides = array<i32>} : memref<1x1xf32, #tpu.memory_space<vmem>>, vector<1x1xf32>,
    } else {
    }
    return
  }
  func.func @transform_0(%arg0: i32) -> (i32, i32) {
    %c0_i32 = arith.constant 0 : i32
    %c0_i32_0 = arith.constant 0 : i32
    return %arg0, %c0_i32 : i32, i32
  }
  func.func @transform_1(%arg0: i32) -> (i32, i32) {
    %c0_i32 = arith.constant 0 : i32
    %c0_i32_0 = arith.constant 0 : i32
    %c0_i32_1 = arith.constant 0 : i32
    return %c0_i32, %c0_i32_0 : i32, i32
  }
  func.func @transform_2(%arg0: i32) -> (i32, i32) {
    %c0_i32 = arith.constant 0 : i32
    %c0_i32_0 = arith.constant 0 : i32
    %c0_i32_1 = arith.constant 0 : i32
    return %c0_i32, %c0_i32_0 : i32, i32
  }
  func.func @transform_3(%arg0: i32) -> (i32, i32) {
    %c0_i32 = arith.constant 0 : i32
    %c0_i32_0 = arith.constant 0 : i32
    %c0_i32_1 = arith.constant 0 : i32
    return %c0_i32, %c0_i32_0 : i32, i32
  }
  func.func @transform_4(%arg0: i32) -> (i32, i32) {
    %c0_i32 = arith.constant 0 : i32
    %c0_i32_0 = arith.constant 0 : i32
    %c0_i32_1 = arith.constant 0 : i32
    return %c0_i32, %c0_i32_0 : i32, i32
  }
  func.func @transform_5(%arg0: i32) -> (i32, i32) {
    %c0_i32 = arith.constant 0 : i32
    %c0_i32_0 = arith.constant 0 : i32
    return %c0_i32, %arg0 : i32, i32
  }
  func.func @transform_6(%arg0: i32) -> (i32, i32) {
    %c0_i32 = arith.constant 0 : i32
    %c0_i32_0 = arith.constant 0 : i32
    %c0_i32_1 = arith.constant 0 : i32
    return %c0_i32, %c0_i32_0 : i32, i32
  }
  func.func @transform_7(%arg0: i32) -> (i32, i32) {
    %c0_i32 = arith.constant 0 : i32
    %c0_i32_0 = arith.constant 0 : i32
    %c0_i32_1 = arith.constant 0 : i32
    return %c0_i32, %c0_i32_0 : i32, i32
  }
  func.func @transform_8(%arg0: i32) -> (i32, i32) {
    %c0_i32 = arith.constant 0 : i32
    %c0_i32_0 = arith.constant 0 : i32
    return %arg0, %c0_i32 : i32, i32
  }
  func.func @transform_9(%arg0: i32) -> (i32, i32) {
    %c0_i32 = arith.constant 0 : i32
    %c0_i32_0 = arith.constant 0 : i32
    %c0_i32_1 = arith.constant 0 : i32
    return %c0_i32, %c0_i32_0 : i32, i32
  }
}

</mosaic_0001>

<sc_bundles>
// kernel: _run.5.cloned.1.call-start
scs
__scs_entry_jumppad:
0x0: {  	(pc) =	sbr.rel $0x88, $3  }
0x1: {  	(tag) =	ssettag $0x0;
	lr =	simm.s32 $0x1  }
0x2: {  	[smem:$0x3F98] =	sst lr;
	_ =	strace $0xD0000000  }
0x3: {  	_ = 	snop  }
0x4: {  	_ = 	snop  }
0x5: {  	_ = 	snop  }
0x6: {  	_ = 	snop  }
0x7: {  	_ = 	snop  }
__scs_overlays_trampoline_lowered:
0x8: {  	[smem:$0x3FA7] =	sst s0  }
0x9: {  	[smem:$0x3FA8] =	sst s1  }
0xa: {  	[smem:$0x3FA9] =	sst s2  }
0xb: {  	[smem:$0x3FAA] =	sst s3  }
0xc: {  	[smem:$0x3FAB] =	sst s4  }
0xd: {  	[smem:$0x3FAC] =	sst s5  }
0xe: {  	[smem:$0x3FAD] =	sst s6  }
0xf: {  	[smem:$0x3FAE] =	sst s7  }
0x10: {  	[smem:$0x3FAF] =	sst s8  }
0x11: {  	[smem:$0x3FB0] =	sst s9;
	s0 =	simm.s32 @!p0 $0x0  }
0x12: {  	s1 =	sld [smem:$0x3F96];
	s0 =	simm.s32 @p0 $0x1  }
0x13: {  	[smem:$0x3FB1] =	sst s0;
	s0 =	simm.s32 @!p1 $0x0  }
0x14: {  	s2 =	sld [smem:$0x3F95];
	s0 =	simm.s32 @p1 $0x1  }
0x15: {  	[smem:$0x3FB2] =	sst s0;
	s0 =	simm.s32 @!p2 $0x0  }
0x16: {  	s3 =	sld [smem:$0x3FDB];
	s0 =	simm.s32 @p2 $0x1  }
0x17: {  	s4 =	simm.s32 $0x1BF5;
	[smem:$0x3FB4] =	sst s0  }
0x18: {  	s0 =	sld [smem:$0x3F97];
	_ =	swait.ge [sflag:s4], $0x0  }
0x19: {  	s7 =	sld [smem:$0x3F98]  }
0x1a: {  	s8 =	sadd.s32 $0xFFFFE003, lr  }
0x1b: {  	s9 =	sadd.s32 $0xFFFFFEF7, lr;
	s5 =	simm.s32 $0xFFFFFFFF;
	p2 =	slt.u32 s8, $0xFFFFF086  }
0x1c: {  	p1 =	slt.u32 s9, $0xF7A;
	s5 =	simm.s32 @!p2 $0x0  }
0x1d: {  	s5 =	simm.s32 @p1 $0x1;
	p0 =	seq.s32 s7, s2  }
0x1e: {  	s7 =	smul.u32 @!p0 $0xF7A, s2;
	p2 =	seq.s32 @!p0 s5, $0x0  }
0x1f: {  	s9 =	smul.u32 $0xF7A, s1;
	s8 =	simm.s32 @!p0 $0x1BF5;
	p2 =	por !p2, p0  }
0x20: {  	[sflag:s8] =	ssyncset.s32 @!p0 $0xFFFFF086;
	s6 =	sadd.s32 @!p0 s3, s7;
	s7 =	simm.s32 @!p0 $0x108  }
0x21: {  	s3 =	sadd.s32 s3, s9;
	s6 =	sadd.s32 @!p0 $0x88, s6;
	s7 =	simm.s32 @p2 $0x1082  }
0x22: {  	[simem:s7], [sflag:s8] =	dma.local @!p0 [hbm:s6], $0xF7A  }
0x23: {  	s9 =	sor.u32 $0xD0000000, s2;
	s6 =	simm.s32 $0x108;
	_ =	swait.ge @!p0 [sflag:s8], $0x0  }
0x24: {  	s3 =	sadd.s32 $0x88, s3;
	s6 =	simm.s32 @!p1 $0x1082;
	[sflag:s4] =	ssyncset.s32 $0xFFFFF086  }
0x25: {  	[simem:s6], [sflag:s4] =	dma.local [hbm:s3], $0xF7A  }
0x26: {  	[smem:$0x3F98] =	sst s1;
	(tag) =	ssettag s2;
	_ =	strace s9  }
0x27: {  	s1 =	sld [smem:$0x3FA8]  }
0x28: {  	s2 =	sld [smem:$0x3FA9]  }
0x29: {  	s4 =	sld [smem:$0x3FAB]  }
0x2a: {  	p0 =	seq.s32 s5, $0x0;
	s5 =	sld [smem:$0x3FAC]  }
0x2b: {  	s6 =	sld [smem:$0x3FAD]  }
0x2c: {  	s7 =	sld [smem:$0x3FAE]  }
0x2d: {  	s3 =	simm.s32 $0x108;
	s8 =	sld [smem:$0x3FAF]  }
0x2e: {  	s3 =	simm.s32 @!p0 $0x1082;
	s9 =	sld [smem:$0x3FB0]  }
0x2f: {  	lr =	sadd.s32 s0, s3;
	s0 =	sld [smem:$0x3FA7]  }
0x30: {  	s3 =	sld [smem:$0x3FAA]  }
0x31: {  	[smem:$0x3FB3] =	sst s10  }
0x32: {  	s10 =	sld [smem:$0x3FB1];
	_ =	sdelay $0x3  }
0x33: {  	p0 =	seq.s32 s10, $0x1;
	s10 =	sld [smem:$0x3FB3];
	_ =	sdelay $0x3  }
0x34: {  	[smem:$0x3FB3] =	sst s10  }
0x35: {  	s10 =	sld [smem:$0x3FB2];
	_ =	sdelay $0x3  }
0x36: {  	p1 =	seq.s32 s10, $0x1;
	s10 =	sld [smem:$0x3FB3];
	_ =	sdelay $0x3  }
0x37: {  	[smem:$0x3FB3] =	sst s10  }
0x38: {  	s10 =	sld [smem:$0x3FB4]  }
0x39: {  	_ = 	snop;
	(pc) =	sbr.ind lr, $3  }
0x3a: {  	_ = 	snop  }
0x3b: {  	_ = 	snop  }
0x3c: {  	p2 =	seq.s32 s10, $0x1;
	s10 =	sld [smem:$0x3FB3]  }
0x3d: {  	_ =	shalt  }
0x3e: {  	_ =	shalt  }
0x3f: {  	_ =	shalt  }
0x40: {  	_ =	shalt  }
0x41: {  	_ =	shalt  }
0x42: {  	_ =	shalt  }
0x43: {  	_ =	shalt  }
0x44: {  	_ =	shalt  }
0x45: {  	_ =	shalt  }
0x46: {  	_ =	shalt  }
0x47: {  	_ =	shalt  }
0x48: {  	_ =	shalt  }
0x49: {  	_ =	shalt  }
0x4a: {  	_ =	shalt  }
0x4b: {  	_ =	shalt  }
0x4c: {  	_ =	shalt  }
0x4d: {  	_ =	shalt  }
0x4e: {  	_ =	shalt  }
0x4f: {  	_ =	shalt  }
0x50: {  	_ =	shalt  }
0x51: {  	_ =	shalt  }
0x52: {  	_ =	shalt  }
0x53: {  	_ =	shalt  }
0x54: {  	_ =	shalt  }
0x55: {  	_ =	shalt  }
0x56: {  	_ =	shalt  }
0x57: {  	_ =	shalt  }
0x58: {  	_ =	shalt  }
0x59: {  	_ =	shalt  }
0x5a: {  	_ =	shalt  }
0x5b: {  	_ =	shalt  }
0x5c: {  	_ =	shalt  }
0x5d: {  	_ =	shalt  }
0x5e: {  	_ =	shalt  }
0x5f: {  	_ =	shalt  }
0x60: {  	_ =	shalt  }
0x61: {  	_ =	shalt  }
0x62: {  	_ =	shalt  }
0x63: {  	_ =	shalt  }
0x64: {  	_ =	shalt  }
0x65: {  	_ =	shalt  }
0x66: {  	_ =	shalt  }
0x67: {  	_ =	shalt  }
0x68: {  	_ =	shalt  }
0x69: {  	_ =	shalt  }
0x6a: {  	_ =	shalt  }
0x6b: {  	_ =	shalt  }
0x6c: {  	_ =	shalt  }
0x6d: {  	_ =	shalt  }
0x6e: {  	_ =	shalt  }
0x6f: {  	_ =	shalt  }
0x70: {  	_ =	shalt  }
0x71: {  	_ =	shalt  }
0x72: {  	_ =	shalt  }
0x73: {  	_ =	shalt  }
0x74: {  	_ =	shalt  }
0x75: {  	_ =	shalt  }
0x76: {  	_ =	shalt  }
0x77: {  	_ =	shalt  }
0x78: {  	_ =	shalt  }
0x79: {  	_ =	shalt  }
0x7a: {  	_ =	shalt  }
0x7b: {  	_ =	shalt  }
0x7c: {  	_ =	shalt  }
0x7d: {  	_ =	shalt  }
0x7e: {  	_ =	shalt  }
0x7f: {  	_ =	shalt  }
0x80: {  	_ =	shalt  }
0x81: {  	_ =	shalt  }
0x82: {  	_ =	shalt  }
0x83: {  	_ =	shalt  }
0x84: {  	_ =	shalt  }
0x85: {  	_ =	shalt  }
0x86: {  	_ =	shalt  }
0x87: {  	_ =	shalt  }
.Lfunc_end0:
.L_simem_size_0:
called_computation_lowered:
.L_overlay_start_0:
0x88: {  	s2 =	sld [smem:$0x3FD9]  }
0x89: {  	s3 =	sld [smem:$0x3FFE];
	_ =	sdelay $0x1  }
0x8a: {  	s1 =	srdreg.scid  }
0x8b: {  	s0 =	sand.u32 $0x1, s1  }
0x8c: {  	s14 =	sshll.u32 s0, $0xA;
	s2 =	sadd.s32 s3, s2  }
0x8d: {  	s2 =	sadd.s32 s2, s14  }
0x8e: {  	[smem:$0x3FBF] =	sst s2  }
0x8f: {  	_ = 	snop  }
0x90: {  	s2 =	sld [smem:$0x3FD0];
	_ =	sdelay $0x2  }
0x91: {  	s15 =	simm.s32 $0xA;
	s4 =	simm.s32 $0x10  }
0x92: {  	[smem:s4], [sflag:s15] =	dma.local [hbm:s2], $0x1  }
0x93: {  	_ =	swait.eq [sflag:s15], $0x1  }
0x94: {  	[sflag:s15] =	ssyncset.done $0x0  }
0x95: {  	[sflag:s15] =	ssyncadd.s32 $0xFFFFFFFF  }
0x96: {  	s16 =	sld [smem:$0x10];
	(tm) =	ssettm $0x1  }
0x97: {  	s17 =	sld [smem:$0x3FFB];
	_ =	sdelay $0x3  }
0x98: {  	_ =	strace s17  }
0x99: {  	s3 =	sld [smem:$0x3FFC];
	_ =	sdelay $0x3  }
0x9a: {  	_ =	strace s3  }
0x9b: {  	s3 =	sld [smem:$0x3FFD];
	_ =	sdelay $0x3  }
0x9c: {  	_ =	strace s3  }
0x9d: {  	_ =	strace $0x8FFFFFFF  }
0x9e: {  	s18 =	sld [smem:$0x3FDB];
	_ =	sdelay $0x1  }
0x9f: {  	s19 =	simm.s32 $_scs_section_size  }
0xa0: {  	s5 =	simm.s32 $_size__tile_overlayer_lowered;
	s6 =	simm.s32 $_tile_overlayer_lowered  }
0xa1: {  	s22 =	simm.s32 $0x1BFF;
	s21 =	sshll.u32 s6, $0x1;
	s3 =	sadd.s32 s19, s18  }
0xa2: {  	s7 =	simm.s32 $0x0;
	s20 =	sshll.u32 s5, $0x1;
	s5 =	sadd.s32 s21, s3  }
0xa3: {  	[timem:s7], [sflag:s22] =	dma.local [hbm:s5], s20  }
0xa4: {  	_ =	swait.ge [sflag:s22], s20  }
0xa5: {  	s4 =	ssub.s32 $0x0, s20;
	[sflag:s22] =	ssyncset.done $0x0  }
0xa6: {  	[sflag:s22] =	ssyncadd.s32 s4;
	_ =	sdelay $0x1  }
0xa7: {  	s23 =	simm.s32 $0x1B8B  }
0xa8: {  	_ =	swait.ge [sflag:s23], $0x1  }
0xa9: {  	[sflag:s23] =	ssyncset.done $0x0  }
0xaa: {  	s25 =	simm.s32 $0x1B8E;
	s24 =	sld [smem:$0x3FFE];
	[sflag:s23] =	ssyncadd.s32 $0xFFFFFFFF  }
0xab: {  	s26 =	simm.s32 $execute0_lowered;
	[smem:$0x3FD2] =	sst s25  }
0xac: {  	s5 =	sshll.u32 s26, $0x1;
	_ =	strace $0x80000046;
	[dreg:$0x1] =	wrdreg $0xFFFFFFFF  }
0xad: {  	s28 =	simm.s32 $_size_execute0_lowered;
	s3 =	sadd.s32 s3, s5;
	[dreg:$0x0] =	wrdreg $0x0  }
0xae: {  	s5 =	sshll.u32 s28, $0x1;
	[dreg:$0x2] =	wrdreg s3  }
0xaf: {  	[dreg:$0x3] =	wrdreg s5  }
0xb0: {  	[dreg:$0x4] =	wrdreg $0xC0  }
0xb1: {  	_ =	task [dreg:s7], $0x5FFFF  }
0xb2: {  	[dreg:$0x1] =	wrdreg $0xFFFFFFFF  }
0xb3: {  	[dreg:$0x0] =	wrdreg $0x60  }
0xb4: {  	[dreg:$0x2] =	wrdreg s16  }
0xb5: {  	[dreg:$0x3] =	wrdreg s24  }
0xb6: {  	[dreg:$0x4] =	wrdreg $0x9  }
0xb7: {  	_ =	task.clear_ibuf [dreg:s7], $0x5FFFF;
	_ =	strace $0x90000046  }
0xb8: {  	s29 =	simm.s32 $0x9;
	_ =	strace $0x80000048  }
0xb9: {  	_ =	swait.ge [sflag:s29], $0x1  }
0xba: {  	[sflag:s29] =	ssyncadd.s32 $0xFFFFFFFF  }
0xbb: {  	_ =	strace $0x90000048  }
0xbc: {  	_ =	sfence  }
0xbd: {  	s30 =	sld [smem:$0x0];
	_ =	sdelay $0x2  }
0xbe: {  	s31 =	sshll.u32 s1, $0xD;
	s1 =	sshrl.u32 s1, $0x2  }
0xbf: {  	s3 =	sand.u32 $0x4000, s31;
	s1 =	sadd.s32 s1, s30  }
0xc0: {  	s0 =	sor.u32 s3, s0;
	s1 =	sshll.u32 s1, $0x11  }
0xc1: {  	s0 =	sor.u32 s1, s0  }
0xc2: {  	s0 =	sadd.s32 $0x8F2B, s0  }
0xc3: {  	[sflag:s0] =	ssyncadd.remote.s32 $0x1  }
0xc4: {  	_ =	sfence.sel $0xFFFF  }
0xc5: {  	[dreg:$0x0] =	wrdreg $0xFFFFFFFF;
	(pc) =	sbr.abs _section_cstart, $3  }
0xc6: {  	[dreg:$0x1] =	wrdreg $0xFFFFFFFF  }
0xc7: {  	_ =	task.clear_ibuf [dreg:s7], $0x2FFFF;
	_ =	strace $0x9FFFFFFF  }
0xc8: {  	(tm) =	ssettm $0x7FFFFFFF  }
0xc9: {  	_ =	shalt  }
tec
execute0_lowered:
.L_overlay_start_1:
0x0: {  	(tag) =	ssettag $0x1  }
0x1: {  	s0 =	rddreg [dreg:$0x0]  }
0x2: {  	s3 =	rddreg [dreg:$0x1];
	s4 =	srdreg.scid  }
0x3: {  	s1 =	stileid.u32;
	s2 =	simm.s32 $0x0;
	s28 =	simm.s32 $0x680  }
0x4: {  	s29 =	simm.s32 $0x700;
	s30 =	simm.s32 $0x780;
	s31 =	simm.s32 $0x800  }
0x5: {  	s4 =	sand.u32 $0x1, s4;
	s5 =	sshll.u32 s1, $0x1;
	[smem:$0x7FF] =	sst s2  }
0x6: {  	s10 =	sadd.s32 $0x1A00, s3;
	s5 =	sor.u32 s4, s5;
	_ =	strace $0x80000047  }
0x7: {  	s17 =	ssub.s32 $0x2, s4;
	s6 =	sshll.u32 s5, $0x4;
	s18 =	sshll.u32 s5, $0x3  }
0x8: {  	s19 =	sshrl.u32 s17, $0x1;
	s12 =	sadd.s32 s6, s3;
	s20 =	sadd.s32 s0, s18  }
0x9: {  	s7 =	sor.u32 $0x100, s18;
	s8 =	sor.u32 $0x200, s18;
	s9 =	sor.u32 $0x300, s18  }
0xa: {  	s11 =	sor.u32 $0x400, s18;
	s13 =	sor.u32 $0x500, s18;
	s14 =	sor.u32 $0x600, s18  }
0xb: {  	s15 =	sor.u32 $0x700, s18;
	s16 =	ssub.s32 s17, s19;
	s3 =	sadd.s32 s10, s18  }
0xc: {  	s17 =	simm.s32 $0x180;
	s18 =	simm.s32 $0x200;
	s19 =	simm.s32 $0x280  }
0xd: {  	[dreg:$0x3] =	wrdreg s20;
	s21 =	sadd.s32 s0, s7;
	s22 =	sadd.s32 s0, s8  }
0xe: {  	s23 =	sadd.s32 s0, s9;
	s24 =	sadd.s32 s0, s11;
	s25 =	sadd.s32 s0, s13  }
0xf: {  	s26 =	sadd.s32 s0, s14;
	s0 =	sadd.s32 s0, s15;
	s4 =	sadd.s32 s10, s7  }
0x10: {  	s5 =	sadd.s32 s10, s8;
	s6 =	sadd.s32 s10, s9;
	[dreg:$0x4] =	wrdreg s21  }
0x11: {  	s7 =	sadd.s32 s10, s11;
	s8 =	sadd.s32 s10, s13;
	[dreg:$0x5] =	wrdreg s22  }
0x12: {  	s9 =	sadd.s32 s10, s14;
	s10 =	sadd.s32 s10, s15;
	[dreg:$0x6] =	wrdreg s23  }
0x13: {  	s11 =	sadd.s32 $0x2200, s12;
	s12 =	sadd.s32 $0x2400, s12;
	[dreg:$0x7] =	wrdreg s24  }
0x14: {  	s13 =	smax.u32 s16, $0x1;
	s14 =	simm.s32 $0x1;
	[dreg:$0x8] =	wrdreg s25  }
0x15: {  	s15 =	simm.s32 $0x80;
	s16 =	simm.s32 $0x100;
	[dreg:$0x9] =	wrdreg s26  }
0x16: {  	s20 =	simm.s32 $0x300;
	[dreg:$0xa] =	wrdreg s0;
	s21 =	simm.s32 $0x380  }
0x17: {  	s22 =	simm.s32 $0x400;
	s23 =	simm.s32 $0x480;
	s24 =	simm.s32 $0x500  }
0x18: {  	v2 =	vimm.f32 $0.0e+00;
	s25 =	simm.s32 $0x580;
	s26 =	simm.s32 $0x600;
	s0 =	simm.s32 $0x880  }
.LBB2_1:
0x19: {  	s1 =	rddreg [dreg:$0x3]  }
0x1a: {  	[tilespmem:s2], [sflag:$0x1] =	stream.linear.gather [hbm4b:s1+s2], $0x40, $0x38;
	[tilespmem:$0x900] =	vst v63  }
0x1b: {  	_ =	swait.ge [sflag:s14], $0x40  }
0x1c: {  	[sflag:s14] =	ssyncset.done $0x0  }
0x1d: {  	s1 =	rddreg [dreg:$0x4];
	[sflag:s14] =	ssyncadd.s32 $0xFFFFFFC0  }
0x1e: {  	[tilespmem:s15], [sflag:$0x1] =	stream.linear.gather [hbm4b:s1+s2], $0x40, $0x38;
	[tilespmem:$0x900] =	vst v63  }
0x1f: {  	_ =	swait.ge [sflag:s14], $0x40  }
0x20: {  	[sflag:s14] =	ssyncset.done $0x0  }
0x21: {  	s1 =	rddreg [dreg:$0x5];
	[sflag:s14] =	ssyncadd.s32 $0xFFFFFFC0  }
0x22: {  	[tilespmem:s16], [sflag:$0x1] =	stream.linear.gather [hbm4b:s1+s2], $0x40, $0x38;
	[tilespmem:$0x900] =	vst v63  }
0x23: {  	_ =	swait.ge [sflag:s14], $0x40  }
0x24: {  	[sflag:s14] =	ssyncset.done $0x0  }
0x25: {  	s1 =	rddreg [dreg:$0x6];
	[sflag:s14] =	ssyncadd.s32 $0xFFFFFFC0  }
0x26: {  	[tilespmem:s17], [sflag:$0x1] =	stream.linear.gather [hbm4b:s1+s2], $0x40, $0x38;
	[tilespmem:$0x900] =	vst v63  }
0x27: {  	_ =	swait.ge [sflag:s14], $0x40  }
0x28: {  	[sflag:s14] =	ssyncset.done $0x0  }
0x29: {  	s1 =	rddreg [dreg:$0x7];
	[sflag:s14] =	ssyncadd.s32 $0xFFFFFFC0  }
0x2a: {  	[tilespmem:s18], [sflag:$0x1] =	stream.linear.gather [hbm4b:s1+s2], $0x40, $0x38;
	[tilespmem:$0x900] =	vst v63  }
0x2b: {  	_ =	swait.ge [sflag:s14], $0x40  }
0x2c: {  	[sflag:s14] =	ssyncset.done $0x0  }
0x2d: {  	s1 =	rddreg [dreg:$0x8];
	[sflag:s14] =	ssyncadd.s32 $0xFFFFFFC0  }
0x2e: {  	[tilespmem:s19], [sflag:$0x1] =	stream.linear.gather [hbm4b:s1+s2], $0x40, $0x38;
	[tilespmem:$0x900] =	vst v63  }
0x2f: {  	_ =	swait.ge [sflag:s14], $0x40  }
0x30: {  	[sflag:s14] =	ssyncset.done $0x0  }
0x31: {  	s1 =	rddreg [dreg:$0x9];
	[sflag:s14] =	ssyncadd.s32 $0xFFFFFFC0  }
0x32: {  	[tilespmem:s20], [sflag:$0x1] =	stream.linear.gather [hbm4b:s1+s2], $0x40, $0x38;
	[tilespmem:$0x900] =	vst v63  }
0x33: {  	_ =	swait.ge [sflag:s14], $0x40  }
0x34: {  	[sflag:s14] =	ssyncset.done $0x0  }
0x35: {  	s1 =	rddreg [dreg:$0xa];
	[sflag:s14] =	ssyncadd.s32 $0xFFFFFFC0  }
0x36: {  	[tilespmem:s21], [sflag:$0x1] =	stream.linear.gather [hbm4b:s1+s2], $0x40, $0x38;
	[tilespmem:$0x900] =	vst v63  }
0x37: {  	_ =	swait.ge [sflag:s14], $0x40  }
0x38: {  	[sflag:s14] =	ssyncset.done $0x0  }
0x39: {  	[sflag:s14] =	ssyncadd.s32 $0xFFFFFFC0  }
0x3a: {  	v3 =	vld [tilespmem:$0x0]  }
0x3b: {  	v4 =	vld [tilespmem:$0x80];
	_ =	sdelay $0x1  }
0x3c: {  	v5 =	vld [tilespmem:$0x100];
	_ =	sdelay $0x1  }
0x3d: {  	v6 =	vld [tilespmem:$0x180]  }
0x3e: {  	vm0 =	vgt.f32 v4, v3  }
0x3f: {  	v7 =	vld [tilespmem:$0x200];
	v8 =	vsel vm0, v4, v3  }
0x40: {  	vm1 =	vgt.f32 v5, v8  }
0x41: {  	v9 =	vld [tilespmem:$0x280];
	v8 =	vsel vm1, v5, v8  }
0x42: {  	vm2 =	vgt.f32 v6, v8  }
0x43: {  	v10 =	vld [tilespmem:$0x300];
	v8 =	vsel vm2, v6, v8  }
0x44: {  	vm3 =	vgt.f32 v7, v8  }
0x45: {  	v0 =	vimm.s32 $0x0;
	v11 =	vld [tilespmem:$0x380];
	v8 =	vsel vm3, v7, v8  }
0x46: {  	v12 =	vsel vm0, $0x1, v0;
	vm4 =	vgt.f32 v9, v8  }
0x47: {  	v12 =	vsel vm1, $0x2, v12;
	v8 =	vsel vm4, v9, v8  }
0x48: {  	v12 =	vsel vm2, $0x3, v12;
	vm0 =	vgt.f32 v10, v8  }
0x49: {  	v12 =	vsel vm3, $0x4, v12;
	v13 =	vsel vm0, v10, v8  }
0x4a: {  	v37 =	vsel vm4, $0x5, v12;
	vm14 =	vgt.f32 v11, v13  }
0x4b: {  	v8 =	vsel vm0, $0x6, v37;
	vm2 =	vmneg vm14  }
0x4c: {  	vm15 =	vlt.f32 v3, $-Inf;
	vm6 =	vgt.f32 v3, $-Inf;
	v8 =	vnsel vm2, $0x7, v8  }
0x4d: {  	vm1 =	vmor vm6, vm15;
	vm7 =	vne.s32 v8, $0x0  }
0x4e: {  	vm1 =	vmand vm1, vm7  }
0x4f: {  	v38 =	vnsel vm1, $0xFF800000, v3  }
0x50: {  	vm8 =	vne.s32 v8, $0x1;
	vm1 =	vgt.f32 v4, v38  }
0x51: {  	vm3 =	vmand vm8, vm1  }
0x52: {  	v12 =	vsel vm3, v4, v38  }
0x53: {  	vm10 =	vne.s32 v8, $0x2;
	vm9 =	vgt.f32 v5, v12  }
0x54: {  	vm7 =	vmand vm10, vm9  }
0x55: {  	v12 =	vsel vm7, v5, v12  }
0x56: {  	vm12 =	vne.s32 v8, $0x3;
	vm11 =	vgt.f32 v6, v12  }
0x57: {  	vm8 =	vmand vm12, vm11  }
0x58: {  	v12 =	vsel vm8, v6, v12  }
0x59: {  	vm14 =	vne.s32 v8, $0x4;
	vm13 =	vgt.f32 v7, v12  }
0x5a: {  	vm12 =	vmand vm14, vm13  }
0x5b: {  	v12 =	vsel vm12, v7, v12  }
0x5c: {  	vm9 =	vne.s32 v8, $0x5;
	vm15 =	vgt.f32 v9, v12  }
0x5d: {  	vm13 =	vmand vm9, vm15  }
0x5e: {  	v12 =	vsel vm13, v9, v12  }
0x5f: {  	vm10 =	vgt.f32 v10, v12  }
0x60: {  	vm1 =	vmand vm0, vm2;
	vm11 =	vmneg vm10  }
0x61: {  	vm5 =	vmor vm1, vm11  }
0x62: {  	v12 =	vsel vm5, v12, v10  }
0x63: {  	vm14 =	vgt.f32 v11, v12  }
0x64: {  	vm4 =	vmand vm2, vm14  }
0x65: {  	v13 =	vsel vm2, v13, v11;
	v12 =	vsel vm4, v11, v12  }
0x66: {  	v12 =	vsub.f32 v12, v13;
	_ =	sdelay $0x1  }
0x67: {  	v12 =	vmul.f32 $1.442695020e+00, v12;
	_ =	sdelay $0x1  }
0x68: {  	(erf) = vpow2.f32 v12;
	_ =	sdelay $0x6  }
0x69: {  	v24 =	vld [tilespmem:$0x10]  }
0x6a: {  	v20 =	vld [tilespmem:$0x90]  }
0x6b: {  	v3 =	vsub.f32 v3, v13;
	v12 =	vpop (erf)  }
0x6c: {  	v23 =	vld [tilespmem:$0x110];
	v4 =	vsub.f32 v4, v13;
	v12 =	vadd.f32 $1.000000000e+00, v12  }
0x6d: {  	v3 =	vmul.f32 $1.442695020e+00, v3  }
0x6e: {  	v22 =	vld [tilespmem:$0x190];
	v0 =	vimm.s32 $0x0;
	v4 =	vmul.f32 $1.442695020e+00, v4;
	(erf) = vrcp.f32 v12  }
0x6f: {  	v5 =	vsub.f32 v5, v13;
	vm15 =	vgt.f32 v20, v24;
	(erf) = vpow2.f32 v3  }
0x70: {  	v14 =	vld [tilespmem:$0x210];
	v41 =	vsub.f32 v7, v13;
	v40 =	vsel vm15, v20, v24;
	v3 =	vsub.f32 v6, v13  }
0x71: {  	v39 =	vmul.f32 $1.442695020e+00, v5;
	vm6 =	vgt.f32 v23, v40;
	(erf) = vpow2.f32 v4  }
0x72: {  	v21 =	vld [tilespmem:$0x290];
	v42 =	vsub.f32 v9, v13;
	v5 =	vsel vm6, v23, v40;
	v3 =	vmul.f32 $1.442695020e+00, v3  }
0x73: {  	v43 =	vsub.f32 v10, v13;
	vm9 =	vgt.f32 v22, v5;
	(erf) = vpow2.f32 v39  }
0x74: {  	v25 =	vld [tilespmem:$0x310];
	v5 =	vsel vm9, v22, v5;
	(erf) = vpow2.f32 v3;
	v3 =	vmul.f32 $1.442695020e+00, v41  }
0x75: {  	v45 =	vsub.f32 v11, v13;
	vm10 =	vgt.f32 v14, v5;
	v4 =	vmul.f32 $1.442695020e+00, v42  }
0x76: {  	v9 =	vld [tilespmem:$0x390];
	v44 =	vsel vm10, v14, v5;
	(erf) = vpow2.f32 v3;
	v3 =	vmul.f32 $1.442695020e+00, v43  }
0x77: {  	v46 =	vsel vm15, $0x1, v0;
	vm11 =	vgt.f32 v21, v44;
	(erf) = vpow2.f32 v4;
	v12 =	vpop (erf)  }
0x78: {  	v4 =	vsel vm11, v21, v44;
	v47 =	vpop (erf);
	(erf) = vpow2.f32 v3;
	v3 =	vsel vm6, $0x2, v46  }
0x79: {  	vm15 =	vgt.f32 v24, $-Inf;
	vm14 =	vgt.f32 v25, v4;
	v3 =	vsel vm9, $0x3, v3  }
0x7a: {  	v5 =	vmul.f32 $1.442695020e+00, v45;
	v4 =	vsel vm14, v25, v4;
	v48 =	vpop (erf);
	v3 =	vsel vm10, $0x4, v3  }
0x7b: {  	v49 =	vadd.f32 v48, v47;
	v3 =	vsel vm11, $0x5, v3;
	vm11 =	vgt.f32 v9, v4  }
0x7c: {  	vm6 =	vlt.f32 v24, $-Inf;
	v18 =	vpop (erf);
	v3 =	vsel vm14, $0x6, v3;
	vm0 =	vmneg vm11  }
0x7d: {  	(erf) = vpow2.f32 v5;
	v50 =	vadd.f32 v49, v18;
	v16 =	vnsel vm0, $0x7, v3  }
0x7e: {  	vm6 =	vmor vm15, vm6;
	v19 =	vpop (erf);
	vm15 =	vne.s32 v16, $0x0  }
0x7f: {  	v3 =	vadd.f32 v50, v19;
	vm6 =	vmand vm6, vm15  }
0x80: {  	v52 =	vsel vm3, $0x1, v0;
	vm3 =	veq.s32 v8, $0x0;
	v30 =	vpop (erf);
	v51 =	vnsel vm6, $0xFF800000, v24  }
0x81: {  	vm15 =	vne.s32 v16, $0x1;
	v3 =	vadd.f32 v3, v30;
	vm6 =	vgt.f32 v20, v51  }
0x82: {  	v1 =	vimm.f32 $1.000000000e+00;
	v15 =	vsel vm3, $0x3F800000, v2;
	v31 =	vpop (erf);
	vm6 =	vmand vm15, vm6  }
0x83: {  	v53 =	vsel vm7, $0x2, v52;
	v3 =	vadd.f32 v3, v31;
	v5 =	vsel vm6, v20, v51  }
0x84: {  	v0 =	vimm.s32 $0x0;
	v26 =	vpop (erf);
	vm15 =	vne.s32 v16, $0x2;
	vm9 =	vgt.f32 v23, v5  }
0x85: {  	v29 =	vsub.f32 $1.000000000e+00, v12;
	v3 =	vadd.f32 v3, v26;
	vm9 =	vmand vm15, vm9  }
0x86: {  	v54 =	vnsel vm3, $0x0, v12;
	v33 =	vsel vm0, v4, v9;
	v10 =	vpop (erf);
	v5 =	vsel vm9, v23, v5  }
0x87: {  	vm11 =	vne.s32 v16, $0x3;
	v3 =	vadd.f32 v3, v10;
	vm15 =	vgt.f32 v22, v5  }
0x88: {  	v0 =	vsel vm0, $0xFFFFFFFF, v0;
	v24 =	vsub.f32 v24, v33;
	vm10 =	vmand vm11, vm15  }
0x89: {  	vm7 =	vmand vm14, vm0;
	(erf) = vrcp.f32 v3;
	v3 =	vsel vm10, v22, v5  }
0x8a: {  	v44 =	vmul.f32 $1.442695020e+00, v24;
	vm11 =	vne.s32 v16, $0x4;
	vm15 =	vgt.f32 v14, v3  }
0x8b: {  	v23 =	vsub.f32 v23, v33;
	v5 =	vsel vm8, $0x3, v53;
	vm11 =	vmand vm11, vm15  }
0x8c: {  	v22 =	vsub.f32 v22, v33;
	v5 =	vsel vm12, $0x4, v5;
	v3 =	vsel vm11, v14, v3  }
0x8d: {  	v5 =	vsel vm13, $0x5, v5;
	vm13 =	vne.s32 v16, $0x5;
	vm12 =	vgt.f32 v21, v3  }
0x8e: {  	v50 =	vmul.f32 $1.442695020e+00, v22;
	v5 =	vnsel vm5, $0x6, v5;
	vm12 =	vmand vm13, vm12  }
0x8f: {  	v14 =	vsub.f32 v14, v33;
	v32 =	vsel vm4, $0x7, v5;
	v3 =	vsel vm12, v21, v3  }
0x90: {  	vm5 =	vmor vm4, vm5;
	vm13 =	veq.s32 v32, $0x0;
	vm15 =	vgt.f32 v25, v3  }
0x91: {  	vm14 =	veq.s32 v32, $0x1;
	v14 =	vmul.f32 $1.442695020e+00, v14;
	vm15 =	vmneg vm15  }
0x92: {  	v55 =	vnsel vm13, $0x0, v29;
	v17 =	vsel vm13, $0x3F800000, v2;
	vm8 =	vmor vm7, vm15  }
0x93: {  	vm13 =	veq.s32 v8, $0x1;
	v58 =	vnsel vm14, $0x0, v29;
	v27 =	vsel vm8, v3, v25  }
0x94: {  	[tilespmem:$0x1FFB0] =	vst v0;
	v28 =	vsel vm14, $0x3F800000, v2;
	v0 =	vadd.f32 v55, v54;
	vm3 =	vgt.f32 v9, v27  }
0x95: {  	v13 =	vadd.f32 v17, v15;
	v57 =	vnsel vm13, $0x0, v12;
	vm3 =	vmand vm0, vm3  }
0x96: {  	v60 =	vsel vm13, $0x3F800000, v2;
	vm13 =	veq.s32 v8, $0x2;
	v11 =	vpop (erf);
	v56 =	vsel vm3, v9, v27  }
0x97: {  	v34 =	vadd.f32 v28, v60;
	v7 =	vmul.f32 v11, v47;
	v59 =	vsub.f32 v56, v33  }
0x98: {  	v62 =	vnsel vm13, $0x0, v12;
	v6 =	vmul.f32 v11, v48;
	v18 =	vmul.f32 v11, v18  }
0x99: {  	v60 =	vsel vm5, $0x0, v29;
	v19 =	vmul.f32 v11, v19;
	v61 =	vmul.f32 $1.442695020e+00, v59  }
0x9a: {  	[tilespmem:$0x1FFC0] =	vst v0;
	v0 =	vadd.f32 v58, v57;
	v30 =	vmul.f32 v11, v30;
	v47 =	vmul.f32 $1.442695020e+00, v23  }
0x9b: {  	v55 =	vmul.f32 v11, v31;
	v25 =	vsub.f32 v25, v33;
	(erf) = vpow2.f32 v61  }
0x9c: {  	v58 =	vnsel vm1, $0x0, v12;
	v15 =	vadd.f32 $0.0e+00, v7;
	v17 =	vadd.f32 $0.0e+00, v6  }
0x9d: {  	[tilespmem:$0x1FFD0] =	vst v0;
	v19 =	vadd.f32 $0.0e+00, v19;
	v0 =	vimm.f32 $1.000000000e+00;
	vm0 =	veq.s32 v32, $0x2  }
0x9e: {  	v63 =	vnsel vm0, $0x0, v29;
	v27 =	vsel vm13, $0x3F800000, v2;
	v28 =	vsel vm0, $0x3F800000, v2  }
0x9f: {  	vm13 =	veq.s32 v8, $0x3;
	vm0 =	veq.s32 v32, $0x3;
	v9 =	vsub.f32 v9, v33  }
0xa0: {  	v5 =	vadd.f32 v63, v62;
	v36 =	vadd.f32 v28, v27;
	v35 =	vnsel vm13, $0x0, v12  }
0xa1: {  	v37 =	vnsel vm0, $0x0, v29;
	v27 =	vadd.f32 $0.0e+00, v18;
	v38 =	vsel vm13, $0x3F800000, v2  }
0xa2: {  	v39 =	vsel vm0, $0x3F800000, v2;
	vm13 =	veq.s32 v8, $0x4;
	v56 =	vsub.f32 v21, v33  }
0xa3: {  	vm0 =	veq.s32 v32, $0x4;
	v21 =	vadd.f32 $0.0e+00, v55;
	v6 =	vadd.f32 v37, v35  }
0xa4: {  	v42 =	vsel vm13, $0x3F800000, v2;
	v35 =	vsel vm0, $0x3F800000, v2;
	v37 =	vsub.f32 v20, v33;
	v43 =	vpop (erf)  }
0xa5: {  	v25 =	vmul.f32 $1.442695020e+00, v25;
	v28 =	vadd.f32 v35, v42;
	v35 =	vadd.f32 $1.000000000e+00, v43  }
0xa6: {  	v63 =	vsel vm1, $0x3F800000, v2;
	v18 =	vadd.f32 v39, v38;
	v40 =	vnsel vm13, $0x0, v12  }
0xa7: {  	v52 =	vld [tilespmem:$0xA0];
	v41 =	vnsel vm0, $0x0, v29;
	v45 =	vmul.f32 $1.442695020e+00, v37;
	(erf) = vrcp.f32 v35  }
0xa8: {  	v53 =	vld [tilespmem:$0x20];
	v20 =	vadd.f32 $0.0e+00, v30;
	vm13 =	veq.s32 v8, $0x5;
	(erf) = vpow2.f32 v44  }
0xa9: {  	vm0 =	veq.s32 v32, $0x5;
	v33 =	vsel vm5, $0x0, v0;
	(erf) = vpow2.f32 v45  }
0xaa: {  	v38 =	vmul.f32 v11, v26;
	v0 =	vimm.s32 $0x0;
	(erf) = vpow2.f32 v47  }
0xab: {  	v11 =	vmul.f32 v11, v10;
	v7 =	vadd.f32 v41, v40;
	(erf) = vpow2.f32 v50;
	v50 =	vld [tilespmem:$0x120]  }
0xac: {  	v46 =	vnsel vm13, $0x0, v12;
	v48 =	vnsel vm0, $0x0, v29;
	v49 =	vsel vm13, $0x3F800000, v2  }
0xad: {  	v32 =	vsel vm0, $0x3F800000, v2;
	v57 =	vmul.f32 $1.442695020e+00, v56;
	vm13 =	vgt.f32 v52, v53;
	v43 =	vld [tilespmem:$0x1A0]  }
0xae: {  	v26 =	vadd.f32 v33, v63;
	v12 =	vsel vm2, $0x0, v12;
	v29 =	vnsel vm4, $0x0, v29  }
0xaf: {  	v55 =	vsel vm6, $0x1, v0;
	v37 =	vld [tilespmem:$0x220];
	v59 =	vsel vm13, v52, v53;
	(erf) = vpow2.f32 v14  }
0xb0: {  	v8 =	vadd.f32 v48, v46;
	v22 =	vadd.f32 v32, v49;
	v23 =	vpop (erf);
	vm14 =	vgt.f32 v50, v59  }
0xb1: {  	v39 =	vld [tilespmem:$0x2A0];
	v24 =	vadd.f32 $0.0e+00, v38;
	v32 =	vpop (erf);
	(erf) = vpow2.f32 v57;
	v14 =	vsel vm14, v50, v59  }
0xb2: {  	v3 =	vadd.f32 v29, v12;
	v12 =	vimm.s32 $0x0;
	v35 =	vpop (erf);
	vm1 =	vgt.f32 v43, v14  }
0xb3: {  	v51 =	vld [tilespmem:$0x320];
	v29 =	vsel vm9, $0x2, v55;
	v62 =	vadd.f32 v35, v32;
	v14 =	vsel vm1, v43, v14  }
0xb4: {  	v61 =	vmul.f32 $1.442695020e+00, v9;
	(erf) = vpow2.f32 v25;
	v40 =	vpop (erf);
	vm15 =	vgt.f32 v37, v14  }
0xb5: {  	v46 =	vld [tilespmem:$0x3A0];
	v38 =	vsel vm2, $0x0, v1;
	v4 =	vadd.f32 v62, v40;
	v14 =	vsel vm15, v37, v14  }
0xb6: {  	v47 =	vsel vm13, $0x1, v0;
	(erf) = vpow2.f32 v61;
	v42 =	vpop (erf);
	vm0 =	vgt.f32 v39, v14  }
0xb7: {  	v30 =	vsel vm14, $0x2, v47;
	v25 =	vadd.f32 v4, v42;
	v14 =	vsel vm0, v39, v14  }
0xb8: {  	vm2 =	veq.s32 v16, $0x1;
	v30 =	vsel vm1, $0x3, v30;
	v45 =	vpop (erf);
	vm5 =	vgt.f32 v51, v14  }
0xb9: {  	v48 =	vsel vm15, $0x4, v30;
	v25 =	vadd.f32 v25, v45;
	v41 =	vsel vm5, v51, v14  }
0xba: {  	v11 =	vadd.f32 $0.0e+00, v11;
	v49 =	vsel vm0, $0x5, v48;
	v33 =	vpop (erf);
	vm15 =	vgt.f32 v46, v41  }
0xbb: {  	v14 =	vsel vm5, $0x6, v49;
	v25 =	vadd.f32 v25, v33;
	vm1 =	vmneg vm15  }
0xbc: {  	vm13 =	vlt.f32 v53, $-Inf;
	vm0 =	vgt.f32 v53, $-Inf;
	v14 =	vnsel vm1, $0x7, v14  }
0xbd: {  	v29 =	vsel vm10, $0x3, v29;
	vm13 =	vmor vm0, vm13;
	v30 =	vpop (erf);
	vm0 =	vne.s32 v14, $0x0  }
0xbe: {  	v29 =	vsel vm11, $0x4, v29;
	v54 =	vadd.f32 v25, v30;
	vm15 =	vmand vm13, vm0  }
0xbf: {  	v9 =	vadd.f32 v60, v58;
	v29 =	vsel vm12, $0x5, v29;
	v25 =	vpop (erf);
	v56 =	vnsel vm15, $0xFF800000, v53  }
0xc0: {  	vm0 =	vne.s32 v14, $0x1;
	v31 =	vadd.f32 v54, v25;
	vm6 =	vgt.f32 v52, v56  }
0xc1: {  	v29 =	vnsel vm8, $0x6, v29;
	vm8 =	vmor vm3, vm8;
	vm9 =	vmand vm0, vm6  }
0xc2: {  	v55 =	vsub.f32 $1.000000000e+00, v23;
	(erf) = vrcp.f32 v31;
	v47 =	vsel vm9, v52, v56  }
0xc3: {  	v49 =	vsel vm3, $0x7, v29;
	vm14 =	vne.s32 v14, $0x2;
	vm13 =	vgt.f32 v50, v47  }
0xc4: {  	v44 =	vsel vm4, $0x3F800000, v2;
	vm4 =	veq.s32 v49, $0x0;
	vm12 =	vmand vm14, vm13  }
0xc5: {  	v63 =	vnsel vm2, $0x0, v23;
	v48 =	vnsel vm4, $0x0, v55;
	v57 =	vsel vm12, v50, v47  }
0xc6: {  	vm15 =	veq.s32 v16, $0x0;
	vm13 =	vne.s32 v14, $0x3;
	vm0 =	vgt.f32 v43, v57  }
0xc7: {  	v61 =	vsel vm4, $0x3F800000, v2;
	v58 =	vnsel vm15, $0x0, v23;
	vm10 =	vmand vm13, vm0  }
0xc8: {  	v59 =	vsel vm15, $0x3F800000, v2;
	vm15 =	vne.s32 v14, $0x4;
	v54 =	vsel vm10, v43, v57  }
0xc9: {  	vm6 =	vne.s32 v14, $0x5;
	v31 =	vadd.f32 v44, v38;
	vm14 =	vgt.f32 v37, v54  }
0xca: {  	v47 =	vadd.f32 v13, v59;
	vm0 =	veq.s32 v49, $0x1;
	vm11 =	vmand vm15, vm14  }
0xcb: {  	v13 =	vadd.f32 v48, v58;
	v4 =	vnsel vm0, $0x0, v55;
	v38 =	vpop (erf);
	v62 =	vsel vm11, v37, v54  }
0xcc: {  	v60 =	vmul.f32 v38, v32;
	v32 =	vadd.f32 v61, v47;
	vm4 =	vgt.f32 v39, v62  }
0xcd: {  	v61 =	vsel vm0, $0x3F800000, v2;
	v56 =	vmul.f32 v38, v35;
	v40 =	vmul.f32 v38, v40  }
0xce: {  	vm0 =	veq.s32 v49, $0x2;
	v45 =	vmul.f32 v38, v45;
	v33 =	vmul.f32 v38, v33  }
0xcf: {  	vm15 =	vmand vm6, vm4;
	vm6 =	vmand vm5, vm1;
	v57 =	vsel vm0, $0x3F800000, v2  }
0xd0: {  	v29 =	vadd.f32 v60, v15;
	v60 =	vsel vm2, $0x3F800000, v2;
	v54 =	vsel vm15, v39, v62  }
0xd1: {  	v15 =	vadd.f32 v4, v63;
	v34 =	vadd.f32 v34, v60;
	vm14 =	vgt.f32 v51, v54  }
0xd2: {  	v4 =	vnsel vm0, $0x0, v55;
	vm0 =	veq.s32 v49, $0x3;
	vm2 =	vmneg vm14  }
0xd3: {  	v35 =	vadd.f32 v61, v34;
	vm5 =	vmor vm6, vm2;
	vm2 =	veq.s32 v16, $0x2  }
0xd4: {  	v34 =	vadd.f32 v56, v17;
	v62 =	vsel vm5, v54, v51;
	v63 =	vnsel vm2, $0x0, v23  }
0xd5: {  	v56 =	vsel vm2, $0x3F800000, v2;
	vm2 =	veq.s32 v16, $0x3;
	vm14 =	vgt.f32 v46, v62  }
0xd6: {  	v36 =	vadd.f32 v36, v56;
	v56 =	vsel vm1, v41, v46;
	vm4 =	vmand vm1, vm14  }
0xd7: {  	v60 =	vnsel vm2, $0x0, v23;
	v53 =	vsub.f32 v53, v56;
	v17 =	vsel vm4, v46, v62  }
0xd8: {  	v61 =	vsel vm2, $0x3F800000, v2;
	v50 =	vsub.f32 v50, v56;
	v58 =	vsub.f32 v17, v56  }
0xd9: {  	vm2 =	veq.s32 v16, $0x4;
	v43 =	vsub.f32 v43, v56;
	v37 =	vsub.f32 v37, v56  }
0xda: {  	v39 =	vsub.f32 v39, v56;
	v51 =	vsub.f32 v51, v56;
	v59 =	vmul.f32 $1.442695020e+00, v58  }
0xdb: {  	v41 =	vadd.f32 v57, v36;
	v36 =	vadd.f32 v40, v27;
	v62 =	vnsel vm0, $0x0, v55  }
0xdc: {  	v44 =	vld [tilespmem:$0xB0];
	v57 =	vmul.f32 v38, v42;
	v46 =	vsub.f32 v46, v56;
	(erf) = vpow2.f32 v59  }
0xdd: {  	v40 =	vld [tilespmem:$0x30];
	v17 =	vadd.f32 v4, v63;
	v63 =	vadd.f32 v18, v61;
	v4 =	vsel vm0, $0x3F800000, v2  }
0xde: {  	v18 =	vadd.f32 v62, v60;
	v60 =	vsel vm2, $0x3F800000, v2;
	vm0 =	veq.s32 v49, $0x4  }
0xdf: {  	v47 =	vld [tilespmem:$0x130];
	v61 =	vnsel vm2, $0x0, v23;
	v53 =	vmul.f32 $1.442695020e+00, v53;
	v50 =	vmul.f32 $1.442695020e+00, v50  }
0xe0: {  	vm2 =	veq.s32 v16, $0x5;
	v43 =	vmul.f32 $1.442695020e+00, v43;
	v37 =	vmul.f32 $1.442695020e+00, v37  }
0xe1: {  	v48 =	vld [tilespmem:$0x1B0];
	v39 =	vmul.f32 $1.442695020e+00, v39;
	v27 =	vadd.f32 v57, v19;
	v28 =	vadd.f32 v28, v60  }
0xe2: {  	v62 =	vnsel vm0, $0x0, v55;
	v42 =	vadd.f32 v4, v63;
	vm14 =	vgt.f32 v44, v40  }
0xe3: {  	v63 =	vsel vm0, $0x3F800000, v2;
	vm0 =	veq.s32 v49, $0x5;
	v49 =	vld [tilespmem:$0x230];
	v4 =	vsel vm14, v44, v40  }
0xe4: {  	v57 =	vnsel vm2, $0x0, v23;
	v59 =	vsel vm2, $0x3F800000, v2;
	vm2 =	vgt.f32 v47, v4  }
0xe5: {  	v54 =	vld [tilespmem:$0x2B0];
	v51 =	vmul.f32 $1.442695020e+00, v51;
	v0 =	vadd.f32 v62, v61;
	v16 =	vsel vm2, v47, v4;
	v61 =	vpop (erf)  }
0xe6: {  	v28 =	vadd.f32 v63, v28;
	vm13 =	vgt.f32 v48, v16;
	v61 =	vadd.f32 $1.000000000e+00, v61  }
0xe7: {  	v58 =	vnsel vm0, $0x0, v55;
	v63 =	vsub.f32 v52, v56;
	v52 =	vld [tilespmem:$0x330];
	v16 =	vsel vm13, v48, v16  }
0xe8: {  	v60 =	vsel vm0, $0x3F800000, v2;
	vm0 =	vgt.f32 v49, v16;
	(erf) = vrcp.f32 v61  }
0xe9: {  	v16 =	vsel vm0, v49, v16;
	v61 =	vmul.f32 $1.442695020e+00, v63;
	(erf) = vpow2.f32 v53;
	v53 =	vld [tilespmem:$0x3B0]  }
0xea: {  	v62 =	vnsel vm7, $0x0, v23;
	v19 =	vsel vm14, $0x1, v12;
	vm14 =	vgt.f32 v54, v16  }
0xeb: {  	v16 =	vsel vm14, v54, v16;
	(erf) = vpow2.f32 v61;
	v61 =	vsel vm2, $0x2, v19  }
0xec: {  	v4 =	vsel vm7, $0x3F800000, v2;
	vm7 =	vgt.f32 v52, v16;
	v61 =	vsel vm13, $0x3, v61  }
0xed: {  	v46 =	vmul.f32 $1.442695020e+00, v46;
	v63 =	vsel vm7, v52, v16;
	v61 =	vsel vm0, $0x4, v61  }
0xee: {  	[tilespmem:$0x1FFF0] =	vst v0;
	v0 =	vimm.f32 $1.000000000e+00;
	v61 =	vsel vm14, $0x5, v61;
	vm14 =	vgt.f32 v53, v63  }
0xef: {  	(erf) = vpow2.f32 v50;
	v16 =	vsel vm7, $0x6, v61;
	vm2 =	vmneg vm14  }
0xf0: {  	vm13 =	vgt.f32 v40, $-Inf;
	vm0 =	vlt.f32 v40, $-Inf;
	v16 =	vnsel vm2, $0x7, v16  }
0xf1: {  	v58 =	vadd.f32 v58, v57;
	vm0 =	vmor vm13, vm0;
	vm13 =	vne.s32 v16, $0x0  }
0xf2: {  	v22 =	vadd.f32 v22, v59;
	(erf) = vpow2.f32 v43;
	vm0 =	vmand vm0, vm13  }
0xf3: {  	v59 =	vnsel vm3, $0x0, v55;
	v4 =	vadd.f32 v26, v4;
	v19 =	vnsel vm0, $0xFF800000, v40  }
0xf4: {  	(erf) = vpow2.f32 v37;
	vm13 =	vne.s32 v16, $0x1;
	vm0 =	vgt.f32 v44, v19  }
0xf5: {  	v50 =	vsel vm8, $0x0, v55;
	v61 =	vsel vm8, $0x0, v0;
	v37 =	vpop (erf);
	vm8 =	vmand vm13, vm0  }
0xf6: {  	v1 =	vld [tilespmem:$0x1FFB0];
	[tilespmem:$0x1FFE0] =	vst v3;
	v55 =	vadd.f32 v60, v22;
	v3 =	vpop (erf);
	(erf) = vpow2.f32 v39;
	v43 =	vsel vm8, v44, v19  }
0xf7: {  	v60 =	vadd.f32 v33, v21;
	v39 =	vpop (erf);
	vm13 =	vne.s32 v16, $0x2;
	vm0 =	vgt.f32 v47, v43  }
0xf8: {  	(erf) = vpow2.f32 v51;
	v56 =	vadd.f32 v39, v3;
	vm13 =	vmand vm13, vm0  }
0xf9: {  	vm14 =	vne.s32 v16, $0x3;
	v51 =	vsel vm13, v47, v43;
	v43 =	vadd.f32 v45, v20;
	v20 =	vpop (erf)  }
0xfa: {  	(erf) = vpow2.f32 v46;
	vm0 =	vgt.f32 v48, v51;
	v45 =	vadd.f32 v56, v20  }
0xfb: {  	v33 =	vmul.f32 v38, v30;
	v46 =	vpop (erf);
	vm14 =	vmand vm14, vm0;
	vm0 =	vnez.u8 v1  }
0xfc: {  	v1 =	vsel vm3, $0x3F800000, v2;
	vm3 =	vne.s32 v16, $0x4;
	v45 =	vadd.f32 v45, v46  }
0xfd: {  	v57 =	vpop (erf);
	v23 =	vsel vm0, $0x0, v23;
	v56 =	vsel vm0, $0x0, v0;
	v0 =	vsel vm14, v48, v51  }
0xfe: {  	vm0 =	vgt.f32 v49, v0;
	v22 =	vadd.f32 v45, v57;
	v45 =	vsel vm9, $0x1, v12  }
0xff: {  	v30 =	vadd.f32 v50, v62;
	v50 =	vadd.f32 v33, v24;
	v51 =	vpop (erf);
	vm3 =	vmand vm3, vm0  }
0x100: {  	v61 =	vadd.f32 v61, v4;
	v0 =	vsel vm3, v49, v0;
	v22 =	vadd.f32 v22, v51  }
0x101: {  	v26 =	vsel vm12, $0x2, v45;
	vm12 =	vne.s32 v16, $0x5;
	vm0 =	vgt.f32 v54, v0;
	v45 =	vpop (erf)  }
0x102: {  	v4 =	vsel vm2, v63, v53;
	vm12 =	vmand vm12, vm0;
	v22 =	vadd.f32 v22, v45  }
0x103: {  	v19 =	vimm.f32 $1.000000000e+00;
	v33 =	vadd.f32 v59, v23;
	v10 =	vpop (erf);
	v0 =	vsel vm12, v54, v0  }
0x104: {  	v59 =	vsel vm10, $0x3, v26;
	vm10 =	vgt.f32 v52, v0;
	v24 =	vadd.f32 v22, v10  }
0x105: {  	vm9 =	vmand vm7, vm2;
	v21 =	vsel vm11, $0x4, v59;
	vm0 =	vmneg vm10  }
0x106: {  	v21 =	vsel vm15, $0x5, v21;
	vm7 =	vmor vm9, vm0;
	(erf) = vrcp.f32 v24  }
0x107: {  	vm15 =	veq.s32 v14, $0x0;
	v24 =	vmul.f32 v38, v25;
	v25 =	vsel vm7, v0, v52  }
0x108: {  	v62 =	vadd.f32 v31, v56;
	v31 =	vsel vm15, $0x3F800000, v2;
	vm11 =	vgt.f32 v53, v25  }
0x109: {  	v56 =	vnsel vm15, $0x0, v37;
	v22 =	vadd.f32 v32, v31;
	vm0 =	vmand vm2, vm11  }
0x10a: {  	v0 =	vadd.f32 v1, v62;
	v1 =	vnsel vm5, $0x6, v21;
	v26 =	vsel vm0, v53, v25  }
0x10b: {  	v38 =	vsub.f32 $1.000000000e+00, v37;
	v1 =	vsel vm4, $0x7, v1;
	v21 =	vsub.f32 v26, v4  }
0x10c: {  	vm5 =	vmor vm4, vm5;
	v11 =	vadd.f32 v24, v11;
	vm15 =	veq.s32 v1, $0x0  }
0x10d: {  	vm11 =	veq.s32 v16, $0x1;
	v59 =	vnsel vm15, $0x0, v38;
	v63 =	vmul.f32 $1.442695020e+00, v21  }
0x10e: {  	v62 =	vsel vm15, $0x3F800000, v2;
	vm15 =	veq.s32 v14, $0x1;
	v32 =	vadd.f32 v59, v56  }
0x10f: {  	v31 =	vadd.f32 v62, v22;
	v22 =	vnsel vm15, $0x0, v37;
	(erf) = vpow2.f32 v63;
	v21 =	vpop (erf)  }
0x110: {  	v56 =	vsel vm15, $0x3F800000, v2;
	vm15 =	veq.s32 v1, $0x1;
	v3 =	vmul.f32 v21, v3  }
0x111: {  	v59 =	vnsel vm15, $0x0, v38;
	v62 =	vadd.f32 v35, v56;
	v63 =	vmul.f32 v21, v39  }
0x112: {  	v35 =	vadd.f32 v59, v22;
	v23 =	vadd.f32 v3, v29;
	v3 =	vsel vm15, $0x3F800000, v2  }
0x113: {  	v22 =	vadd.f32 v63, v34;
	vm15 =	veq.s32 v14, $0x2;
	v25 =	vadd.f32 v3, v62  }
0x114: {  	v3 =	vnsel vm15, $0x0, v37;
	v34 =	vsel vm15, $0x3F800000, v2;
	vm15 =	veq.s32 v1, $0x2  }
0x115: {  	v20 =	vmul.f32 v21, v20;
	v39 =	vnsel vm15, $0x0, v38;
	v24 =	vadd.f32 v41, v34  }
0x116: {  	v59 =	vsub.f32 v40, v4;
	v41 =	vadd.f32 v39, v3;
	v3 =	vsel vm15, $0x3F800000, v2  }
0x117: {  	vm15 =	veq.s32 v14, $0x3;
	v26 =	vadd.f32 v3, v24;
	v24 =	vadd.f32 v20, v36  }
0x118: {  	v3 =	vnsel vm15, $0x0, v37;
	v20 =	vsel vm15, $0x3F800000, v2;
	vm15 =	veq.s32 v1, $0x3;
	v56 =	vpop (erf)  }
0x119: {  	v63 =	vsub.f32 v44, v4;
	v62 =	vnsel vm15, $0x0, v38;
	v29 =	vadd.f32 $1.000000000e+00, v56  }
0x11a: {  	v44 =	vadd.f32 v62, v3;
	v3 =	vadd.f32 v42, v20;
	v42 =	vmul.f32 $1.442695020e+00, v59  }
0x11b: {  	v56 =	vmul.f32 $1.442695020e+00, v63;
	v62 =	vsel vm15, $0x3F800000, v2;
	vm15 =	veq.s32 v14, $0x4  }
0x11c: {  	v59 =	vsub.f32 v47, v4;
	v20 =	vsel vm4, $0x3F800000, v2;
	v39 =	vnsel vm15, $0x0, v37  }
0x11d: {  	v40 =	vsel vm15, $0x3F800000, v2;
	vm15 =	veq.s32 v1, $0x4;
	(erf) = vrcp.f32 v29  }
0x11e: {  	v63 =	vmul.f32 $1.442695020e+00, v59;
	v29 =	vadd.f32 v62, v3;
	v3 =	vmul.f32 v21, v46  }
0x11f: {  	v59 =	vsub.f32 v52, v4;
	(erf) = vpow2.f32 v42;
	v42 =	vsub.f32 v48, v4  }
0x120: {  	v46 =	vsel vm15, $0x3F800000, v2;
	v48 =	vsub.f32 v49, v4;
	v49 =	vsub.f32 v54, v4  }
0x121: {  	(erf) = vpow2.f32 v56;
	v62 =	vmul.f32 $1.442695020e+00, v59;
	v59 =	vsel vm6, $0x3F800000, v2  }
0x122: {  	v52 =	vld [tilespmem:$0x1FFC0];
	(erf) = vpow2.f32 v63;
	v47 =	vmul.f32 $1.442695020e+00, v42;
	v42 =	vnsel vm15, $0x0, v38  }
0x123: {  	v54 =	vmul.f32 $1.442695020e+00, v48;
	vm15 =	veq.s32 v14, $0x5;
	v56 =	vmul.f32 $1.442695020e+00, v49  }
0x124: {  	v14 =	vadd.f32 v3, v27;
	v3 =	vadd.f32 v28, v40;
	v48 =	vsel vm15, $0x3F800000, v2  }
0x125: {  	v39 =	vadd.f32 v42, v39;
	(erf) = vpow2.f32 v47;
	v47 =	vnsel vm15, $0x0, v37  }
0x126: {  	vm15 =	veq.s32 v1, $0x5;
	v1 =	vsub.f32 v53, v4;
	v3 =	vadd.f32 v46, v3  }
0x127: {  	[tilespmem:$0x400] =	vst v52;
	v52 =	vsel vm8, $0x1, v12;
	vm8 =	veq.s32 v16, $0x0;
	(erf) = vpow2.f32 v54  }
0x128: {  	[tilespmem:$0x500] =	vst v5;
	v49 =	vnsel vm15, $0x0, v38;
	v63 =	vsel vm15, $0x3F800000, v2;
	v54 =	vld [tilespmem:$0x1FFD0];
	v1 =	vmul.f32 $1.442695020e+00, v1  }
0x129: {  	[tilespmem:$0x580] =	vst v6;
	vm15 =	veq.s32 v16, $0x3;
	v36 =	vpop (erf);
	(erf) = vpow2.f32 v56;
	v56 =	vmul.f32 v21, v57  }
0x12a: {  	[tilespmem:$0x600] =	vst v7;
	v57 =	vnsel vm6, $0x0, v37;
	v34 =	vpop (erf);
	(erf) = vpow2.f32 v62;
	v62 =	vadd.f32 v55, v48  }
0x12b: {  	[tilespmem:$0x680] =	vst v8;
	v48 =	vsel vm5, $0x0, v38;
	v55 =	vsel vm13, $0x2, v52;
	vm13 =	veq.s32 v16, $0x2  }
0x12c: {  	[tilespmem:$0x520] =	vst v41;
	v41 =	vsel vm2, $0x0, v36;
	v27 =	vpop (erf);
	(erf) = vpow2.f32 v1;
	v4 =	vadd.f32 v56, v43  }
0x12d: {  	[tilespmem:$0x480] =	vst v54;
	v43 =	vadd.f32 v49, v47;
	v49 =	vsel vm5, $0x0, v19;
	v54 =	vadd.f32 v48, v57  }
0x12e: {  	[tilespmem:$0x700] =	vst v9;
	v56 =	vsel vm14, $0x3, v55;
	v57 =	vmul.f32 v21, v45;
	v19 =	vsel vm1, $0x0, v19  }
0x12f: {  	[tilespmem:$0x410] =	vst v13;
	v46 =	vnsel vm13, $0x0, v36;
	v48 =	vsel vm11, $0x3F800000, v2;
	v53 =	vadd.f32 v27, v34  }
0x130: {  	[tilespmem:$0x490] =	vst v15;
	v6 =	vadd.f32 v63, v62;
	v63 =	vmul.f32 v21, v51;
	v51 =	vadd.f32 v61, v59  }
0x131: {  	[tilespmem:$0x510] =	vst v17;
	v59 =	vsel vm1, $0x0, v37;
	v37 =	vsub.f32 $1.000000000e+00, v36;
	v0 =	vadd.f32 v0, v19  }
0x132: {  	[tilespmem:$0x590] =	vst v18;
	v28 =	vpop (erf);
	v13 =	vsel vm3, $0x4, v56;
	v25 =	vadd.f32 v25, v48;
	v15 =	vadd.f32 v57, v50  }
0x133: {  	[tilespmem:$0x690] =	vst v58;
	v13 =	vsel vm12, $0x5, v13;
	v50 =	vsel vm13, $0x3F800000, v2;
	v1 =	vadd.f32 v53, v28  }
0x134: {  	[tilespmem:$0x710] =	vst v30;
	vm13 =	veq.s32 v16, $0x5;
	v57 =	vsel vm15, $0x3F800000, v2;
	v40 =	vpop (erf);
	v7 =	vadd.f32 v63, v60  }
0x135: {  	[tilespmem:$0x790] =	vst v33;
	v9 =	vadd.f32 v49, v51;
	v60 =	vnsel vm4, $0x0, v38;
	v1 =	vadd.f32 v1, v40  }
0x136: {  	[tilespmem:$0x420] =	vst v32;
	v13 =	vnsel vm7, $0x6, v13;
	v63 =	vsel vm8, $0x3F800000, v2;
	v38 =	vnsel vm11, $0x0, v36;
	v5 =	vpop (erf)  }
0x137: {  	[tilespmem:$0x4A0] =	vst v35;
	v61 =	vld [tilespmem:$0x1FFF0];
	v51 =	vnsel vm15, $0x0, v36;
	vm11 =	veq.s32 v16, $0x4;
	v1 =	vadd.f32 v1, v5  }
0x138: {  	[tilespmem:$0x5A0] =	vst v44;
	v58 =	vnsel vm13, $0x0, v36;
	vm15 =	vmor vm0, vm7;
	v0 =	vadd.f32 v20, v0;
	v42 =	vpop (erf)  }
0x139: {  	[tilespmem:$0x6A0] =	vst v43;
	v53 =	vld [tilespmem:$0x1FFE0];
	v43 =	vnsel vm0, $0x0, v37;
	v48 =	vadd.f32 v26, v50;
	v1 =	vadd.f32 v1, v42  }
0x13a: {  	[tilespmem:$0x620] =	vst v39;
	v16 =	vadd.f32 v29, v57;
	v17 =	vadd.f32 v60, v59;
	v13 =	vsel vm0, $0x7, v13;
	v8 =	vpop (erf)  }
0x13b: {  	[tilespmem:$0x720] =	vst v54;
	v30 =	vadd.f32 v31, v63;
	vm12 =	veq.s32 v13, $0x1;
	v1 =	vadd.f32 v1, v8  }
0x13c: {  	vm10 =	veq.s32 v13, $0x0;
	vm14 =	veq.s32 v13, $0x2;
	[tilespmem:$0x610] =	vst v61;
	v45 =	vnsel vm12, $0x0, v37;
	v18 =	vpop (erf)  }
0x13d: {  	v47 =	vnsel vm14, $0x0, v37;
	[tilespmem:$0x7A0] =	vst v17;
	v32 =	vadd.f32 v45, v38;
	v1 =	vadd.f32 v1, v18  }
0x13e: {  	v62 =	vnsel vm10, $0x0, v37;
	v31 =	vsel vm10, $0x3F800000, v2;
	v33 =	vadd.f32 v47, v46;
	[tilespmem:$0x780] =	vst v53  }
0x13f: {  	v49 =	vsel vm12, $0x3F800000, v2;
	v30 =	vadd.f32 v31, v30;
	[tilespmem:$0x4B0] =	vst v32;
	(erf) = vrcp.f32 v1  }
0x140: {  	vm12 =	veq.s32 v13, $0x4;
	v56 =	vsel vm14, $0x3F800000, v2;
	v47 =	vadd.f32 v49, v25;
	[tilespmem:$0x530] =	vst v33  }
0x141: {  	v54 =	vnsel vm12, $0x0, v37;
	v50 =	vadd.f32 v56, v48;
	[tilespmem:$0x800] =	vst v30;
	v1 =	vnsel vm8, $0x0, v36  }
0x142: {  	v53 =	vnsel vm11, $0x0, v36;
	[tilespmem:$0x810] =	vst v47;
	vm8 =	veq.s32 v13, $0x3;
	v1 =	vadd.f32 v62, v1  }
0x143: {  	v60 =	vnsel vm9, $0x0, v36;
	v55 =	vadd.f32 v54, v53;
	[tilespmem:$0x820] =	vst v50;
	v52 =	vnsel vm8, $0x0, v37  }
0x144: {  	vm14 =	veq.s32 v13, $0x5;
	v61 =	vsel vm15, $0x0, v37;
	[tilespmem:$0x430] =	vst v1;
	v1 =	vadd.f32 v52, v51  }
0x145: {  	v59 =	vnsel vm14, $0x0, v37;
	[tilespmem:$0x630] =	vst v55;
	v62 =	vadd.f32 v61, v60;
	v45 =	vsel vm8, $0x3F800000, v2  }
0x146: {  	v52 =	vsel vm11, $0x3F800000, v2;
	[tilespmem:$0x5B0] =	vst v1;
	v1 =	vadd.f32 v59, v58;
	v59 =	vimm.f32 $1.000000000e+00  }
0x147: {  	v16 =	vadd.f32 v45, v16;
	[tilespmem:$0x730] =	vst v62;
	v3 =	vadd.f32 v3, v52;
	v61 =	vsel vm2, $0x0, v59  }
0x148: {  	v54 =	vsel vm12, $0x3F800000, v2;
	[tilespmem:$0x6B0] =	vst v1;
	v1 =	vadd.f32 v43, v41;
	v0 =	vadd.f32 v0, v61;
	v63 =	vpop (erf)  }
0x149: {  	v62 =	vsel vm0, $0x3F800000, v2;
	[tilespmem:$0x830] =	vst v16;
	v3 =	vadd.f32 v54, v3;
	v44 =	vmul.f32 v63, v34  }
0x14a: {  	v10 =	vmul.f32 v21, v10;
	[tilespmem:$0x7B0] =	vst v1;
	v0 =	vadd.f32 v62, v0;
	v1 =	vmul.f32 v63, v27  }
0x14b: {  	[tilespmem:$0x840] =	vst v3;
	v49 =	vmul.f32 v63, v28;
	v46 =	vadd.f32 v44, v23  }
0x14c: {  	v10 =	vadd.f32 v10, v11;
	v51 =	vmul.f32 v63, v40;
	[tilespmem:$0x870] =	vst v0;
	v1 =	vadd.f32 v1, v22  }
0x14d: {  	v57 =	vsel vm9, $0x3F800000, v2;
	v5 =	vmul.f32 v63, v5;
	v53 =	vadd.f32 v49, v24;
	[tilespmem:$0x880] =	vst v46  }
0x14e: {  	v55 =	vsel vm14, $0x3F800000, v2;
	v56 =	vmul.f32 v63, v42;
	v12 =	vadd.f32 v51, v14;
	[tilespmem:$0x890] =	vst v1  }
0x14f: {  	v4 =	vadd.f32 v5, v4;
	v5 =	vadd.f32 v9, v57;
	v1 =	vsel vm13, $0x3F800000, v2;
	[tilespmem:$0x8A0] =	vst v53  }
0x150: {  	v3 =	vsel vm15, $0x0, v59;
	v58 =	vadd.f32 v56, v7;
	[tilespmem:$0x8B0] =	vst v12;
	v1 =	vadd.f32 v6, v1  }
0x151: {  	v60 =	vmul.f32 v63, v8;
	v63 =	vmul.f32 v63, v18;
	[tilespmem:$0x8C0] =	vst v4;
	v3 =	vadd.f32 v3, v5  }
0x152: {  	[tilespmem:$0x8D0] =	vst v58;
	v1 =	vadd.f32 v55, v1  }
0x153: {  	[tilespmem:$0x860] =	vst v3;
	v3 =	vadd.f32 v63, v10  }
0x154: {  	[tilespmem:$0x850] =	vst v1;
	v1 =	vadd.f32 v60, v15  }
0x155: {  	[tilespmem:$0x8F0] =	vst v3  }
0x156: {  	[tilespmem:$0x8E0] =	vst v1  }
0x157: {  	[hbm4b:s3+s2] =	stream.linear.scatter [tilespmem:s22], [sflag:$0x1], $0x40, $0x38;
	[tilespmem:$0x900] =	vst v63  }
0x158: {  	_ =	swait.ge [sflag:s14], $0x40  }
0x159: {  	[sflag:s14] =	ssyncset.done $0x0  }
0x15a: {  	[sflag:s14] =	ssyncadd.s32 $0xFFFFFFC0  }
0x15b: {  	[hbm4b:s4+s2] =	stream.linear.scatter [tilespmem:s23], [sflag:$0x1], $0x40, $0x38;
	[tilespmem:$0x900] =	vst v63  }
0x15c: {  	_ =	swait.ge [sflag:s14], $0x40  }
0x15d: {  	[sflag:s14] =	ssyncset.done $0x0  }
0x15e: {  	[sflag:s14] =	ssyncadd.s32 $0xFFFFFFC0  }
0x15f: {  	[hbm4b:s5+s2] =	stream.linear.scatter [tilespmem:s24], [sflag:$0x1], $0x40, $0x38;
	[tilespmem:$0x900] =	vst v63  }
0x160: {  	_ =	swait.ge [sflag:s14], $0x40  }
0x161: {  	[sflag:s14] =	ssyncset.done $0x0  }
0x162: {  	[sflag:s14] =	ssyncadd.s32 $0xFFFFFFC0  }
0x163: {  	[hbm4b:s6+s2] =	stream.linear.scatter [tilespmem:s25], [sflag:$0x1], $0x40, $0x38;
	[tilespmem:$0x900] =	vst v63  }
0x164: {  	_ =	swait.ge [sflag:s14], $0x40  }
0x165: {  	[sflag:s14] =	ssyncset.done $0x0  }
0x166: {  	[sflag:s14] =	ssyncadd.s32 $0xFFFFFFC0  }
0x167: {  	[hbm4b:s7+s2] =	stream.linear.scatter [tilespmem:s26], [sflag:$0x1], $0x40, $0x38;
	[tilespmem:$0x900] =	vst v63  }
0x168: {  	_ =	swait.ge [sflag:s14], $0x40  }
0x169: {  	[sflag:s14] =	ssyncset.done $0x0  }
0x16a: {  	[sflag:s14] =	ssyncadd.s32 $0xFFFFFFC0  }
0x16b: {  	[hbm4b:s8+s2] =	stream.linear.scatter [tilespmem:s28], [sflag:$0x1], $0x40, $0x38;
	[tilespmem:$0x900] =	vst v63  }
0x16c: {  	_ =	swait.ge [sflag:s14], $0x40  }
0x16d: {  	[sflag:s14] =	ssyncset.done $0x0  }
0x16e: {  	[sflag:s14] =	ssyncadd.s32 $0xFFFFFFC0  }
0x16f: {  	[hbm4b:s9+s2] =	stream.linear.scatter [tilespmem:s29], [sflag:$0x1], $0x40, $0x38;
	[tilespmem:$0x900] =	vst v63  }
0x170: {  	_ =	swait.ge [sflag:s14], $0x40  }
0x171: {  	[sflag:s14] =	ssyncset.done $0x0  }
0x172: {  	[sflag:s14] =	ssyncadd.s32 $0xFFFFFFC0  }
0x173: {  	[hbm4b:s10+s2] =	stream.linear.scatter [tilespmem:s30], [sflag:$0x1], $0x40, $0x38;
	[tilespmem:$0x900] =	vst v63  }
0x174: {  	_ =	swait.ge [sflag:s14], $0x40  }
0x175: {  	[sflag:s14] =	ssyncset.done $0x0  }
0x176: {  	[sflag:s14] =	ssyncadd.s32 $0xFFFFFFC0  }
0x177: {  	[hbm4b:s11+s2] =	stream.linear.scatter [tilespmem:s31], [sflag:$0x1], $0x80, $0x38;
	[tilespmem:$0x900] =	vst v63  }
0x178: {  	_ =	swait.ge [sflag:s14], $0x80  }
0x179: {  	p0 =	sne.s32 s13, $0x1;
	[sflag:s14] =	ssyncset.done $0x0  }
.Ltmp0:
0x17a: {  	[sflag:s14] =	ssyncadd.s32 $0xFFFFFF80;
	(pc) =	sbr.rel @p0 .LBB2_1-.Ltmp0, $4  }
0x17b: {  	[hbm4b:s12+s2] =	stream.linear.scatter [tilespmem:s0], [sflag:$0x1], $0x80, $0x38;
	[tilespmem:$0x900] =	vst v63  }
0x17c: {  	_ =	swait.ge [sflag:s14], $0x80  }
0x17d: {  	[sflag:s14] =	ssyncset.done $0x0  }
0x17e: {  	s13 =	sadd.s32 $0xFFFFFFFF, s13;
	[sflag:s14] =	ssyncadd.s32 $0xFFFFFF80  }
0x17f: {  	_ =	sfence.sel $0x180000  }
0x180: {  	[bflag:$0x0] =	sbarrier.arrive $0xFFFF  }
0x181: {  	_ =	strace $0x90000047  }
0x182: {  	s0 =	stileid.u32;
	[bflag:$0x2] =	sbarrier.arrive $0xFFFF  }
0x183: {  	p0 =	sne.s32 s0, $0x0;
	s0 =	rddreg [dreg:$0x2]  }
0x184: {  	s0 =	sadd.s32 @!p0 $0x100000, s0  }
0x185: {  	[sflag:s0] =	ssyncadd.tile.s32 @!p0 $0x1;
	_ =	shalt  }
.Lfunc_end2:
_tile_overlayer_lowered:
.L_overlay_start_2:
0x186: {  	(tag) =	ssettag $0x2  }
0x187: {  	s0 =	rddreg [dreg:$0x0];
	s2 =	stileid.u32  }
0x188: {  	s1 =	rddreg [dreg:$0x1];
	p0 =	sne.s32 s2, $0x0  }
0x189: {  	s3 =	rddreg [dreg:$0x2];
	[bflag:$0x3] =	sbarrier.arrive $0xFFFF;
	s2 =	simm.s32 @!p0 $0x1C01  }
0x18a: {  	[timem:s3], [sflag:s2] =	dma.local @!p0 [hbm:s0], s1  }
0x18b: {  	s0 =	simm.s32 @!p0 $0x1  }
0x18c: {  	_ =	swait.ge @!p0 [sflag:s0], s1  }
0x18d: {  	s1 =	ssub.s32 @!p0 $0x0, s1;
	[sflag:s0] =	ssyncset.done @!p0 $0x0  }
0x18e: {  	[sflag:s0] =	ssyncadd.s32 @!p0 s1  }
0x18f: {  	[bflag:$0x3] =	sbarrier.arrive $0xFFFF  }
0x190: {  	_ =	shalt  }

</sc_bundles>
